<compile_context>
chip_gen: v7x
topology: tpu7x:2x2x1
jax: 0.10.2.dev20260603
libtpu: 0.0.44.dev20260713+nightly
codegen_flags: <defaults>
</compile_context>

<pallas_src>
import functools

import jax
import jax.numpy as jnp
from jax import lax
from jax.experimental import pallas as pl
from jax.experimental.pallas import tpu as pltpu
from jax.experimental.pallas import tpu_sc as plsc

_VOCAB = 1000
_VPAD = 1024
_HIDDEN = 2048
_BATCH = 4
_SEQ = 4096
_TOKENS = _BATCH * _SEQ
_NUM_WORKERS = 32
_W_SC0 = 936
_W_SC = _VOCAB - _W_SC0
_SC_TROWS = _W_SC // 8
_NCT = _SEQ // 128
_SBLK = 512
_NSBLK = _SEQ // _SBLK


def _sc_table_body(w_ref, emb_ref, b_ref, out_ref):
    out_ref[...] = jnp.pad(
        lax.dot_general(
            w_ref[...], emb_ref[...],
            dimension_numbers=(((1,), (1,)), ((), ())),
            preferred_element_type=jnp.float32,
        ) + b_ref[...],
        ((0, 0), (0, _VPAD - _VOCAB)),
    )


def _build_sc_table(embed_table, lm_w_tail, lm_b_tail):
    return pl.pallas_call(
        _sc_table_body,
        out_shape=jax.ShapeDtypeStruct((_W_SC, _VPAD), jnp.float32),
    )(lm_w_tail, embed_table, lm_b_tail)


_sc_mesh = plsc.VectorSubcoreMesh(core_axis_name="c", subcore_axis_name="s")


@functools.partial(
    pl.kernel,
    mesh=_sc_mesh,
    out_type=jax.ShapeDtypeStruct((_BATCH, _W_SC, _SEQ), jnp.float32),
    scratch_types=[
        pltpu.VMEM((_SEQ,), jnp.int32),
        pltpu.VMEM((8, 8, 128), jnp.float32),
        pltpu.VMEM((_NCT, 8, 128), jnp.float32),
    ],
    compiler_params=pltpu.CompilerParams(needs_layout_passes=False),
)
def _select_sc(tab_hbm, ids_hbm, out_hbm, ids_v, rows_v, strip_v):
    wid = lax.axis_index("s") * 2 + lax.axis_index("c")
    b = wid // _SC_TROWS
    tr = wid % _SC_TROWS
    pltpu.sync_copy(ids_hbm.at[pl.ds(b * _SEQ, _SEQ)], ids_v)
    pltpu.sync_copy(tab_hbm.at[pl.ds(tr * 8, 8)], rows_v)

    @plsc.parallel_loop(0, _SEQ // 16, unroll=2)
    def body(sv):
        idx = plsc.load_gather(ids_v, [sv * 16 + lax.iota(jnp.int32, 16)])
        u_hi = lax.shift_right_logical(idx, 7)
        u_lo = lax.bitwise_and(idx, 127)
        ct_vec = jnp.full((16,), sv // 8, jnp.int32)
        k_vec = (sv % 8) * 16 + lax.iota(jnp.int32, 16)
        for w in range(8):
            w_vec = jnp.full((16,), w, jnp.int32)
            vals = plsc.load_gather(rows_v, [w_vec, u_hi, u_lo])
            plsc.store_scatter(strip_v, [ct_vec, w_vec, k_vec], vals)

    for ct in range(_NCT):
        pltpu.sync_copy(
            strip_v.at[ct],
            out_hbm.at[b, pl.ds(tr * 8, 8), pl.ds(ct * 128, 128)])


def _tableT_body(w_ref, emb_ref, b_ref, out_ref):
    out_ref[...] = (
        lax.dot_general(
            w_ref[...], emb_ref[...],
            dimension_numbers=(((1,), (1,)), ((), ())),
            preferred_element_type=jnp.float32,
        ) + b_ref[...]
    ).astype(jnp.bfloat16)


def _build_tableT(embed_table, lm_w_head, lm_b_head):
    return pl.pallas_call(
        _tableT_body,
        out_shape=jax.ShapeDtypeStruct((_W_SC0, _VOCAB), jnp.bfloat16),
    )(lm_w_head, embed_table, lm_b_head)


def _select_tc_body(ids_ref, tab_ref, sc_ref, out_ref):
    ids = ids_ref[0, 0, :]
    iota_u = lax.broadcasted_iota(jnp.int32, (_VOCAB, _SBLK), 0)
    onehot = (iota_u == ids[None, :]).astype(jnp.bfloat16)
    out_ref[0, :_W_SC0, :] = lax.dot_general(
        tab_ref[...], onehot,
        dimension_numbers=(((1,), (0,)), ((), ())),
        preferred_element_type=jnp.float32,
    )
    out_ref[0, _W_SC0:, :] = sc_ref[0]


_select_tc = pl.pallas_call(
    _select_tc_body,
    grid=(_BATCH, _NSBLK),
    in_specs=[
        pl.BlockSpec((1, 1, _SBLK), lambda b, s: (b, 0, s)),
        pl.BlockSpec((_W_SC0, _VOCAB), lambda b, s: (0, 0)),
        pl.BlockSpec((1, _W_SC, _SBLK), lambda b, s: (b, 0, s)),
    ],
    out_specs=pl.BlockSpec((1, _VOCAB, _SBLK), lambda b, s: (b, 0, s)),
    out_shape=jax.ShapeDtypeStruct((_BATCH, _VOCAB, _SEQ), jnp.float32),
)


def kernel(input_ids, embed_table, gates, lm_w, lm_b):
    del gates
    ids = input_ids.astype(jnp.int32)
    tab_sc = _build_sc_table(
        embed_table, lm_w[_W_SC0:], lm_b[_W_SC0:].reshape(_W_SC, 1))
    sc_strip = _select_sc(tab_sc.reshape(_W_SC, 8, 128), ids.reshape(_TOKENS))
    tab_tc = _build_tableT(
        embed_table, lm_w[:_W_SC0], lm_b[:_W_SC0].reshape(_W_SC0, 1))
    out_t = _select_tc(ids.reshape(_BATCH, 1, _SEQ), tab_tc, sc_strip)
    return out_t.transpose(0, 2, 1)

# --- scband reference (transcript-rebuilt; emitter-appended) ---
"""Pipeline reference for scband-mock-olmo-emodel-25022479466901 (READ-ONLY COPY).

The authoritative reference and input builder live on the scoring server;
editing this copy changes nothing except your own understanding.
"""

import jax, jax.numpy as jnp
import numpy as np

VOCAB = 1000
HIDDEN = 2048
NUM_LAYERS = 4
NUM_EXPERTS = 64
TOP_K = 8
BATCH = 4
SEQ = 4096


def setup_inputs(seed: int = 0) -> dict:
    key = jax.random.key(seed)
    k1, k2, k3, k4, k5 = jax.random.split(key, 5)
    input_ids = jax.random.randint(k1, (BATCH, SEQ), 0, VOCAB, dtype=jnp.int64 if jax.config.jax_enable_x64 else jnp.int32)
    embed_table = jax.random.normal(k2, (VOCAB, HIDDEN), dtype=jnp.float32) * 0.02
    # per-layer router gate weights, stored as [L, HIDDEN, NUM_EXPERTS] so logits = h @ gates[l]
    gates = jax.random.normal(k3, (NUM_LAYERS, HIDDEN, NUM_EXPERTS), dtype=jnp.float32) * 0.02
    lm_w = jax.random.normal(k4, (VOCAB, HIDDEN), dtype=jnp.float32) * 0.02
    lm_b = jax.random.normal(k5, (VOCAB,), dtype=jnp.float32) * 0.02
    return {"input_ids": input_ids, "embed_table": embed_table, "gates": gates, "lm_w": lm_w, "lm_b": lm_b}


def reference(input_ids, embed_table, gates, lm_w, lm_b):
    # embedding lookup
    hidden_states = jnp.take(embed_table, input_ids, axis=0)  # [B, S, H]
    # each MoE layer: router computes routing (logits -> topk -> softmax) but layer output
    # is the identity on hidden_states (faithful to the mock module)
    for l in range(NUM_LAYERS):
        router_logits = hidden_states @ gates[l]  # [B, S, E]
        routing_weights, selected_experts = jax.lax.top_k(router_logits, TOP_K)
        routing_weights = jax.nn.softmax(routing_weights.astype(jnp.float32), axis=-1)
        # output = hidden_states (routing results unused downstream, as in the torch mock)
    logits = hidden_states @ lm_w.T + lm_b  # [B, S, VOCAB]
    return logits

if __name__ == "__main__":
    import jax
    _d = setup_inputs()
    print(jax.jit(kernel)(*tuple(_d.values())))

</pallas_src>

<mosaic_0001>
#map = affine_map<(d0, d1) -> (0, 0, 0)>
#map1 = affine_map<(d0, d1) -> (0)>
module attributes {stable_mosaic.version = 14 : i64} {
  func.func @_select_sc(%arg0: i32, %arg1: i32, %arg2: memref<64x8x128xf32, #tpu.memory_space<hbm>>, %arg3: memref<16384xi32, #tpu.memory_space<hbm>>, %arg4: memref<4x64x4096xf32, #tpu.memory_space<hbm>>, %arg5: memref<4096xi32, #tpu.memory_space<vmem>>, %arg6: memref<8x8x128xf32, #tpu.memory_space<vmem>>, %arg7: memref<32x8x128xf32, #tpu.memory_space<vmem>>) attributes {dimension_semantics = [#tpu.dimension_semantics<core_parallel>, #tpu.dimension_semantics<subcore_parallel>], iteration_bounds = array<i64: 2, 16>, scalar_prefetch = 0 : i64, scratch_operands = 3 : i64, tpu.core_type = #tpu.core_type<sc_vector_subcore>, window_params = [{transform_indices = #map}, {transform_indices = #map1}, {transform_indices = #map}]} {
    %mul3A = arith.constant 2 : i32
    %mul3A_0 = arith.muli %arg1, %mul3A : i32
    %add3A = arith.addi %mul3A_0, %arg0 : i32
    %jit3A = arith.constant 8 : i32
    %div3A = arith.divsi %add3A, %jit3A : i32
    %sign3A = arith.constant 0 : i32
    %sign3A_1 = arith.cmpi sgt, %add3A, %sign3A : i32
    %sign3A_2 = arith.extui %sign3A_1 : i1 to i32
    %sign3A_3 = arith.constant 0 : i32
    %sign3A_4 = arith.cmpi slt, %add3A, %sign3A_3 : i32
    %sign3A_5 = arith.extui %sign3A_4 : i1 to i32
    %sign3A_6 = arith.subi %sign3A_2, %sign3A_5 : i32
    %sign3A_7 = arith.constant 0 : i32
    %sign3A_8 = arith.cmpi sgt, %jit3A, %sign3A_7 : i32
    %sign3A_9 = arith.extui %sign3A_8 : i1 to i32
    %sign3A_10 = arith.constant 0 : i32
    %sign3A_11 = arith.cmpi slt, %jit3A, %sign3A_10 : i32
    %sign3A_12 = arith.extui %sign3A_11 : i1 to i32
    %sign3A_13 = arith.subi %sign3A_9, %sign3A_12 : i32
    %ne3A = arith.cmpi ne, %sign3A_6, %sign3A_13 : i32
    %rem3A = arith.remsi %add3A, %jit3A : i32
    %ne3A_14 = arith.constant 0 : i32
    %ne3A_15 = arith.cmpi ne, %rem3A, %ne3A_14 : i32
    %and3A = arith.andi %ne3A, %ne3A_15 : i1
    %sub3A = arith.constant 1 : i32
    %sub3A_16 = arith.subi %div3A, %sub3A : i32
    %select_n3A = arith.select %and3A, %sub3A_16, %div3A : i32
    %jit3A_17 = arith.constant 8 : i32
    %eq3A = arith.constant 0 : i32
    %eq3A_18 = arith.cmpi eq, %jit3A_17, %eq3A : i32
    %jit3A_19 = arith.constant 1 : i32
    %select_n3A_20 = arith.select %eq3A_18, %jit3A_19, %jit3A_17 : i32
    %rem3A_21 = arith.remsi %add3A, %select_n3A_20 : i32
    %ne3A_22 = arith.constant 0 : i32
    %ne3A_23 = arith.cmpi ne, %rem3A_21, %ne3A_22 : i32
    %lt3A = arith.constant 0 : i32
    %lt3A_24 = arith.cmpi slt, %rem3A_21, %lt3A : i32
    %lt3A_25 = arith.constant 0 : i32
    %lt3A_26 = arith.cmpi slt, %select_n3A_20, %lt3A_25 : i32
    %ne3A_27 = arith.xori %lt3A_24, %lt3A_26 : i1
    %and3A_28 = arith.andi %ne3A_27, %ne3A_23 : i1
    %add3A_29 = arith.addi %rem3A_21, %select_n3A_20 : i32
    %select_n3A_30 = arith.select %and3A_28, %add3A_29, %rem3A_21 : i32
    %mul3A_31 = arith.constant 4096 : i32
    %mul3A_32 = arith.muli %select_n3A, %mul3A_31 : i32
    "tpu.region"() ({
      %run_scoped3A_132 = tpu.sem_alloc : memref<!tpu.dma_semaphore, #tpu.memory_space<semaphore_mem>>
      %dma_start3A = tpu.memref_slice %arg3[%mul3A_32] : memref<16384xi32, #tpu.memory_space<hbm>> -> memref<4096xi32, #tpu.memory_space<hbm>>
      %dma_start3A_133 = tpu.memref_slice %arg3[%mul3A_32] : memref<16384xi32, #tpu.memory_space<hbm>> -> memref<4096xi32, #tpu.memory_space<hbm>>
      tpu.enqueue_dma source(%dma_start3A_133 : memref<4096xi32, #tpu.memory_space<hbm>>) target(%arg5 : memref<4096xi32, #tpu.memory_space<vmem>>) target_semaphore(%run_scoped3A_132 : memref<!tpu.dma_semaphore, #tpu.memory_space<semaphore_mem>>)
      %dma_wait3A = tpu.memref_slice %arg3[%mul3A_32] : memref<16384xi32, #tpu.memory_space<hbm>> -> memref<4096xi32, #tpu.memory_space<hbm>>
      %dma_wait3A_134 = tpu.memref_slice %arg3[%mul3A_32] : memref<16384xi32, #tpu.memory_space<hbm>> -> memref<4096xi32, #tpu.memory_space<hbm>>
      tpu.wait_dma2 semaphore(%run_scoped3A_132 : memref<!tpu.dma_semaphore, #tpu.memory_space<semaphore_mem>>) src(%dma_wait3A_134 : memref<4096xi32, #tpu.memory_space<hbm>>) dst(%arg5 : memref<4096xi32, #tpu.memory_space<vmem>>)
      tpu.yield
    }) : () -> ()
    %mul3A_33 = arith.constant 8 : i32
    %mul3A_34 = arith.muli %select_n3A_30, %mul3A_33 : i32
    "tpu.region"() ({
      %run_scoped3A_132 = tpu.sem_alloc : memref<!tpu.dma_semaphore, #tpu.memory_space<semaphore_mem>>
      %dma_start3A = arith.constant 0 : i32
      %dma_start3A_133 = arith.constant 0 : i32
      %dma_start3A_134 = tpu.memref_slice %arg2[%mul3A_34, %dma_start3A, %dma_start3A_133] : memref<64x8x128xf32, #tpu.memory_space<hbm>> -> memref<8x8x128xf32, #tpu.memory_space<hbm>>
      %dma_start3A_135 = arith.constant 0 : i32
      %dma_start3A_136 = arith.constant 0 : i32
      %dma_start3A_137 = tpu.memref_slice %arg2[%mul3A_34, %dma_start3A_135, %dma_start3A_136] : memref<64x8x128xf32, #tpu.memory_space<hbm>> -> memref<8x8x128xf32, #tpu.memory_space<hbm>>
      tpu.enqueue_dma source(%dma_start3A_137 : memref<8x8x128xf32, #tpu.memory_space<hbm>>) target(%arg6 : memref<8x8x128xf32, #tpu.memory_space<vmem>>) target_semaphore(%run_scoped3A_132 : memref<!tpu.dma_semaphore, #tpu.memory_space<semaphore_mem>>)
      %dma_wait3A = arith.constant 0 : i32
      %dma_wait3A_138 = arith.constant 0 : i32
      %dma_wait3A_139 = tpu.memref_slice %arg2[%mul3A_34, %dma_wait3A, %dma_wait3A_138] : memref<64x8x128xf32, #tpu.memory_space<hbm>> -> memref<8x8x128xf32, #tpu.memory_space<hbm>>
      %dma_wait3A_140 = arith.constant 0 : i32
      %dma_wait3A_141 = arith.constant 0 : i32
      %dma_wait3A_142 = tpu.memref_slice %arg2[%mul3A_34, %dma_wait3A_140, %dma_wait3A_141] : memref<64x8x128xf32, #tpu.memory_space<hbm>> -> memref<8x8x128xf32, #tpu.memory_space<hbm>>
      tpu.wait_dma2 semaphore(%run_scoped3A_132 : memref<!tpu.dma_semaphore, #tpu.memory_space<semaphore_mem>>) src(%dma_wait3A_142 : memref<8x8x128xf32, #tpu.memory_space<hbm>>) dst(%arg6 : memref<8x8x128xf32, #tpu.memory_space<vmem>>)
      tpu.yield
    }) : () -> ()
    %parallel_loop3A = arith.constant 0 : i32
    %parallel_loop3A_35 = arith.constant 256 : i32
    %parallel_loop3A_36 = arith.constant 1 : i32
    scf.for %parallel_loop3A_132 = %parallel_loop3A to %parallel_loop3A_35 step %parallel_loop3A_36  : i32 {
      %parallel_loop3A_133 = arith.constant 16 : i32
      %parallel_loop3A_134 = arith.muli %parallel_loop3A_132, %parallel_loop3A_133 : i32
      %parallel_loop3A_135 = tpu.iota {dimensions = array<i32: 0>} : vector<16xi32>
      %parallel_loop3A_136 = vector.broadcast %parallel_loop3A_134 : i32 to vector<16xi32>
      %parallel_loop3A_137 = arith.addi %parallel_loop3A_136, %parallel_loop3A_135 : vector<16xi32>
      %parallel_loop3A_138 = tpu.vector_load_idx %arg5[%parallel_loop3A_137] : memref<4096xi32, #tpu.memory_space<vmem>>[vector<16xi32>], vector<16xi32>,
      %parallel_loop3A_139 = arith.constant 7 : i32
      %parallel_loop3A_140 = vector.broadcast %parallel_loop3A_139 : i32 to vector<16xi32>
      %parallel_loop3A_141 = arith.shrui %parallel_loop3A_138, %parallel_loop3A_140 : vector<16xi32>
      %parallel_loop3A_142 = arith.constant 127 : i32
      %parallel_loop3A_143 = vector.broadcast %parallel_loop3A_142 : i32 to vector<16xi32>
      %parallel_loop3A_144 = arith.andi %parallel_loop3A_138, %parallel_loop3A_143 : vector<16xi32>
      %parallel_loop3A_145 = arith.constant 8 : i32
      %parallel_loop3A_146 = arith.divsi %parallel_loop3A_132, %parallel_loop3A_145 : i32
      %parallel_loop3A_147 = arith.constant 0 : i32
      %parallel_loop3A_148 = arith.cmpi sgt, %parallel_loop3A_132, %parallel_loop3A_147 : i32
      %parallel_loop3A_149 = arith.extui %parallel_loop3A_148 : i1 to i32
      %parallel_loop3A_150 = arith.constant 0 : i32
      %parallel_loop3A_151 = arith.cmpi slt, %parallel_loop3A_132, %parallel_loop3A_150 : i32
      %parallel_loop3A_152 = arith.extui %parallel_loop3A_151 : i1 to i32
      %parallel_loop3A_153 = arith.subi %parallel_loop3A_149, %parallel_loop3A_152 : i32
      %parallel_loop3A_154 = arith.constant 0 : i32
      %parallel_loop3A_155 = arith.cmpi sgt, %parallel_loop3A_145, %parallel_loop3A_154 : i32
      %parallel_loop3A_156 = arith.extui %parallel_loop3A_155 : i1 to i32
      %parallel_loop3A_157 = arith.constant 0 : i32
      %parallel_loop3A_158 = arith.cmpi slt, %parallel_loop3A_145, %parallel_loop3A_157 : i32
      %parallel_loop3A_159 = arith.extui %parallel_loop3A_158 : i1 to i32
      %parallel_loop3A_160 = arith.subi %parallel_loop3A_156, %parallel_loop3A_159 : i32
      %parallel_loop3A_161 = arith.cmpi ne, %parallel_loop3A_153, %parallel_loop3A_160 : i32
      %parallel_loop3A_162 = arith.remsi %parallel_loop3A_132, %parallel_loop3A_145 : i32
      %parallel_loop3A_163 = arith.constant 0 : i32
      %parallel_loop3A_164 = arith.cmpi ne, %parallel_loop3A_162, %parallel_loop3A_163 : i32
      %parallel_loop3A_165 = arith.andi %parallel_loop3A_161, %parallel_loop3A_164 : i1
      %parallel_loop3A_166 = arith.constant 1 : i32
      %parallel_loop3A_167 = arith.subi %parallel_loop3A_146, %parallel_loop3A_166 : i32
      %parallel_loop3A_168 = arith.select %parallel_loop3A_165, %parallel_loop3A_167, %parallel_loop3A_146 : i32
      %parallel_loop3A_169 = vector.broadcast %parallel_loop3A_168 : i32 to vector<16xi32>
      %parallel_loop3A_170 = arith.constant 8 : i32
      %parallel_loop3A_171 = arith.constant 0 : i32
      %parallel_loop3A_172 = arith.cmpi eq, %parallel_loop3A_170, %parallel_loop3A_171 : i32
      %parallel_loop3A_173 = arith.constant 1 : i32
      %parallel_loop3A_174 = arith.select %parallel_loop3A_172, %parallel_loop3A_173, %parallel_loop3A_170 : i32
      %parallel_loop3A_175 = arith.remsi %parallel_loop3A_132, %parallel_loop3A_174 : i32
      %parallel_loop3A_176 = arith.constant 0 : i32
      %parallel_loop3A_177 = arith.cmpi ne, %parallel_loop3A_175, %parallel_loop3A_176 : i32
      %parallel_loop3A_178 = arith.constant 0 : i32
      %parallel_loop3A_179 = arith.cmpi slt, %parallel_loop3A_175, %parallel_loop3A_178 : i32
      %parallel_loop3A_180 = arith.constant 0 : i32
      %parallel_loop3A_181 = arith.cmpi slt, %parallel_loop3A_174, %parallel_loop3A_180 : i32
      %parallel_loop3A_182 = arith.xori %parallel_loop3A_179, %parallel_loop3A_181 : i1
      %parallel_loop3A_183 = arith.andi %parallel_loop3A_182, %parallel_loop3A_177 : i1
      %parallel_loop3A_184 = arith.addi %parallel_loop3A_175, %parallel_loop3A_174 : i32
      %parallel_loop3A_185 = arith.select %parallel_loop3A_183, %parallel_loop3A_184, %parallel_loop3A_175 : i32
      %parallel_loop3A_186 = arith.constant 16 : i32
      %parallel_loop3A_187 = arith.muli %parallel_loop3A_185, %parallel_loop3A_186 : i32
      %parallel_loop3A_188 = tpu.iota {dimensions = array<i32: 0>} : vector<16xi32>
      %parallel_loop3A_189 = vector.broadcast %parallel_loop3A_187 : i32 to vector<16xi32>
      %parallel_loop3A_190 = arith.addi %parallel_loop3A_189, %parallel_loop3A_188 : vector<16xi32>
      %parallel_loop3A_191 = arith.constant 0 : i32
      %parallel_loop3A_192 = vector.broadcast %parallel_loop3A_191 : i32 to vector<16xi32>
      %parallel_loop3A_193 = tpu.vector_load_idx %arg6[%parallel_loop3A_192, %parallel_loop3A_141, %parallel_loop3A_144] : memref<8x8x128xf32, #tpu.memory_space<vmem>>[vector<16xi32>, vector<16xi32>, vector<16xi32>], vector<16xf32>,
      tpu.vector_store_idx %arg7[%parallel_loop3A_169, %parallel_loop3A_192, %parallel_loop3A_190], %parallel_loop3A_193 : memref<32x8x128xf32, #tpu.memory_space<vmem>>[vector<16xi32>, vector<16xi32>, vector<16xi32>], vector<16xf32>,
      %parallel_loop3A_194 = arith.constant 1 : i32
      %parallel_loop3A_195 = vector.broadcast %parallel_loop3A_194 : i32 to vector<16xi32>
      %parallel_loop3A_196 = tpu.vector_load_idx %arg6[%parallel_loop3A_195, %parallel_loop3A_141, %parallel_loop3A_144] : memref<8x8x128xf32, #tpu.memory_space<vmem>>[vector<16xi32>, vector<16xi32>, vector<16xi32>], vector<16xf32>,
      tpu.vector_store_idx %arg7[%parallel_loop3A_169, %parallel_loop3A_195, %parallel_loop3A_190], %parallel_loop3A_196 : memref<32x8x128xf32, #tpu.memory_space<vmem>>[vector<16xi32>, vector<16xi32>, vector<16xi32>], vector<16xf32>,
      %parallel_loop3A_197 = arith.constant 2 : i32
      %parallel_loop3A_198 = vector.broadcast %parallel_loop3A_197 : i32 to vector<16xi32>
      %parallel_loop3A_199 = tpu.vector_load_idx %arg6[%parallel_loop3A_198, %parallel_loop3A_141, %parallel_loop3A_144] : memref<8x8x128xf32, #tpu.memory_space<vmem>>[vector<16xi32>, vector<16xi32>, vector<16xi32>], vector<16xf32>,
      tpu.vector_store_idx %arg7[%parallel_loop3A_169, %parallel_loop3A_198, %parallel_loop3A_190], %parallel_loop3A_199 : memref<32x8x128xf32, #tpu.memory_space<vmem>>[vector<16xi32>, vector<16xi32>, vector<16xi32>], vector<16xf32>,
      %parallel_loop3A_200 = arith.constant 3 : i32
      %parallel_loop3A_201 = vector.broadcast %parallel_loop3A_200 : i32 to vector<16xi32>
      %parallel_loop3A_202 = tpu.vector_load_idx %arg6[%parallel_loop3A_201, %parallel_loop3A_141, %parallel_loop3A_144] : memref<8x8x128xf32, #tpu.memory_space<vmem>>[vector<16xi32>, vector<16xi32>, vector<16xi32>], vector<16xf32>,
      tpu.vector_store_idx %arg7[%parallel_loop3A_169, %parallel_loop3A_201, %parallel_loop3A_190], %parallel_loop3A_202 : memref<32x8x128xf32, #tpu.memory_space<vmem>>[vector<16xi32>, vector<16xi32>, vector<16xi32>], vector<16xf32>,
      %parallel_loop3A_203 = arith.constant 4 : i32
      %parallel_loop3A_204 = vector.broadcast %parallel_loop3A_203 : i32 to vector<16xi32>
      %parallel_loop3A_205 = tpu.vector_load_idx %arg6[%parallel_loop3A_204, %parallel_loop3A_141, %parallel_loop3A_144] : memref<8x8x128xf32, #tpu.memory_space<vmem>>[vector<16xi32>, vector<16xi32>, vector<16xi32>], vector<16xf32>,
      tpu.vector_store_idx %arg7[%parallel_loop3A_169, %parallel_loop3A_204, %parallel_loop3A_190], %parallel_loop3A_205 : memref<32x8x128xf32, #tpu.memory_space<vmem>>[vector<16xi32>, vector<16xi32>, vector<16xi32>], vector<16xf32>,
      %parallel_loop3A_206 = arith.constant 5 : i32
      %parallel_loop3A_207 = vector.broadcast %parallel_loop3A_206 : i32 to vector<16xi32>
      %parallel_loop3A_208 = tpu.vector_load_idx %arg6[%parallel_loop3A_207, %parallel_loop3A_141, %parallel_loop3A_144] : memref<8x8x128xf32, #tpu.memory_space<vmem>>[vector<16xi32>, vector<16xi32>, vector<16xi32>], vector<16xf32>,
      tpu.vector_store_idx %arg7[%parallel_loop3A_169, %parallel_loop3A_207, %parallel_loop3A_190], %parallel_loop3A_208 : memref<32x8x128xf32, #tpu.memory_space<vmem>>[vector<16xi32>, vector<16xi32>, vector<16xi32>], vector<16xf32>,
      %parallel_loop3A_209 = arith.constant 6 : i32
      %parallel_loop3A_210 = vector.broadcast %parallel_loop3A_209 : i32 to vector<16xi32>
      %parallel_loop3A_211 = tpu.vector_load_idx %arg6[%parallel_loop3A_210, %parallel_loop3A_141, %parallel_loop3A_144] : memref<8x8x128xf32, #tpu.memory_space<vmem>>[vector<16xi32>, vector<16xi32>, vector<16xi32>], vector<16xf32>,
      tpu.vector_store_idx %arg7[%parallel_loop3A_169, %parallel_loop3A_210, %parallel_loop3A_190], %parallel_loop3A_211 : memref<32x8x128xf32, #tpu.memory_space<vmem>>[vector<16xi32>, vector<16xi32>, vector<16xi32>], vector<16xf32>,
      %parallel_loop3A_212 = arith.constant 7 : i32
      %parallel_loop3A_213 = vector.broadcast %parallel_loop3A_212 : i32 to vector<16xi32>
      %parallel_loop3A_214 = tpu.vector_load_idx %arg6[%parallel_loop3A_213, %parallel_loop3A_141, %parallel_loop3A_144] : memref<8x8x128xf32, #tpu.memory_space<vmem>>[vector<16xi32>, vector<16xi32>, vector<16xi32>], vector<16xf32>,
      tpu.vector_store_idx %arg7[%parallel_loop3A_169, %parallel_loop3A_213, %parallel_loop3A_190], %parallel_loop3A_214 : memref<32x8x128xf32, #tpu.memory_space<vmem>>[vector<16xi32>, vector<16xi32>, vector<16xi32>], vector<16xf32>,
    } {sc.loop_unroll_factor = 2 : i64, sc.parallel_access}
    %mul3A_37 = arith.constant 8 : i32
    %mul3A_38 = arith.muli %select_n3A_30, %mul3A_37 : i32
    %run_scoped3A = arith.constant 0 : i32
    "tpu.region"() ({
      %run_scoped3A_132 = tpu.sem_alloc : memref<!tpu.dma_semaphore, #tpu.memory_space<semaphore_mem>>
      %dma_start3A = arith.constant 0 : i32
      %dma_start3A_133 = arith.constant 0 : i32
      %dma_start3A_134 = tpu.memref_slice %arg7[%run_scoped3A, %dma_start3A, %dma_start3A_133] : memref<32x8x128xf32, #tpu.memory_space<vmem>> -> memref<1x8x128xf32, #tpu.memory_space<vmem>>
      %dma_start3A_135 = tpu.memref_squeeze %dma_start3A_134 : memref<1x8x128xf32, #tpu.memory_space<vmem>> -> memref<8x128xf32, #tpu.memory_space<vmem>>
      %dma_start3A_136 = arith.constant 0 : i32
      %dma_start3A_137 = tpu.memref_slice %arg4[%select_n3A, %mul3A_38, %dma_start3A_136] : memref<4x64x4096xf32, #tpu.memory_space<hbm>> -> memref<1x8x128xf32, #tpu.memory_space<hbm>>
      %dma_start3A_138 = tpu.memref_squeeze %dma_start3A_137 : memref<1x8x128xf32, #tpu.memory_space<hbm>> -> memref<8x128xf32, #tpu.memory_space<hbm>>
      %dma_start3A_139 = arith.constant 0 : i32
      %dma_start3A_140 = tpu.memref_slice %arg4[%select_n3A, %mul3A_38, %dma_start3A_139] : memref<4x64x4096xf32, #tpu.memory_space<hbm>> -> memref<1x8x128xf32, #tpu.memory_space<hbm>>
      %dma_start3A_141 = tpu.memref_squeeze %dma_start3A_140 : memref<1x8x128xf32, #tpu.memory_space<hbm>> -> memref<8x128xf32, #tpu.memory_space<hbm>>
      %dma_start3A_142 = arith.constant 0 : i32
      %dma_start3A_143 = arith.constant 0 : i32
      %dma_start3A_144 = tpu.memref_slice %arg7[%run_scoped3A, %dma_start3A_142, %dma_start3A_143] : memref<32x8x128xf32, #tpu.memory_space<vmem>> -> memref<1x8x128xf32, #tpu.memory_space<vmem>>
      %dma_start3A_145 = tpu.memref_squeeze %dma_start3A_144 : memref<1x8x128xf32, #tpu.memory_space<vmem>> -> memref<8x128xf32, #tpu.memory_space<vmem>>
      tpu.enqueue_dma source(%dma_start3A_145 : memref<8x128xf32, #tpu.memory_space<vmem>>) target(%dma_start3A_141 : memref<8x128xf32, #tpu.memory_space<hbm>>) target_semaphore(%run_scoped3A_132 : memref<!tpu.dma_semaphore, #tpu.memory_space<semaphore_mem>>)
      %dma_wait3A = arith.constant 0 : i32
      %dma_wait3A_146 = arith.constant 0 : i32
      %dma_wait3A_147 = tpu.memref_slice %arg7[%run_scoped3A, %dma_wait3A, %dma_wait3A_146] : memref<32x8x128xf32, #tpu.memory_space<vmem>> -> memref<1x8x128xf32, #tpu.memory_space<vmem>>
      %dma_wait3A_148 = tpu.memref_squeeze %dma_wait3A_147 : memref<1x8x128xf32, #tpu.memory_space<vmem>> -> memref<8x128xf32, #tpu.memory_space<vmem>>
      %dma_wait3A_149 = arith.constant 0 : i32
      %dma_wait3A_150 = tpu.memref_slice %arg4[%select_n3A, %mul3A_38, %dma_wait3A_149] : memref<4x64x4096xf32, #tpu.memory_space<hbm>> -> memref<1x8x128xf32, #tpu.memory_space<hbm>>
      %dma_wait3A_151 = tpu.memref_squeeze %dma_wait3A_150 : memref<1x8x128xf32, #tpu.memory_space<hbm>> -> memref<8x128xf32, #tpu.memory_space<hbm>>
      %dma_wait3A_152 = arith.constant 0 : i32
      %dma_wait3A_153 = tpu.memref_slice %arg4[%select_n3A, %mul3A_38, %dma_wait3A_152] : memref<4x64x4096xf32, #tpu.memory_space<hbm>> -> memref<1x8x128xf32, #tpu.memory_space<hbm>>
      %dma_wait3A_154 = tpu.memref_squeeze %dma_wait3A_153 : memref<1x8x128xf32, #tpu.memory_space<hbm>> -> memref<8x128xf32, #tpu.memory_space<hbm>>
      %dma_wait3A_155 = arith.constant 0 : i32
      %dma_wait3A_156 = arith.constant 0 : i32
      %dma_wait3A_157 = tpu.memref_slice %arg7[%run_scoped3A, %dma_wait3A_155, %dma_wait3A_156] : memref<32x8x128xf32, #tpu.memory_space<vmem>> -> memref<1x8x128xf32, #tpu.memory_space<vmem>>
      %dma_wait3A_158 = tpu.memref_squeeze %dma_wait3A_157 : memref<1x8x128xf32, #tpu.memory_space<vmem>> -> memref<8x128xf32, #tpu.memory_space<vmem>>
      tpu.wait_dma2 semaphore(%run_scoped3A_132 : memref<!tpu.dma_semaphore, #tpu.memory_space<semaphore_mem>>) src(%dma_wait3A_158 : memref<8x128xf32, #tpu.memory_space<vmem>>) dst(%dma_wait3A_154 : memref<8x128xf32, #tpu.memory_space<hbm>>)
      tpu.yield
    }) : () -> ()
    %mul3A_39 = arith.constant 8 : i32
    %mul3A_40 = arith.muli %select_n3A_30, %mul3A_39 : i32
    %run_scoped3A_41 = arith.constant 1 : i32
    "tpu.region"() ({
      %run_scoped3A_132 = tpu.sem_alloc : memref<!tpu.dma_semaphore, #tpu.memory_space<semaphore_mem>>
      %dma_start3A = arith.constant 0 : i32
      %dma_start3A_133 = arith.constant 0 : i32
      %dma_start3A_134 = tpu.memref_slice %arg7[%run_scoped3A_41, %dma_start3A, %dma_start3A_133] : memref<32x8x128xf32, #tpu.memory_space<vmem>> -> memref<1x8x128xf32, #tpu.memory_space<vmem>>
      %dma_start3A_135 = tpu.memref_squeeze %dma_start3A_134 : memref<1x8x128xf32, #tpu.memory_space<vmem>> -> memref<8x128xf32, #tpu.memory_space<vmem>>
      %dma_start3A_136 = arith.constant 128 : i32
      %dma_start3A_137 = tpu.memref_slice %arg4[%select_n3A, %mul3A_40, %dma_start3A_136] : memref<4x64x4096xf32, #tpu.memory_space<hbm>> -> memref<1x8x128xf32, #tpu.memory_space<hbm>>
      %dma_start3A_138 = tpu.memref_squeeze %dma_start3A_137 : memref<1x8x128xf32, #tpu.memory_space<hbm>> -> memref<8x128xf32, #tpu.memory_space<hbm>>
      %dma_start3A_139 = arith.constant 128 : i32
      %dma_start3A_140 = tpu.memref_slice %arg4[%select_n3A, %mul3A_40, %dma_start3A_139] : memref<4x64x4096xf32, #tpu.memory_space<hbm>> -> memref<1x8x128xf32, #tpu.memory_space<hbm>>
      %dma_start3A_141 = tpu.memref_squeeze %dma_start3A_140 : memref<1x8x128xf32, #tpu.memory_space<hbm>> -> memref<8x128xf32, #tpu.memory_space<hbm>>
      %dma_start3A_142 = arith.constant 0 : i32
      %dma_start3A_143 = arith.constant 0 : i32
      %dma_start3A_144 = tpu.memref_slice %arg7[%run_scoped3A_41, %dma_start3A_142, %dma_start3A_143] : memref<32x8x128xf32, #tpu.memory_space<vmem>> -> memref<1x8x128xf32, #tpu.memory_space<vmem>>
      %dma_start3A_145 = tpu.memref_squeeze %dma_start3A_144 : memref<1x8x128xf32, #tpu.memory_space<vmem>> -> memref<8x128xf32, #tpu.memory_space<vmem>>
      tpu.enqueue_dma source(%dma_start3A_145 : memref<8x128xf32, #tpu.memory_space<vmem>>) target(%dma_start3A_141 : memref<8x128xf32, #tpu.memory_space<hbm>>) target_semaphore(%run_scoped3A_132 : memref<!tpu.dma_semaphore, #tpu.memory_space<semaphore_mem>>)
      %dma_wait3A = arith.constant 0 : i32
      %dma_wait3A_146 = arith.constant 0 : i32
      %dma_wait3A_147 = tpu.memref_slice %arg7[%run_scoped3A_41, %dma_wait3A, %dma_wait3A_146] : memref<32x8x128xf32, #tpu.memory_space<vmem>> -> memref<1x8x128xf32, #tpu.memory_space<vmem>>
      %dma_wait3A_148 = tpu.memref_squeeze %dma_wait3A_147 : memref<1x8x128xf32, #tpu.memory_space<vmem>> -> memref<8x128xf32, #tpu.memory_space<vmem>>
      %dma_wait3A_149 = arith.constant 128 : i32
      %dma_wait3A_150 = tpu.memref_slice %arg4[%select_n3A, %mul3A_40, %dma_wait3A_149] : memref<4x64x4096xf32, #tpu.memory_space<hbm>> -> memref<1x8x128xf32, #tpu.memory_space<hbm>>
      %dma_wait3A_151 = tpu.memref_squeeze %dma_wait3A_150 : memref<1x8x128xf32, #tpu.memory_space<hbm>> -> memref<8x128xf32, #tpu.memory_space<hbm>>
      %dma_wait3A_152 = arith.constant 128 : i32
      %dma_wait3A_153 = tpu.memref_slice %arg4[%select_n3A, %mul3A_40, %dma_wait3A_152] : memref<4x64x4096xf32, #tpu.memory_space<hbm>> -> memref<1x8x128xf32, #tpu.memory_space<hbm>>
      %dma_wait3A_154 = tpu.memref_squeeze %dma_wait3A_153 : memref<1x8x128xf32, #tpu.memory_space<hbm>> -> memref<8x128xf32, #tpu.memory_space<hbm>>
      %dma_wait3A_155 = arith.constant 0 : i32
      %dma_wait3A_156 = arith.constant 0 : i32
      %dma_wait3A_157 = tpu.memref_slice %arg7[%run_scoped3A_41, %dma_wait3A_155, %dma_wait3A_156] : memref<32x8x128xf32, #tpu.memory_space<vmem>> -> memref<1x8x128xf32, #tpu.memory_space<vmem>>
      %dma_wait3A_158 = tpu.memref_squeeze %dma_wait3A_157 : memref<1x8x128xf32, #tpu.memory_space<vmem>> -> memref<8x128xf32, #tpu.memory_space<vmem>>
      tpu.wait_dma2 semaphore(%run_scoped3A_132 : memref<!tpu.dma_semaphore, #tpu.memory_space<semaphore_mem>>) src(%dma_wait3A_158 : memref<8x128xf32, #tpu.memory_space<vmem>>) dst(%dma_wait3A_154 : memref<8x128xf32, #tpu.memory_space<hbm>>)
      tpu.yield
    }) : () -> ()
    %mul3A_42 = arith.constant 8 : i32
    %mul3A_43 = arith.muli %select_n3A_30, %mul3A_42 : i32
    %run_scoped3A_44 = arith.constant 2 : i32
    "tpu.region"() ({
      %run_scoped3A_132 = tpu.sem_alloc : memref<!tpu.dma_semaphore, #tpu.memory_space<semaphore_mem>>
      %dma_start3A = arith.constant 0 : i32
      %dma_start3A_133 = arith.constant 0 : i32
      %dma_start3A_134 = tpu.memref_slice %arg7[%run_scoped3A_44, %dma_start3A, %dma_start3A_133] : memref<32x8x128xf32, #tpu.memory_space<vmem>> -> memref<1x8x128xf32, #tpu.memory_space<vmem>>
      %dma_start3A_135 = tpu.memref_squeeze %dma_start3A_134 : memref<1x8x128xf32, #tpu.memory_space<vmem>> -> memref<8x128xf32, #tpu.memory_space<vmem>>
      %dma_start3A_136 = arith.constant 256 : i32
      %dma_start3A_137 = tpu.memref_slice %arg4[%select_n3A, %mul3A_43, %dma_start3A_136] : memref<4x64x4096xf32, #tpu.memory_space<hbm>> -> memref<1x8x128xf32, #tpu.memory_space<hbm>>
      %dma_start3A_138 = tpu.memref_squeeze %dma_start3A_137 : memref<1x8x128xf32, #tpu.memory_space<hbm>> -> memref<8x128xf32, #tpu.memory_space<hbm>>
      %dma_start3A_139 = arith.constant 256 : i32
      %dma_start3A_140 = tpu.memref_slice %arg4[%select_n3A, %mul3A_43, %dma_start3A_139] : memref<4x64x4096xf32, #tpu.memory_space<hbm>> -> memref<1x8x128xf32, #tpu.memory_space<hbm>>
      %dma_start3A_141 = tpu.memref_squeeze %dma_start3A_140 : memref<1x8x128xf32, #tpu.memory_space<hbm>> -> memref<8x128xf32, #tpu.memory_space<hbm>>
      %dma_start3A_142 = arith.constant 0 : i32
      %dma_start3A_143 = arith.constant 0 : i32
      %dma_start3A_144 = tpu.memref_slice %arg7[%run_scoped3A_44, %dma_start3A_142, %dma_start3A_143] : memref<32x8x128xf32, #tpu.memory_space<vmem>> -> memref<1x8x128xf32, #tpu.memory_space<vmem>>
      %dma_start3A_145 = tpu.memref_squeeze %dma_start3A_144 : memref<1x8x128xf32, #tpu.memory_space<vmem>> -> memref<8x128xf32, #tpu.memory_space<vmem>>
      tpu.enqueue_dma source(%dma_start3A_145 : memref<8x128xf32, #tpu.memory_space<vmem>>) target(%dma_start3A_141 : memref<8x128xf32, #tpu.memory_space<hbm>>) target_semaphore(%run_scoped3A_132 : memref<!tpu.dma_semaphore, #tpu.memory_space<semaphore_mem>>)
      %dma_wait3A = arith.constant 0 : i32
      %dma_wait3A_146 = arith.constant 0 : i32
      %dma_wait3A_147 = tpu.memref_slice %arg7[%run_scoped3A_44, %dma_wait3A, %dma_wait3A_146] : memref<32x8x128xf32, #tpu.memory_space<vmem>> -> memref<1x8x128xf32, #tpu.memory_space<vmem>>
      %dma_wait3A_148 = tpu.memref_squeeze %dma_wait3A_147 : memref<1x8x128xf32, #tpu.memory_space<vmem>> -> memref<8x128xf32, #tpu.memory_space<vmem>>
      %dma_wait3A_149 = arith.constant 256 : i32
      %dma_wait3A_150 = tpu.memref_slice %arg4[%select_n3A, %mul3A_43, %dma_wait3A_149] : memref<4x64x4096xf32, #tpu.memory_space<hbm>> -> memref<1x8x128xf32, #tpu.memory_space<hbm>>
      %dma_wait3A_151 = tpu.memref_squeeze %dma_wait3A_150 : memref<1x8x128xf32, #tpu.memory_space<hbm>> -> memref<8x128xf32, #tpu.memory_space<hbm>>
      %dma_wait3A_152 = arith.constant 256 : i32
      %dma_wait3A_153 = tpu.memref_slice %arg4[%select_n3A, %mul3A_43, %dma_wait3A_152] : memref<4x64x4096xf32, #tpu.memory_space<hbm>> -> memref<1x8x128xf32, #tpu.memory_space<hbm>>
      %dma_wait3A_154 = tpu.memref_squeeze %dma_wait3A_153 : memref<1x8x128xf32, #tpu.memory_space<hbm>> -> memref<8x128xf32, #tpu.memory_space<hbm>>
      %dma_wait3A_155 = arith.constant 0 : i32
      %dma_wait3A_156 = arith.constant 0 : i32
      %dma_wait3A_157 = tpu.memref_slice %arg7[%run_scoped3A_44, %dma_wait3A_155, %dma_wait3A_156] : memref<32x8x128xf32, #tpu.memory_space<vmem>> -> memref<1x8x128xf32, #tpu.memory_space<vmem>>
      %dma_wait3A_158 = tpu.memref_squeeze %dma_wait3A_157 : memref<1x8x128xf32, #tpu.memory_space<vmem>> -> memref<8x128xf32, #tpu.memory_space<vmem>>
      tpu.wait_dma2 semaphore(%run_scoped3A_132 : memref<!tpu.dma_semaphore, #tpu.memory_space<semaphore_mem>>) src(%dma_wait3A_158 : memref<8x128xf32, #tpu.memory_space<vmem>>) dst(%dma_wait3A_154 : memref<8x128xf32, #tpu.memory_space<hbm>>)
      tpu.yield
    }) : () -> ()
    %mul3A_45 = arith.constant 8 : i32
    %mul3A_46 = arith.muli %select_n3A_30, %mul3A_45 : i32
    %run_scoped3A_47 = arith.constant 3 : i32
    "tpu.region"() ({
      %run_scoped3A_132 = tpu.sem_alloc : memref<!tpu.dma_semaphore, #tpu.memory_space<semaphore_mem>>
      %dma_start3A = arith.constant 0 : i32
      %dma_start3A_133 = arith.constant 0 : i32
      %dma_start3A_134 = tpu.memref_slice %arg7[%run_scoped3A_47, %dma_start3A, %dma_start3A_133] : memref<32x8x128xf32, #tpu.memory_space<vmem>> -> memref<1x8x128xf32, #tpu.memory_space<vmem>>
      %dma_start3A_135 = tpu.memref_squeeze %dma_start3A_134 : memref<1x8x128xf32, #tpu.memory_space<vmem>> -> memref<8x128xf32, #tpu.memory_space<vmem>>
      %dma_start3A_136 = arith.constant 384 : i32
      %dma_start3A_137 = tpu.memref_slice %arg4[%select_n3A, %mul3A_46, %dma_start3A_136] : memref<4x64x4096xf32, #tpu.memory_space<hbm>> -> memref<1x8x128xf32, #tpu.memory_space<hbm>>
      %dma_start3A_138 = tpu.memref_squeeze %dma_start3A_137 : memref<1x8x128xf32, #tpu.memory_space<hbm>> -> memref<8x128xf32, #tpu.memory_space<hbm>>
      %dma_start3A_139 = arith.constant 384 : i32
      %dma_start3A_140 = tpu.memref_slice %arg4[%select_n3A, %mul3A_46, %dma_start3A_139] : memref<4x64x4096xf32, #tpu.memory_space<hbm>> -> memref<1x8x128xf32, #tpu.memory_space<hbm>>
      %dma_start3A_141 = tpu.memref_squeeze %dma_start3A_140 : memref<1x8x128xf32, #tpu.memory_space<hbm>> -> memref<8x128xf32, #tpu.memory_space<hbm>>
      %dma_start3A_142 = arith.constant 0 : i32
      %dma_start3A_143 = arith.constant 0 : i32
      %dma_start3A_144 = tpu.memref_slice %arg7[%run_scoped3A_47, %dma_start3A_142, %dma_start3A_143] : memref<32x8x128xf32, #tpu.memory_space<vmem>> -> memref<1x8x128xf32, #tpu.memory_space<vmem>>
      %dma_start3A_145 = tpu.memref_squeeze %dma_start3A_144 : memref<1x8x128xf32, #tpu.memory_space<vmem>> -> memref<8x128xf32, #tpu.memory_space<vmem>>
      tpu.enqueue_dma source(%dma_start3A_145 : memref<8x128xf32, #tpu.memory_space<vmem>>) target(%dma_start3A_141 : memref<8x128xf32, #tpu.memory_space<hbm>>) target_semaphore(%run_scoped3A_132 : memref<!tpu.dma_semaphore, #tpu.memory_space<semaphore_mem>>)
      %dma_wait3A = arith.constant 0 : i32
      %dma_wait3A_146 = arith.constant 0 : i32
      %dma_wait3A_147 = tpu.memref_slice %arg7[%run_scoped3A_47, %dma_wait3A, %dma_wait3A_146] : memref<32x8x128xf32, #tpu.memory_space<vmem>> -> memref<1x8x128xf32, #tpu.memory_space<vmem>>
      %dma_wait3A_148 = tpu.memref_squeeze %dma_wait3A_147 : memref<1x8x128xf32, #tpu.memory_space<vmem>> -> memref<8x128xf32, #tpu.memory_space<vmem>>
      %dma_wait3A_149 = arith.constant 384 : i32
      %dma_wait3A_150 = tpu.memref_slice %arg4[%select_n3A, %mul3A_46, %dma_wait3A_149] : memref<4x64x4096xf32, #tpu.memory_space<hbm>> -> memref<1x8x128xf32, #tpu.memory_space<hbm>>
      %dma_wait3A_151 = tpu.memref_squeeze %dma_wait3A_150 : memref<1x8x128xf32, #tpu.memory_space<hbm>> -> memref<8x128xf32, #tpu.memory_space<hbm>>
      %dma_wait3A_152 = arith.constant 384 : i32
      %dma_wait3A_153 = tpu.memref_slice %arg4[%select_n3A, %mul3A_46, %dma_wait3A_152] : memref<4x64x4096xf32, #tpu.memory_space<hbm>> -> memref<1x8x128xf32, #tpu.memory_space<hbm>>
      %dma_wait3A_154 = tpu.memref_squeeze %dma_wait3A_153 : memref<1x8x128xf32, #tpu.memory_space<hbm>> -> memref<8x128xf32, #tpu.memory_space<hbm>>
      %dma_wait3A_155 = arith.constant 0 : i32
      %dma_wait3A_156 = arith.constant 0 : i32
      %dma_wait3A_157 = tpu.memref_slice %arg7[%run_scoped3A_47, %dma_wait3A_155, %dma_wait3A_156] : memref<32x8x128xf32, #tpu.memory_space<vmem>> -> memref<1x8x128xf32, #tpu.memory_space<vmem>>
      %dma_wait3A_158 = tpu.memref_squeeze %dma_wait3A_157 : memref<1x8x128xf32, #tpu.memory_space<vmem>> -> memref<8x128xf32, #tpu.memory_space<vmem>>
      tpu.wait_dma2 semaphore(%run_scoped3A_132 : memref<!tpu.dma_semaphore, #tpu.memory_space<semaphore_mem>>) src(%dma_wait3A_158 : memref<8x128xf32, #tpu.memory_space<vmem>>) dst(%dma_wait3A_154 : memref<8x128xf32, #tpu.memory_space<hbm>>)
      tpu.yield
    }) : () -> ()
    %mul3A_48 = arith.constant 8 : i32
    %mul3A_49 = arith.muli %select_n3A_30, %mul3A_48 : i32
    %run_scoped3A_50 = arith.constant 4 : i32
    "tpu.region"() ({
      %run_scoped3A_132 = tpu.sem_alloc : memref<!tpu.dma_semaphore, #tpu.memory_space<semaphore_mem>>
      %dma_start3A = arith.constant 0 : i32
      %dma_start3A_133 = arith.constant 0 : i32
      %dma_start3A_134 = tpu.memref_slice %arg7[%run_scoped3A_50, %dma_start3A, %dma_start3A_133] : memref<32x8x128xf32, #tpu.memory_space<vmem>> -> memref<1x8x128xf32, #tpu.memory_space<vmem>>
      %dma_start3A_135 = tpu.memref_squeeze %dma_start3A_134 : memref<1x8x128xf32, #tpu.memory_space<vmem>> -> memref<8x128xf32, #tpu.memory_space<vmem>>
      %dma_start3A_136 = arith.constant 512 : i32
      %dma_start3A_137 = tpu.memref_slice %arg4[%select_n3A, %mul3A_49, %dma_start3A_136] : memref<4x64x4096xf32, #tpu.memory_space<hbm>> -> memref<1x8x128xf32, #tpu.memory_space<hbm>>
      %dma_start3A_138 = tpu.memref_squeeze %dma_start3A_137 : memref<1x8x128xf32, #tpu.memory_space<hbm>> -> memref<8x128xf32, #tpu.memory_space<hbm>>
      %dma_start3A_139 = arith.constant 512 : i32
      %dma_start3A_140 = tpu.memref_slice %arg4[%select_n3A, %mul3A_49, %dma_start3A_139] : memref<4x64x4096xf32, #tpu.memory_space<hbm>> -> memref<1x8x128xf32, #tpu.memory_space<hbm>>
      %dma_start3A_141 = tpu.memref_squeeze %dma_start3A_140 : memref<1x8x128xf32, #tpu.memory_space<hbm>> -> memref<8x128xf32, #tpu.memory_space<hbm>>
      %dma_start3A_142 = arith.constant 0 : i32
      %dma_start3A_143 = arith.constant 0 : i32
      %dma_start3A_144 = tpu.memref_slice %arg7[%run_scoped3A_50, %dma_start3A_142, %dma_start3A_143] : memref<32x8x128xf32, #tpu.memory_space<vmem>> -> memref<1x8x128xf32, #tpu.memory_space<vmem>>
      %dma_start3A_145 = tpu.memref_squeeze %dma_start3A_144 : memref<1x8x128xf32, #tpu.memory_space<vmem>> -> memref<8x128xf32, #tpu.memory_space<vmem>>
      tpu.enqueue_dma source(%dma_start3A_145 : memref<8x128xf32, #tpu.memory_space<vmem>>) target(%dma_start3A_141 : memref<8x128xf32, #tpu.memory_space<hbm>>) target_semaphore(%run_scoped3A_132 : memref<!tpu.dma_semaphore, #tpu.memory_space<semaphore_mem>>)
      %dma_wait3A = arith.constant 0 : i32
      %dma_wait3A_146 = arith.constant 0 : i32
      %dma_wait3A_147 = tpu.memref_slice %arg7[%run_scoped3A_50, %dma_wait3A, %dma_wait3A_146] : memref<32x8x128xf32, #tpu.memory_space<vmem>> -> memref<1x8x128xf32, #tpu.memory_space<vmem>>
      %dma_wait3A_148 = tpu.memref_squeeze %dma_wait3A_147 : memref<1x8x128xf32, #tpu.memory_space<vmem>> -> memref<8x128xf32, #tpu.memory_space<vmem>>
      %dma_wait3A_149 = arith.constant 512 : i32
      %dma_wait3A_150 = tpu.memref_slice %arg4[%select_n3A, %mul3A_49, %dma_wait3A_149] : memref<4x64x4096xf32, #tpu.memory_space<hbm>> -> memref<1x8x128xf32, #tpu.memory_space<hbm>>
      %dma_wait3A_151 = tpu.memref_squeeze %dma_wait3A_150 : memref<1x8x128xf32, #tpu.memory_space<hbm>> -> memref<8x128xf32, #tpu.memory_space<hbm>>
      %dma_wait3A_152 = arith.constant 512 : i32
      %dma_wait3A_153 = tpu.memref_slice %arg4[%select_n3A, %mul3A_49, %dma_wait3A_152] : memref<4x64x4096xf32, #tpu.memory_space<hbm>> -> memref<1x8x128xf32, #tpu.memory_space<hbm>>
      %dma_wait3A_154 = tpu.memref_squeeze %dma_wait3A_153 : memref<1x8x128xf32, #tpu.memory_space<hbm>> -> memref<8x128xf32, #tpu.memory_space<hbm>>
      %dma_wait3A_155 = arith.constant 0 : i32
      %dma_wait3A_156 = arith.constant 0 : i32
      %dma_wait3A_157 = tpu.memref_slice %arg7[%run_scoped3A_50, %dma_wait3A_155, %dma_wait3A_156] : memref<32x8x128xf32, #tpu.memory_space<vmem>> -> memref<1x8x128xf32, #tpu.memory_space<vmem>>
      %dma_wait3A_158 = tpu.memref_squeeze %dma_wait3A_157 : memref<1x8x128xf32, #tpu.memory_space<vmem>> -> memref<8x128xf32, #tpu.memory_space<vmem>>
      tpu.wait_dma2 semaphore(%run_scoped3A_132 : memref<!tpu.dma_semaphore, #tpu.memory_space<semaphore_mem>>) src(%dma_wait3A_158 : memref<8x128xf32, #tpu.memory_space<vmem>>) dst(%dma_wait3A_154 : memref<8x128xf32, #tpu.memory_space<hbm>>)
      tpu.yield
    }) : () -> ()
    %mul3A_51 = arith.constant 8 : i32
    %mul3A_52 = arith.muli %select_n3A_30, %mul3A_51 : i32
    %run_scoped3A_53 = arith.constant 5 : i32
    "tpu.region"() ({
      %run_scoped3A_132 = tpu.sem_alloc : memref<!tpu.dma_semaphore, #tpu.memory_space<semaphore_mem>>
      %dma_start3A = arith.constant 0 : i32
      %dma_start3A_133 = arith.constant 0 : i32
      %dma_start3A_134 = tpu.memref_slice %arg7[%run_scoped3A_53, %dma_start3A, %dma_start3A_133] : memref<32x8x128xf32, #tpu.memory_space<vmem>> -> memref<1x8x128xf32, #tpu.memory_space<vmem>>
      %dma_start3A_135 = tpu.memref_squeeze %dma_start3A_134 : memref<1x8x128xf32, #tpu.memory_space<vmem>> -> memref<8x128xf32, #tpu.memory_space<vmem>>
      %dma_start3A_136 = arith.constant 640 : i32
      %dma_start3A_137 = tpu.memref_slice %arg4[%select_n3A, %mul3A_52, %dma_start3A_136] : memref<4x64x4096xf32, #tpu.memory_space<hbm>> -> memref<1x8x128xf32, #tpu.memory_space<hbm>>
      %dma_start3A_138 = tpu.memref_squeeze %dma_start3A_137 : memref<1x8x128xf32, #tpu.memory_space<hbm>> -> memref<8x128xf32, #tpu.memory_space<hbm>>
      %dma_start3A_139 = arith.constant 640 : i32
      %dma_start3A_140 = tpu.memref_slice %arg4[%select_n3A, %mul3A_52, %dma_start3A_139] : memref<4x64x4096xf32, #tpu.memory_space<hbm>> -> memref<1x8x128xf32, #tpu.memory_space<hbm>>
      %dma_start3A_141 = tpu.memref_squeeze %dma_start3A_140 : memref<1x8x128xf32, #tpu.memory_space<hbm>> -> memref<8x128xf32, #tpu.memory_space<hbm>>
      %dma_start3A_142 = arith.constant 0 : i32
      %dma_start3A_143 = arith.constant 0 : i32
      %dma_start3A_144 = tpu.memref_slice %arg7[%run_scoped3A_53, %dma_start3A_142, %dma_start3A_143] : memref<32x8x128xf32, #tpu.memory_space<vmem>> -> memref<1x8x128xf32, #tpu.memory_space<vmem>>
      %dma_start3A_145 = tpu.memref_squeeze %dma_start3A_144 : memref<1x8x128xf32, #tpu.memory_space<vmem>> -> memref<8x128xf32, #tpu.memory_space<vmem>>
      tpu.enqueue_dma source(%dma_start3A_145 : memref<8x128xf32, #tpu.memory_space<vmem>>) target(%dma_start3A_141 : memref<8x128xf32, #tpu.memory_space<hbm>>) target_semaphore(%run_scoped3A_132 : memref<!tpu.dma_semaphore, #tpu.memory_space<semaphore_mem>>)
      %dma_wait3A = arith.constant 0 : i32
      %dma_wait3A_146 = arith.constant 0 : i32
      %dma_wait3A_147 = tpu.memref_slice %arg7[%run_scoped3A_53, %dma_wait3A, %dma_wait3A_146] : memref<32x8x128xf32, #tpu.memory_space<vmem>> -> memref<1x8x128xf32, #tpu.memory_space<vmem>>
      %dma_wait3A_148 = tpu.memref_squeeze %dma_wait3A_147 : memref<1x8x128xf32, #tpu.memory_space<vmem>> -> memref<8x128xf32, #tpu.memory_space<vmem>>
      %dma_wait3A_149 = arith.constant 640 : i32
      %dma_wait3A_150 = tpu.memref_slice %arg4[%select_n3A, %mul3A_52, %dma_wait3A_149] : memref<4x64x4096xf32, #tpu.memory_space<hbm>> -> memref<1x8x128xf32, #tpu.memory_space<hbm>>
      %dma_wait3A_151 = tpu.memref_squeeze %dma_wait3A_150 : memref<1x8x128xf32, #tpu.memory_space<hbm>> -> memref<8x128xf32, #tpu.memory_space<hbm>>
      %dma_wait3A_152 = arith.constant 640 : i32
      %dma_wait3A_153 = tpu.memref_slice %arg4[%select_n3A, %mul3A_52, %dma_wait3A_152] : memref<4x64x4096xf32, #tpu.memory_space<hbm>> -> memref<1x8x128xf32, #tpu.memory_space<hbm>>
      %dma_wait3A_154 = tpu.memref_squeeze %dma_wait3A_153 : memref<1x8x128xf32, #tpu.memory_space<hbm>> -> memref<8x128xf32, #tpu.memory_space<hbm>>
      %dma_wait3A_155 = arith.constant 0 : i32
      %dma_wait3A_156 = arith.constant 0 : i32
      %dma_wait3A_157 = tpu.memref_slice %arg7[%run_scoped3A_53, %dma_wait3A_155, %dma_wait3A_156] : memref<32x8x128xf32, #tpu.memory_space<vmem>> -> memref<1x8x128xf32, #tpu.memory_space<vmem>>
      %dma_wait3A_158 = tpu.memref_squeeze %dma_wait3A_157 : memref<1x8x128xf32, #tpu.memory_space<vmem>> -> memref<8x128xf32, #tpu.memory_space<vmem>>
      tpu.wait_dma2 semaphore(%run_scoped3A_132 : memref<!tpu.dma_semaphore, #tpu.memory_space<semaphore_mem>>) src(%dma_wait3A_158 : memref<8x128xf32, #tpu.memory_space<vmem>>) dst(%dma_wait3A_154 : memref<8x128xf32, #tpu.memory_space<hbm>>)
      tpu.yield
    }) : () -> ()
    %mul3A_54 = arith.constant 8 : i32
    %mul3A_55 = arith.muli %select_n3A_30, %mul3A_54 : i32
    %run_scoped3A_56 = arith.constant 6 : i32
    "tpu.region"() ({
      %run_scoped3A_132 = tpu.sem_alloc : memref<!tpu.dma_semaphore, #tpu.memory_space<semaphore_mem>>
      %dma_start3A = arith.constant 0 : i32
      %dma_start3A_133 = arith.constant 0 : i32
      %dma_start3A_134 = tpu.memref_slice %arg7[%run_scoped3A_56, %dma_start3A, %dma_start3A_133] : memref<32x8x128xf32, #tpu.memory_space<vmem>> -> memref<1x8x128xf32, #tpu.memory_space<vmem>>
      %dma_start3A_135 = tpu.memref_squeeze %dma_start3A_134 : memref<1x8x128xf32, #tpu.memory_space<vmem>> -> memref<8x128xf32, #tpu.memory_space<vmem>>
      %dma_start3A_136 = arith.constant 768 : i32
      %dma_start3A_137 = tpu.memref_slice %arg4[%select_n3A, %mul3A_55, %dma_start3A_136] : memref<4x64x4096xf32, #tpu.memory_space<hbm>> -> memref<1x8x128xf32, #tpu.memory_space<hbm>>
      %dma_start3A_138 = tpu.memref_squeeze %dma_start3A_137 : memref<1x8x128xf32, #tpu.memory_space<hbm>> -> memref<8x128xf32, #tpu.memory_space<hbm>>
      %dma_start3A_139 = arith.constant 768 : i32
      %dma_start3A_140 = tpu.memref_slice %arg4[%select_n3A, %mul3A_55, %dma_start3A_139] : memref<4x64x4096xf32, #tpu.memory_space<hbm>> -> memref<1x8x128xf32, #tpu.memory_space<hbm>>
      %dma_start3A_141 = tpu.memref_squeeze %dma_start3A_140 : memref<1x8x128xf32, #tpu.memory_space<hbm>> -> memref<8x128xf32, #tpu.memory_space<hbm>>
      %dma_start3A_142 = arith.constant 0 : i32
      %dma_start3A_143 = arith.constant 0 : i32
      %dma_start3A_144 = tpu.memref_slice %arg7[%run_scoped3A_56, %dma_start3A_142, %dma_start3A_143] : memref<32x8x128xf32, #tpu.memory_space<vmem>> -> memref<1x8x128xf32, #tpu.memory_space<vmem>>
      %dma_start3A_145 = tpu.memref_squeeze %dma_start3A_144 : memref<1x8x128xf32, #tpu.memory_space<vmem>> -> memref<8x128xf32, #tpu.memory_space<vmem>>
      tpu.enqueue_dma source(%dma_start3A_145 : memref<8x128xf32, #tpu.memory_space<vmem>>) target(%dma_start3A_141 : memref<8x128xf32, #tpu.memory_space<hbm>>) target_semaphore(%run_scoped3A_132 : memref<!tpu.dma_semaphore, #tpu.memory_space<semaphore_mem>>)
      %dma_wait3A = arith.constant 0 : i32
      %dma_wait3A_146 = arith.constant 0 : i32
      %dma_wait3A_147 = tpu.memref_slice %arg7[%run_scoped3A_56, %dma_wait3A, %dma_wait3A_146] : memref<32x8x128xf32, #tpu.memory_space<vmem>> -> memref<1x8x128xf32, #tpu.memory_space<vmem>>
      %dma_wait3A_148 = tpu.memref_squeeze %dma_wait3A_147 : memref<1x8x128xf32, #tpu.memory_space<vmem>> -> memref<8x128xf32, #tpu.memory_space<vmem>>
      %dma_wait3A_149 = arith.constant 768 : i32
      %dma_wait3A_150 = tpu.memref_slice %arg4[%select_n3A, %mul3A_55, %dma_wait3A_149] : memref<4x64x4096xf32, #tpu.memory_space<hbm>> -> memref<1x8x128xf32, #tpu.memory_space<hbm>>
      %dma_wait3A_151 = tpu.memref_squeeze %dma_wait3A_150 : memref<1x8x128xf32, #tpu.memory_space<hbm>> -> memref<8x128xf32, #tpu.memory_space<hbm>>
      %dma_wait3A_152 = arith.constant 768 : i32
      %dma_wait3A_153 = tpu.memref_slice %arg4[%select_n3A, %mul3A_55, %dma_wait3A_152] : memref<4x64x4096xf32, #tpu.memory_space<hbm>> -> memref<1x8x128xf32, #tpu.memory_space<hbm>>
      %dma_wait3A_154 = tpu.memref_squeeze %dma_wait3A_153 : memref<1x8x128xf32, #tpu.memory_space<hbm>> -> memref<8x128xf32, #tpu.memory_space<hbm>>
      %dma_wait3A_155 = arith.constant 0 : i32
      %dma_wait3A_156 = arith.constant 0 : i32
      %dma_wait3A_157 = tpu.memref_slice %arg7[%run_scoped3A_56, %dma_wait3A_155, %dma_wait3A_156] : memref<32x8x128xf32, #tpu.memory_space<vmem>> -> memref<1x8x128xf32, #tpu.memory_space<vmem>>
      %dma_wait3A_158 = tpu.memref_squeeze %dma_wait3A_157 : memref<1x8x128xf32, #tpu.memory_space<vmem>> -> memref<8x128xf32, #tpu.memory_space<vmem>>
      tpu.wait_dma2 semaphore(%run_scoped3A_132 : memref<!tpu.dma_semaphore, #tpu.memory_space<semaphore_mem>>) src(%dma_wait3A_158 : memref<8x128xf32, #tpu.memory_space<vmem>>) dst(%dma_wait3A_154 : memref<8x128xf32, #tpu.memory_space<hbm>>)
      tpu.yield
    }) : () -> ()
    %mul3A_57 = arith.constant 8 : i32
    %mul3A_58 = arith.muli %select_n3A_30, %mul3A_57 : i32
    %run_scoped3A_59 = arith.constant 7 : i32
    "tpu.region"() ({
      %run_scoped3A_132 = tpu.sem_alloc : memref<!tpu.dma_semaphore, #tpu.memory_space<semaphore_mem>>
      %dma_start3A = arith.constant 0 : i32
      %dma_start3A_133 = arith.constant 0 : i32
      %dma_start3A_134 = tpu.memref_slice %arg7[%run_scoped3A_59, %dma_start3A, %dma_start3A_133] : memref<32x8x128xf32, #tpu.memory_space<vmem>> -> memref<1x8x128xf32, #tpu.memory_space<vmem>>
      %dma_start3A_135 = tpu.memref_squeeze %dma_start3A_134 : memref<1x8x128xf32, #tpu.memory_space<vmem>> -> memref<8x128xf32, #tpu.memory_space<vmem>>
      %dma_start3A_136 = arith.constant 896 : i32
      %dma_start3A_137 = tpu.memref_slice %arg4[%select_n3A, %mul3A_58, %dma_start3A_136] : memref<4x64x4096xf32, #tpu.memory_space<hbm>> -> memref<1x8x128xf32, #tpu.memory_space<hbm>>
      %dma_start3A_138 = tpu.memref_squeeze %dma_start3A_137 : memref<1x8x128xf32, #tpu.memory_space<hbm>> -> memref<8x128xf32, #tpu.memory_space<hbm>>
      %dma_start3A_139 = arith.constant 896 : i32
      %dma_start3A_140 = tpu.memref_slice %arg4[%select_n3A, %mul3A_58, %dma_start3A_139] : memref<4x64x4096xf32, #tpu.memory_space<hbm>> -> memref<1x8x128xf32, #tpu.memory_space<hbm>>
      %dma_start3A_141 = tpu.memref_squeeze %dma_start3A_140 : memref<1x8x128xf32, #tpu.memory_space<hbm>> -> memref<8x128xf32, #tpu.memory_space<hbm>>
      %dma_start3A_142 = arith.constant 0 : i32
      %dma_start3A_143 = arith.constant 0 : i32
      %dma_start3A_144 = tpu.memref_slice %arg7[%run_scoped3A_59, %dma_start3A_142, %dma_start3A_143] : memref<32x8x128xf32, #tpu.memory_space<vmem>> -> memref<1x8x128xf32, #tpu.memory_space<vmem>>
      %dma_start3A_145 = tpu.memref_squeeze %dma_start3A_144 : memref<1x8x128xf32, #tpu.memory_space<vmem>> -> memref<8x128xf32, #tpu.memory_space<vmem>>
      tpu.enqueue_dma source(%dma_start3A_145 : memref<8x128xf32, #tpu.memory_space<vmem>>) target(%dma_start3A_141 : memref<8x128xf32, #tpu.memory_space<hbm>>) target_semaphore(%run_scoped3A_132 : memref<!tpu.dma_semaphore, #tpu.memory_space<semaphore_mem>>)
      %dma_wait3A = arith.constant 0 : i32
      %dma_wait3A_146 = arith.constant 0 : i32
      %dma_wait3A_147 = tpu.memref_slice %arg7[%run_scoped3A_59, %dma_wait3A, %dma_wait3A_146] : memref<32x8x128xf32, #tpu.memory_space<vmem>> -> memref<1x8x128xf32, #tpu.memory_space<vmem>>
      %dma_wait3A_148 = tpu.memref_squeeze %dma_wait3A_147 : memref<1x8x128xf32, #tpu.memory_space<vmem>> -> memref<8x128xf32, #tpu.memory_space<vmem>>
      %dma_wait3A_149 = arith.constant 896 : i32
      %dma_wait3A_150 = tpu.memref_slice %arg4[%select_n3A, %mul3A_58, %dma_wait3A_149] : memref<4x64x4096xf32, #tpu.memory_space<hbm>> -> memref<1x8x128xf32, #tpu.memory_space<hbm>>
      %dma_wait3A_151 = tpu.memref_squeeze %dma_wait3A_150 : memref<1x8x128xf32, #tpu.memory_space<hbm>> -> memref<8x128xf32, #tpu.memory_space<hbm>>
      %dma_wait3A_152 = arith.constant 896 : i32
      %dma_wait3A_153 = tpu.memref_slice %arg4[%select_n3A, %mul3A_58, %dma_wait3A_152] : memref<4x64x4096xf32, #tpu.memory_space<hbm>> -> memref<1x8x128xf32, #tpu.memory_space<hbm>>
      %dma_wait3A_154 = tpu.memref_squeeze %dma_wait3A_153 : memref<1x8x128xf32, #tpu.memory_space<hbm>> -> memref<8x128xf32, #tpu.memory_space<hbm>>
      %dma_wait3A_155 = arith.constant 0 : i32
      %dma_wait3A_156 = arith.constant 0 : i32
      %dma_wait3A_157 = tpu.memref_slice %arg7[%run_scoped3A_59, %dma_wait3A_155, %dma_wait3A_156] : memref<32x8x128xf32, #tpu.memory_space<vmem>> -> memref<1x8x128xf32, #tpu.memory_space<vmem>>
      %dma_wait3A_158 = tpu.memref_squeeze %dma_wait3A_157 : memref<1x8x128xf32, #tpu.memory_space<vmem>> -> memref<8x128xf32, #tpu.memory_space<vmem>>
      tpu.wait_dma2 semaphore(%run_scoped3A_132 : memref<!tpu.dma_semaphore, #tpu.memory_space<semaphore_mem>>) src(%dma_wait3A_158 : memref<8x128xf32, #tpu.memory_space<vmem>>) dst(%dma_wait3A_154 : memref<8x128xf32, #tpu.memory_space<hbm>>)
      tpu.yield
    }) : () -> ()
    %mul3A_60 = arith.constant 8 : i32
    %mul3A_61 = arith.muli %select_n3A_30, %mul3A_60 : i32
    %run_scoped3A_62 = arith.constant 8 : i32
    "tpu.region"() ({
      %run_scoped3A_132 = tpu.sem_alloc : memref<!tpu.dma_semaphore, #tpu.memory_space<semaphore_mem>>
      %dma_start3A = arith.constant 0 : i32
      %dma_start3A_133 = arith.constant 0 : i32
      %dma_start3A_134 = tpu.memref_slice %arg7[%run_scoped3A_62, %dma_start3A, %dma_start3A_133] : memref<32x8x128xf32, #tpu.memory_space<vmem>> -> memref<1x8x128xf32, #tpu.memory_space<vmem>>
      %dma_start3A_135 = tpu.memref_squeeze %dma_start3A_134 : memref<1x8x128xf32, #tpu.memory_space<vmem>> -> memref<8x128xf32, #tpu.memory_space<vmem>>
      %dma_start3A_136 = arith.constant 1024 : i32
      %dma_start3A_137 = tpu.memref_slice %arg4[%select_n3A, %mul3A_61, %dma_start3A_136] : memref<4x64x4096xf32, #tpu.memory_space<hbm>> -> memref<1x8x128xf32, #tpu.memory_space<hbm>>
      %dma_start3A_138 = tpu.memref_squeeze %dma_start3A_137 : memref<1x8x128xf32, #tpu.memory_space<hbm>> -> memref<8x128xf32, #tpu.memory_space<hbm>>
      %dma_start3A_139 = arith.constant 1024 : i32
      %dma_start3A_140 = tpu.memref_slice %arg4[%select_n3A, %mul3A_61, %dma_start3A_139] : memref<4x64x4096xf32, #tpu.memory_space<hbm>> -> memref<1x8x128xf32, #tpu.memory_space<hbm>>
      %dma_start3A_141 = tpu.memref_squeeze %dma_start3A_140 : memref<1x8x128xf32, #tpu.memory_space<hbm>> -> memref<8x128xf32, #tpu.memory_space<hbm>>
      %dma_start3A_142 = arith.constant 0 : i32
      %dma_start3A_143 = arith.constant 0 : i32
      %dma_start3A_144 = tpu.memref_slice %arg7[%run_scoped3A_62, %dma_start3A_142, %dma_start3A_143] : memref<32x8x128xf32, #tpu.memory_space<vmem>> -> memref<1x8x128xf32, #tpu.memory_space<vmem>>
      %dma_start3A_145 = tpu.memref_squeeze %dma_start3A_144 : memref<1x8x128xf32, #tpu.memory_space<vmem>> -> memref<8x128xf32, #tpu.memory_space<vmem>>
      tpu.enqueue_dma source(%dma_start3A_145 : memref<8x128xf32, #tpu.memory_space<vmem>>) target(%dma_start3A_141 : memref<8x128xf32, #tpu.memory_space<hbm>>) target_semaphore(%run_scoped3A_132 : memref<!tpu.dma_semaphore, #tpu.memory_space<semaphore_mem>>)
      %dma_wait3A = arith.constant 0 : i32
      %dma_wait3A_146 = arith.constant 0 : i32
      %dma_wait3A_147 = tpu.memref_slice %arg7[%run_scoped3A_62, %dma_wait3A, %dma_wait3A_146] : memref<32x8x128xf32, #tpu.memory_space<vmem>> -> memref<1x8x128xf32, #tpu.memory_space<vmem>>
      %dma_wait3A_148 = tpu.memref_squeeze %dma_wait3A_147 : memref<1x8x128xf32, #tpu.memory_space<vmem>> -> memref<8x128xf32, #tpu.memory_space<vmem>>
      %dma_wait3A_149 = arith.constant 1024 : i32
      %dma_wait3A_150 = tpu.memref_slice %arg4[%select_n3A, %mul3A_61, %dma_wait3A_149] : memref<4x64x4096xf32, #tpu.memory_space<hbm>> -> memref<1x8x128xf32, #tpu.memory_space<hbm>>
      %dma_wait3A_151 = tpu.memref_squeeze %dma_wait3A_150 : memref<1x8x128xf32, #tpu.memory_space<hbm>> -> memref<8x128xf32, #tpu.memory_space<hbm>>
      %dma_wait3A_152 = arith.constant 1024 : i32
      %dma_wait3A_153 = tpu.memref_slice %arg4[%select_n3A, %mul3A_61, %dma_wait3A_152] : memref<4x64x4096xf32, #tpu.memory_space<hbm>> -> memref<1x8x128xf32, #tpu.memory_space<hbm>>
      %dma_wait3A_154 = tpu.memref_squeeze %dma_wait3A_153 : memref<1x8x128xf32, #tpu.memory_space<hbm>> -> memref<8x128xf32, #tpu.memory_space<hbm>>
      %dma_wait3A_155 = arith.constant 0 : i32
      %dma_wait3A_156 = arith.constant 0 : i32
      %dma_wait3A_157 = tpu.memref_slice %arg7[%run_scoped3A_62, %dma_wait3A_155, %dma_wait3A_156] : memref<32x8x128xf32, #tpu.memory_space<vmem>> -> memref<1x8x128xf32, #tpu.memory_space<vmem>>
      %dma_wait3A_158 = tpu.memref_squeeze %dma_wait3A_157 : memref<1x8x128xf32, #tpu.memory_space<vmem>> -> memref<8x128xf32, #tpu.memory_space<vmem>>
      tpu.wait_dma2 semaphore(%run_scoped3A_132 : memref<!tpu.dma_semaphore, #tpu.memory_space<semaphore_mem>>) src(%dma_wait3A_158 : memref<8x128xf32, #tpu.memory_space<vmem>>) dst(%dma_wait3A_154 : memref<8x128xf32, #tpu.memory_space<hbm>>)
      tpu.yield
    }) : () -> ()
    %mul3A_63 = arith.constant 8 : i32
    %mul3A_64 = arith.muli %select_n3A_30, %mul3A_63 : i32
    %run_scoped3A_65 = arith.constant 9 : i32
    "tpu.region"() ({
      %run_scoped3A_132 = tpu.sem_alloc : memref<!tpu.dma_semaphore, #tpu.memory_space<semaphore_mem>>
      %dma_start3A = arith.constant 0 : i32
      %dma_start3A_133 = arith.constant 0 : i32
      %dma_start3A_134 = tpu.memref_slice %arg7[%run_scoped3A_65, %dma_start3A, %dma_start3A_133] : memref<32x8x128xf32, #tpu.memory_space<vmem>> -> memref<1x8x128xf32, #tpu.memory_space<vmem>>
      %dma_start3A_135 = tpu.memref_squeeze %dma_start3A_134 : memref<1x8x128xf32, #tpu.memory_space<vmem>> -> memref<8x128xf32, #tpu.memory_space<vmem>>
      %dma_start3A_136 = arith.constant 1152 : i32
      %dma_start3A_137 = tpu.memref_slice %arg4[%select_n3A, %mul3A_64, %dma_start3A_136] : memref<4x64x4096xf32, #tpu.memory_space<hbm>> -> memref<1x8x128xf32, #tpu.memory_space<hbm>>
      %dma_start3A_138 = tpu.memref_squeeze %dma_start3A_137 : memref<1x8x128xf32, #tpu.memory_space<hbm>> -> memref<8x128xf32, #tpu.memory_space<hbm>>
      %dma_start3A_139 = arith.constant 1152 : i32
      %dma_start3A_140 = tpu.memref_slice %arg4[%select_n3A, %mul3A_64, %dma_start3A_139] : memref<4x64x4096xf32, #tpu.memory_space<hbm>> -> memref<1x8x128xf32, #tpu.memory_space<hbm>>
      %dma_start3A_141 = tpu.memref_squeeze %dma_start3A_140 : memref<1x8x128xf32, #tpu.memory_space<hbm>> -> memref<8x128xf32, #tpu.memory_space<hbm>>
      %dma_start3A_142 = arith.constant 0 : i32
      %dma_start3A_143 = arith.constant 0 : i32
      %dma_start3A_144 = tpu.memref_slice %arg7[%run_scoped3A_65, %dma_start3A_142, %dma_start3A_143] : memref<32x8x128xf32, #tpu.memory_space<vmem>> -> memref<1x8x128xf32, #tpu.memory_space<vmem>>
      %dma_start3A_145 = tpu.memref_squeeze %dma_start3A_144 : memref<1x8x128xf32, #tpu.memory_space<vmem>> -> memref<8x128xf32, #tpu.memory_space<vmem>>
      tpu.enqueue_dma source(%dma_start3A_145 : memref<8x128xf32, #tpu.memory_space<vmem>>) target(%dma_start3A_141 : memref<8x128xf32, #tpu.memory_space<hbm>>) target_semaphore(%run_scoped3A_132 : memref<!tpu.dma_semaphore, #tpu.memory_space<semaphore_mem>>)
      %dma_wait3A = arith.constant 0 : i32
      %dma_wait3A_146 = arith.constant 0 : i32
      %dma_wait3A_147 = tpu.memref_slice %arg7[%run_scoped3A_65, %dma_wait3A, %dma_wait3A_146] : memref<32x8x128xf32, #tpu.memory_space<vmem>> -> memref<1x8x128xf32, #tpu.memory_space<vmem>>
      %dma_wait3A_148 = tpu.memref_squeeze %dma_wait3A_147 : memref<1x8x128xf32, #tpu.memory_space<vmem>> -> memref<8x128xf32, #tpu.memory_space<vmem>>
      %dma_wait3A_149 = arith.constant 1152 : i32
      %dma_wait3A_150 = tpu.memref_slice %arg4[%select_n3A, %mul3A_64, %dma_wait3A_149] : memref<4x64x4096xf32, #tpu.memory_space<hbm>> -> memref<1x8x128xf32, #tpu.memory_space<hbm>>
      %dma_wait3A_151 = tpu.memref_squeeze %dma_wait3A_150 : memref<1x8x128xf32, #tpu.memory_space<hbm>> -> memref<8x128xf32, #tpu.memory_space<hbm>>
      %dma_wait3A_152 = arith.constant 1152 : i32
      %dma_wait3A_153 = tpu.memref_slice %arg4[%select_n3A, %mul3A_64, %dma_wait3A_152] : memref<4x64x4096xf32, #tpu.memory_space<hbm>> -> memref<1x8x128xf32, #tpu.memory_space<hbm>>
      %dma_wait3A_154 = tpu.memref_squeeze %dma_wait3A_153 : memref<1x8x128xf32, #tpu.memory_space<hbm>> -> memref<8x128xf32, #tpu.memory_space<hbm>>
      %dma_wait3A_155 = arith.constant 0 : i32
      %dma_wait3A_156 = arith.constant 0 : i32
      %dma_wait3A_157 = tpu.memref_slice %arg7[%run_scoped3A_65, %dma_wait3A_155, %dma_wait3A_156] : memref<32x8x128xf32, #tpu.memory_space<vmem>> -> memref<1x8x128xf32, #tpu.memory_space<vmem>>
      %dma_wait3A_158 = tpu.memref_squeeze %dma_wait3A_157 : memref<1x8x128xf32, #tpu.memory_space<vmem>> -> memref<8x128xf32, #tpu.memory_space<vmem>>
      tpu.wait_dma2 semaphore(%run_scoped3A_132 : memref<!tpu.dma_semaphore, #tpu.memory_space<semaphore_mem>>) src(%dma_wait3A_158 : memref<8x128xf32, #tpu.memory_space<vmem>>) dst(%dma_wait3A_154 : memref<8x128xf32, #tpu.memory_space<hbm>>)
      tpu.yield
    }) : () -> ()
    %mul3A_66 = arith.constant 8 : i32
    %mul3A_67 = arith.muli %select_n3A_30, %mul3A_66 : i32
    %run_scoped3A_68 = arith.constant 10 : i32
    "tpu.region"() ({
      %run_scoped3A_132 = tpu.sem_alloc : memref<!tpu.dma_semaphore, #tpu.memory_space<semaphore_mem>>
      %dma_start3A = arith.constant 0 : i32
      %dma_start3A_133 = arith.constant 0 : i32
      %dma_start3A_134 = tpu.memref_slice %arg7[%run_scoped3A_68, %dma_start3A, %dma_start3A_133] : memref<32x8x128xf32, #tpu.memory_space<vmem>> -> memref<1x8x128xf32, #tpu.memory_space<vmem>>
      %dma_start3A_135 = tpu.memref_squeeze %dma_start3A_134 : memref<1x8x128xf32, #tpu.memory_space<vmem>> -> memref<8x128xf32, #tpu.memory_space<vmem>>
      %dma_start3A_136 = arith.constant 1280 : i32
      %dma_start3A_137 = tpu.memref_slice %arg4[%select_n3A, %mul3A_67, %dma_start3A_136] : memref<4x64x4096xf32, #tpu.memory_space<hbm>> -> memref<1x8x128xf32, #tpu.memory_space<hbm>>
      %dma_start3A_138 = tpu.memref_squeeze %dma_start3A_137 : memref<1x8x128xf32, #tpu.memory_space<hbm>> -> memref<8x128xf32, #tpu.memory_space<hbm>>
      %dma_start3A_139 = arith.constant 1280 : i32
      %dma_start3A_140 = tpu.memref_slice %arg4[%select_n3A, %mul3A_67, %dma_start3A_139] : memref<4x64x4096xf32, #tpu.memory_space<hbm>> -> memref<1x8x128xf32, #tpu.memory_space<hbm>>
      %dma_start3A_141 = tpu.memref_squeeze %dma_start3A_140 : memref<1x8x128xf32, #tpu.memory_space<hbm>> -> memref<8x128xf32, #tpu.memory_space<hbm>>
      %dma_start3A_142 = arith.constant 0 : i32
      %dma_start3A_143 = arith.constant 0 : i32
      %dma_start3A_144 = tpu.memref_slice %arg7[%run_scoped3A_68, %dma_start3A_142, %dma_start3A_143] : memref<32x8x128xf32, #tpu.memory_space<vmem>> -> memref<1x8x128xf32, #tpu.memory_space<vmem>>
      %dma_start3A_145 = tpu.memref_squeeze %dma_start3A_144 : memref<1x8x128xf32, #tpu.memory_space<vmem>> -> memref<8x128xf32, #tpu.memory_space<vmem>>
      tpu.enqueue_dma source(%dma_start3A_145 : memref<8x128xf32, #tpu.memory_space<vmem>>) target(%dma_start3A_141 : memref<8x128xf32, #tpu.memory_space<hbm>>) target_semaphore(%run_scoped3A_132 : memref<!tpu.dma_semaphore, #tpu.memory_space<semaphore_mem>>)
      %dma_wait3A = arith.constant 0 : i32
      %dma_wait3A_146 = arith.constant 0 : i32
      %dma_wait3A_147 = tpu.memref_slice %arg7[%run_scoped3A_68, %dma_wait3A, %dma_wait3A_146] : memref<32x8x128xf32, #tpu.memory_space<vmem>> -> memref<1x8x128xf32, #tpu.memory_space<vmem>>
      %dma_wait3A_148 = tpu.memref_squeeze %dma_wait3A_147 : memref<1x8x128xf32, #tpu.memory_space<vmem>> -> memref<8x128xf32, #tpu.memory_space<vmem>>
      %dma_wait3A_149 = arith.constant 1280 : i32
      %dma_wait3A_150 = tpu.memref_slice %arg4[%select_n3A, %mul3A_67, %dma_wait3A_149] : memref<4x64x4096xf32, #tpu.memory_space<hbm>> -> memref<1x8x128xf32, #tpu.memory_space<hbm>>
      %dma_wait3A_151 = tpu.memref_squeeze %dma_wait3A_150 : memref<1x8x128xf32, #tpu.memory_space<hbm>> -> memref<8x128xf32, #tpu.memory_space<hbm>>
      %dma_wait3A_152 = arith.constant 1280 : i32
      %dma_wait3A_153 = tpu.memref_slice %arg4[%select_n3A, %mul3A_67, %dma_wait3A_152] : memref<4x64x4096xf32, #tpu.memory_space<hbm>> -> memref<1x8x128xf32, #tpu.memory_space<hbm>>
      %dma_wait3A_154 = tpu.memref_squeeze %dma_wait3A_153 : memref<1x8x128xf32, #tpu.memory_space<hbm>> -> memref<8x128xf32, #tpu.memory_space<hbm>>
      %dma_wait3A_155 = arith.constant 0 : i32
      %dma_wait3A_156 = arith.constant 0 : i32
      %dma_wait3A_157 = tpu.memref_slice %arg7[%run_scoped3A_68, %dma_wait3A_155, %dma_wait3A_156] : memref<32x8x128xf32, #tpu.memory_space<vmem>> -> memref<1x8x128xf32, #tpu.memory_space<vmem>>
      %dma_wait3A_158 = tpu.memref_squeeze %dma_wait3A_157 : memref<1x8x128xf32, #tpu.memory_space<vmem>> -> memref<8x128xf32, #tpu.memory_space<vmem>>
      tpu.wait_dma2 semaphore(%run_scoped3A_132 : memref<!tpu.dma_semaphore, #tpu.memory_space<semaphore_mem>>) src(%dma_wait3A_158 : memref<8x128xf32, #tpu.memory_space<vmem>>) dst(%dma_wait3A_154 : memref<8x128xf32, #tpu.memory_space<hbm>>)
      tpu.yield
    }) : () -> ()
    %mul3A_69 = arith.constant 8 : i32
    %mul3A_70 = arith.muli %select_n3A_30, %mul3A_69 : i32
    %run_scoped3A_71 = arith.constant 11 : i32
    "tpu.region"() ({
      %run_scoped3A_132 = tpu.sem_alloc : memref<!tpu.dma_semaphore, #tpu.memory_space<semaphore_mem>>
      %dma_start3A = arith.constant 0 : i32
      %dma_start3A_133 = arith.constant 0 : i32
      %dma_start3A_134 = tpu.memref_slice %arg7[%run_scoped3A_71, %dma_start3A, %dma_start3A_133] : memref<32x8x128xf32, #tpu.memory_space<vmem>> -> memref<1x8x128xf32, #tpu.memory_space<vmem>>
      %dma_start3A_135 = tpu.memref_squeeze %dma_start3A_134 : memref<1x8x128xf32, #tpu.memory_space<vmem>> -> memref<8x128xf32, #tpu.memory_space<vmem>>
      %dma_start3A_136 = arith.constant 1408 : i32
      %dma_start3A_137 = tpu.memref_slice %arg4[%select_n3A, %mul3A_70, %dma_start3A_136] : memref<4x64x4096xf32, #tpu.memory_space<hbm>> -> memref<1x8x128xf32, #tpu.memory_space<hbm>>
      %dma_start3A_138 = tpu.memref_squeeze %dma_start3A_137 : memref<1x8x128xf32, #tpu.memory_space<hbm>> -> memref<8x128xf32, #tpu.memory_space<hbm>>
      %dma_start3A_139 = arith.constant 1408 : i32
      %dma_start3A_140 = tpu.memref_slice %arg4[%select_n3A, %mul3A_70, %dma_start3A_139] : memref<4x64x4096xf32, #tpu.memory_space<hbm>> -> memref<1x8x128xf32, #tpu.memory_space<hbm>>
      %dma_start3A_141 = tpu.memref_squeeze %dma_start3A_140 : memref<1x8x128xf32, #tpu.memory_space<hbm>> -> memref<8x128xf32, #tpu.memory_space<hbm>>
      %dma_start3A_142 = arith.constant 0 : i32
      %dma_start3A_143 = arith.constant 0 : i32
      %dma_start3A_144 = tpu.memref_slice %arg7[%run_scoped3A_71, %dma_start3A_142, %dma_start3A_143] : memref<32x8x128xf32, #tpu.memory_space<vmem>> -> memref<1x8x128xf32, #tpu.memory_space<vmem>>
      %dma_start3A_145 = tpu.memref_squeeze %dma_start3A_144 : memref<1x8x128xf32, #tpu.memory_space<vmem>> -> memref<8x128xf32, #tpu.memory_space<vmem>>
      tpu.enqueue_dma source(%dma_start3A_145 : memref<8x128xf32, #tpu.memory_space<vmem>>) target(%dma_start3A_141 : memref<8x128xf32, #tpu.memory_space<hbm>>) target_semaphore(%run_scoped3A_132 : memref<!tpu.dma_semaphore, #tpu.memory_space<semaphore_mem>>)
      %dma_wait3A = arith.constant 0 : i32
      %dma_wait3A_146 = arith.constant 0 : i32
      %dma_wait3A_147 = tpu.memref_slice %arg7[%run_scoped3A_71, %dma_wait3A, %dma_wait3A_146] : memref<32x8x128xf32, #tpu.memory_space<vmem>> -> memref<1x8x128xf32, #tpu.memory_space<vmem>>
      %dma_wait3A_148 = tpu.memref_squeeze %dma_wait3A_147 : memref<1x8x128xf32, #tpu.memory_space<vmem>> -> memref<8x128xf32, #tpu.memory_space<vmem>>
      %dma_wait3A_149 = arith.constant 1408 : i32
      %dma_wait3A_150 = tpu.memref_slice %arg4[%select_n3A, %mul3A_70, %dma_wait3A_149] : memref<4x64x4096xf32, #tpu.memory_space<hbm>> -> memref<1x8x128xf32, #tpu.memory_space<hbm>>
      %dma_wait3A_151 = tpu.memref_squeeze %dma_wait3A_150 : memref<1x8x128xf32, #tpu.memory_space<hbm>> -> memref<8x128xf32, #tpu.memory_space<hbm>>
      %dma_wait3A_152 = arith.constant 1408 : i32
      %dma_wait3A_153 = tpu.memref_slice %arg4[%select_n3A, %mul3A_70, %dma_wait3A_152] : memref<4x64x4096xf32, #tpu.memory_space<hbm>> -> memref<1x8x128xf32, #tpu.memory_space<hbm>>
      %dma_wait3A_154 = tpu.memref_squeeze %dma_wait3A_153 : memref<1x8x128xf32, #tpu.memory_space<hbm>> -> memref<8x128xf32, #tpu.memory_space<hbm>>
      %dma_wait3A_155 = arith.constant 0 : i32
      %dma_wait3A_156 = arith.constant 0 : i32
      %dma_wait3A_157 = tpu.memref_slice %arg7[%run_scoped3A_71, %dma_wait3A_155, %dma_wait3A_156] : memref<32x8x128xf32, #tpu.memory_space<vmem>> -> memref<1x8x128xf32, #tpu.memory_space<vmem>>
      %dma_wait3A_158 = tpu.memref_squeeze %dma_wait3A_157 : memref<1x8x128xf32, #tpu.memory_space<vmem>> -> memref<8x128xf32, #tpu.memory_space<vmem>>
      tpu.wait_dma2 semaphore(%run_scoped3A_132 : memref<!tpu.dma_semaphore, #tpu.memory_space<semaphore_mem>>) src(%dma_wait3A_158 : memref<8x128xf32, #tpu.memory_space<vmem>>) dst(%dma_wait3A_154 : memref<8x128xf32, #tpu.memory_space<hbm>>)
      tpu.yield
    }) : () -> ()
    %mul3A_72 = arith.constant 8 : i32
    %mul3A_73 = arith.muli %select_n3A_30, %mul3A_72 : i32
    %run_scoped3A_74 = arith.constant 12 : i32
    "tpu.region"() ({
      %run_scoped3A_132 = tpu.sem_alloc : memref<!tpu.dma_semaphore, #tpu.memory_space<semaphore_mem>>
      %dma_start3A = arith.constant 0 : i32
      %dma_start3A_133 = arith.constant 0 : i32
      %dma_start3A_134 = tpu.memref_slice %arg7[%run_scoped3A_74, %dma_start3A, %dma_start3A_133] : memref<32x8x128xf32, #tpu.memory_space<vmem>> -> memref<1x8x128xf32, #tpu.memory_space<vmem>>
      %dma_start3A_135 = tpu.memref_squeeze %dma_start3A_134 : memref<1x8x128xf32, #tpu.memory_space<vmem>> -> memref<8x128xf32, #tpu.memory_space<vmem>>
      %dma_start3A_136 = arith.constant 1536 : i32
      %dma_start3A_137 = tpu.memref_slice %arg4[%select_n3A, %mul3A_73, %dma_start3A_136] : memref<4x64x4096xf32, #tpu.memory_space<hbm>> -> memref<1x8x128xf32, #tpu.memory_space<hbm>>
      %dma_start3A_138 = tpu.memref_squeeze %dma_start3A_137 : memref<1x8x128xf32, #tpu.memory_space<hbm>> -> memref<8x128xf32, #tpu.memory_space<hbm>>
      %dma_start3A_139 = arith.constant 1536 : i32
      %dma_start3A_140 = tpu.memref_slice %arg4[%select_n3A, %mul3A_73, %dma_start3A_139] : memref<4x64x4096xf32, #tpu.memory_space<hbm>> -> memref<1x8x128xf32, #tpu.memory_space<hbm>>
      %dma_start3A_141 = tpu.memref_squeeze %dma_start3A_140 : memref<1x8x128xf32, #tpu.memory_space<hbm>> -> memref<8x128xf32, #tpu.memory_space<hbm>>
      %dma_start3A_142 = arith.constant 0 : i32
      %dma_start3A_143 = arith.constant 0 : i32
      %dma_start3A_144 = tpu.memref_slice %arg7[%run_scoped3A_74, %dma_start3A_142, %dma_start3A_143] : memref<32x8x128xf32, #tpu.memory_space<vmem>> -> memref<1x8x128xf32, #tpu.memory_space<vmem>>
      %dma_start3A_145 = tpu.memref_squeeze %dma_start3A_144 : memref<1x8x128xf32, #tpu.memory_space<vmem>> -> memref<8x128xf32, #tpu.memory_space<vmem>>
      tpu.enqueue_dma source(%dma_start3A_145 : memref<8x128xf32, #tpu.memory_space<vmem>>) target(%dma_start3A_141 : memref<8x128xf32, #tpu.memory_space<hbm>>) target_semaphore(%run_scoped3A_132 : memref<!tpu.dma_semaphore, #tpu.memory_space<semaphore_mem>>)
      %dma_wait3A = arith.constant 0 : i32
      %dma_wait3A_146 = arith.constant 0 : i32
      %dma_wait3A_147 = tpu.memref_slice %arg7[%run_scoped3A_74, %dma_wait3A, %dma_wait3A_146] : memref<32x8x128xf32, #tpu.memory_space<vmem>> -> memref<1x8x128xf32, #tpu.memory_space<vmem>>
      %dma_wait3A_148 = tpu.memref_squeeze %dma_wait3A_147 : memref<1x8x128xf32, #tpu.memory_space<vmem>> -> memref<8x128xf32, #tpu.memory_space<vmem>>
      %dma_wait3A_149 = arith.constant 1536 : i32
      %dma_wait3A_150 = tpu.memref_slice %arg4[%select_n3A, %mul3A_73, %dma_wait3A_149] : memref<4x64x4096xf32, #tpu.memory_space<hbm>> -> memref<1x8x128xf32, #tpu.memory_space<hbm>>
      %dma_wait3A_151 = tpu.memref_squeeze %dma_wait3A_150 : memref<1x8x128xf32, #tpu.memory_space<hbm>> -> memref<8x128xf32, #tpu.memory_space<hbm>>
      %dma_wait3A_152 = arith.constant 1536 : i32
      %dma_wait3A_153 = tpu.memref_slice %arg4[%select_n3A, %mul3A_73, %dma_wait3A_152] : memref<4x64x4096xf32, #tpu.memory_space<hbm>> -> memref<1x8x128xf32, #tpu.memory_space<hbm>>
      %dma_wait3A_154 = tpu.memref_squeeze %dma_wait3A_153 : memref<1x8x128xf32, #tpu.memory_space<hbm>> -> memref<8x128xf32, #tpu.memory_space<hbm>>
      %dma_wait3A_155 = arith.constant 0 : i32
      %dma_wait3A_156 = arith.constant 0 : i32
      %dma_wait3A_157 = tpu.memref_slice %arg7[%run_scoped3A_74, %dma_wait3A_155, %dma_wait3A_156] : memref<32x8x128xf32, #tpu.memory_space<vmem>> -> memref<1x8x128xf32, #tpu.memory_space<vmem>>
      %dma_wait3A_158 = tpu.memref_squeeze %dma_wait3A_157 : memref<1x8x128xf32, #tpu.memory_space<vmem>> -> memref<8x128xf32, #tpu.memory_space<vmem>>
      tpu.wait_dma2 semaphore(%run_scoped3A_132 : memref<!tpu.dma_semaphore, #tpu.memory_space<semaphore_mem>>) src(%dma_wait3A_158 : memref<8x128xf32, #tpu.memory_space<vmem>>) dst(%dma_wait3A_154 : memref<8x128xf32, #tpu.memory_space<hbm>>)
      tpu.yield
    }) : () -> ()
    %mul3A_75 = arith.constant 8 : i32
    %mul3A_76 = arith.muli %select_n3A_30, %mul3A_75 : i32
    %run_scoped3A_77 = arith.constant 13 : i32
    "tpu.region"() ({
      %run_scoped3A_132 = tpu.sem_alloc : memref<!tpu.dma_semaphore, #tpu.memory_space<semaphore_mem>>
      %dma_start3A = arith.constant 0 : i32
      %dma_start3A_133 = arith.constant 0 : i32
      %dma_start3A_134 = tpu.memref_slice %arg7[%run_scoped3A_77, %dma_start3A, %dma_start3A_133] : memref<32x8x128xf32, #tpu.memory_space<vmem>> -> memref<1x8x128xf32, #tpu.memory_space<vmem>>
      %dma_start3A_135 = tpu.memref_squeeze %dma_start3A_134 : memref<1x8x128xf32, #tpu.memory_space<vmem>> -> memref<8x128xf32, #tpu.memory_space<vmem>>
      %dma_start3A_136 = arith.constant 1664 : i32
      %dma_start3A_137 = tpu.memref_slice %arg4[%select_n3A, %mul3A_76, %dma_start3A_136] : memref<4x64x4096xf32, #tpu.memory_space<hbm>> -> memref<1x8x128xf32, #tpu.memory_space<hbm>>
      %dma_start3A_138 = tpu.memref_squeeze %dma_start3A_137 : memref<1x8x128xf32, #tpu.memory_space<hbm>> -> memref<8x128xf32, #tpu.memory_space<hbm>>
      %dma_start3A_139 = arith.constant 1664 : i32
      %dma_start3A_140 = tpu.memref_slice %arg4[%select_n3A, %mul3A_76, %dma_start3A_139] : memref<4x64x4096xf32, #tpu.memory_space<hbm>> -> memref<1x8x128xf32, #tpu.memory_space<hbm>>
      %dma_start3A_141 = tpu.memref_squeeze %dma_start3A_140 : memref<1x8x128xf32, #tpu.memory_space<hbm>> -> memref<8x128xf32, #tpu.memory_space<hbm>>
      %dma_start3A_142 = arith.constant 0 : i32
      %dma_start3A_143 = arith.constant 0 : i32
      %dma_start3A_144 = tpu.memref_slice %arg7[%run_scoped3A_77, %dma_start3A_142, %dma_start3A_143] : memref<32x8x128xf32, #tpu.memory_space<vmem>> -> memref<1x8x128xf32, #tpu.memory_space<vmem>>
      %dma_start3A_145 = tpu.memref_squeeze %dma_start3A_144 : memref<1x8x128xf32, #tpu.memory_space<vmem>> -> memref<8x128xf32, #tpu.memory_space<vmem>>
      tpu.enqueue_dma source(%dma_start3A_145 : memref<8x128xf32, #tpu.memory_space<vmem>>) target(%dma_start3A_141 : memref<8x128xf32, #tpu.memory_space<hbm>>) target_semaphore(%run_scoped3A_132 : memref<!tpu.dma_semaphore, #tpu.memory_space<semaphore_mem>>)
      %dma_wait3A = arith.constant 0 : i32
      %dma_wait3A_146 = arith.constant 0 : i32
      %dma_wait3A_147 = tpu.memref_slice %arg7[%run_scoped3A_77, %dma_wait3A, %dma_wait3A_146] : memref<32x8x128xf32, #tpu.memory_space<vmem>> -> memref<1x8x128xf32, #tpu.memory_space<vmem>>
      %dma_wait3A_148 = tpu.memref_squeeze %dma_wait3A_147 : memref<1x8x128xf32, #tpu.memory_space<vmem>> -> memref<8x128xf32, #tpu.memory_space<vmem>>
      %dma_wait3A_149 = arith.constant 1664 : i32
      %dma_wait3A_150 = tpu.memref_slice %arg4[%select_n3A, %mul3A_76, %dma_wait3A_149] : memref<4x64x4096xf32, #tpu.memory_space<hbm>> -> memref<1x8x128xf32, #tpu.memory_space<hbm>>
      %dma_wait3A_151 = tpu.memref_squeeze %dma_wait3A_150 : memref<1x8x128xf32, #tpu.memory_space<hbm>> -> memref<8x128xf32, #tpu.memory_space<hbm>>
      %dma_wait3A_152 = arith.constant 1664 : i32
      %dma_wait3A_153 = tpu.memref_slice %arg4[%select_n3A, %mul3A_76, %dma_wait3A_152] : memref<4x64x4096xf32, #tpu.memory_space<hbm>> -> memref<1x8x128xf32, #tpu.memory_space<hbm>>
      %dma_wait3A_154 = tpu.memref_squeeze %dma_wait3A_153 : memref<1x8x128xf32, #tpu.memory_space<hbm>> -> memref<8x128xf32, #tpu.memory_space<hbm>>
      %dma_wait3A_155 = arith.constant 0 : i32
      %dma_wait3A_156 = arith.constant 0 : i32
      %dma_wait3A_157 = tpu.memref_slice %arg7[%run_scoped3A_77, %dma_wait3A_155, %dma_wait3A_156] : memref<32x8x128xf32, #tpu.memory_space<vmem>> -> memref<1x8x128xf32, #tpu.memory_space<vmem>>
      %dma_wait3A_158 = tpu.memref_squeeze %dma_wait3A_157 : memref<1x8x128xf32, #tpu.memory_space<vmem>> -> memref<8x128xf32, #tpu.memory_space<vmem>>
      tpu.wait_dma2 semaphore(%run_scoped3A_132 : memref<!tpu.dma_semaphore, #tpu.memory_space<semaphore_mem>>) src(%dma_wait3A_158 : memref<8x128xf32, #tpu.memory_space<vmem>>) dst(%dma_wait3A_154 : memref<8x128xf32, #tpu.memory_space<hbm>>)
      tpu.yield
    }) : () -> ()
    %mul3A_78 = arith.constant 8 : i32
    %mul3A_79 = arith.muli %select_n3A_30, %mul3A_78 : i32
    %run_scoped3A_80 = arith.constant 14 : i32
    "tpu.region"() ({
      %run_scoped3A_132 = tpu.sem_alloc : memref<!tpu.dma_semaphore, #tpu.memory_space<semaphore_mem>>
      %dma_start3A = arith.constant 0 : i32
      %dma_start3A_133 = arith.constant 0 : i32
      %dma_start3A_134 = tpu.memref_slice %arg7[%run_scoped3A_80, %dma_start3A, %dma_start3A_133] : memref<32x8x128xf32, #tpu.memory_space<vmem>> -> memref<1x8x128xf32, #tpu.memory_space<vmem>>
      %dma_start3A_135 = tpu.memref_squeeze %dma_start3A_134 : memref<1x8x128xf32, #tpu.memory_space<vmem>> -> memref<8x128xf32, #tpu.memory_space<vmem>>
      %dma_start3A_136 = arith.constant 1792 : i32
      %dma_start3A_137 = tpu.memref_slice %arg4[%select_n3A, %mul3A_79, %dma_start3A_136] : memref<4x64x4096xf32, #tpu.memory_space<hbm>> -> memref<1x8x128xf32, #tpu.memory_space<hbm>>
      %dma_start3A_138 = tpu.memref_squeeze %dma_start3A_137 : memref<1x8x128xf32, #tpu.memory_space<hbm>> -> memref<8x128xf32, #tpu.memory_space<hbm>>
      %dma_start3A_139 = arith.constant 1792 : i32
      %dma_start3A_140 = tpu.memref_slice %arg4[%select_n3A, %mul3A_79, %dma_start3A_139] : memref<4x64x4096xf32, #tpu.memory_space<hbm>> -> memref<1x8x128xf32, #tpu.memory_space<hbm>>
      %dma_start3A_141 = tpu.memref_squeeze %dma_start3A_140 : memref<1x8x128xf32, #tpu.memory_space<hbm>> -> memref<8x128xf32, #tpu.memory_space<hbm>>
      %dma_start3A_142 = arith.constant 0 : i32
      %dma_start3A_143 = arith.constant 0 : i32
      %dma_start3A_144 = tpu.memref_slice %arg7[%run_scoped3A_80, %dma_start3A_142, %dma_start3A_143] : memref<32x8x128xf32, #tpu.memory_space<vmem>> -> memref<1x8x128xf32, #tpu.memory_space<vmem>>
      %dma_start3A_145 = tpu.memref_squeeze %dma_start3A_144 : memref<1x8x128xf32, #tpu.memory_space<vmem>> -> memref<8x128xf32, #tpu.memory_space<vmem>>
      tpu.enqueue_dma source(%dma_start3A_145 : memref<8x128xf32, #tpu.memory_space<vmem>>) target(%dma_start3A_141 : memref<8x128xf32, #tpu.memory_space<hbm>>) target_semaphore(%run_scoped3A_132 : memref<!tpu.dma_semaphore, #tpu.memory_space<semaphore_mem>>)
      %dma_wait3A = arith.constant 0 : i32
      %dma_wait3A_146 = arith.constant 0 : i32
      %dma_wait3A_147 = tpu.memref_slice %arg7[%run_scoped3A_80, %dma_wait3A, %dma_wait3A_146] : memref<32x8x128xf32, #tpu.memory_space<vmem>> -> memref<1x8x128xf32, #tpu.memory_space<vmem>>
      %dma_wait3A_148 = tpu.memref_squeeze %dma_wait3A_147 : memref<1x8x128xf32, #tpu.memory_space<vmem>> -> memref<8x128xf32, #tpu.memory_space<vmem>>
      %dma_wait3A_149 = arith.constant 1792 : i32
      %dma_wait3A_150 = tpu.memref_slice %arg4[%select_n3A, %mul3A_79, %dma_wait3A_149] : memref<4x64x4096xf32, #tpu.memory_space<hbm>> -> memref<1x8x128xf32, #tpu.memory_space<hbm>>
      %dma_wait3A_151 = tpu.memref_squeeze %dma_wait3A_150 : memref<1x8x128xf32, #tpu.memory_space<hbm>> -> memref<8x128xf32, #tpu.memory_space<hbm>>
      %dma_wait3A_152 = arith.constant 1792 : i32
      %dma_wait3A_153 = tpu.memref_slice %arg4[%select_n3A, %mul3A_79, %dma_wait3A_152] : memref<4x64x4096xf32, #tpu.memory_space<hbm>> -> memref<1x8x128xf32, #tpu.memory_space<hbm>>
      %dma_wait3A_154 = tpu.memref_squeeze %dma_wait3A_153 : memref<1x8x128xf32, #tpu.memory_space<hbm>> -> memref<8x128xf32, #tpu.memory_space<hbm>>
      %dma_wait3A_155 = arith.constant 0 : i32
      %dma_wait3A_156 = arith.constant 0 : i32
      %dma_wait3A_157 = tpu.memref_slice %arg7[%run_scoped3A_80, %dma_wait3A_155, %dma_wait3A_156] : memref<32x8x128xf32, #tpu.memory_space<vmem>> -> memref<1x8x128xf32, #tpu.memory_space<vmem>>
      %dma_wait3A_158 = tpu.memref_squeeze %dma_wait3A_157 : memref<1x8x128xf32, #tpu.memory_space<vmem>> -> memref<8x128xf32, #tpu.memory_space<vmem>>
      tpu.wait_dma2 semaphore(%run_scoped3A_132 : memref<!tpu.dma_semaphore, #tpu.memory_space<semaphore_mem>>) src(%dma_wait3A_158 : memref<8x128xf32, #tpu.memory_space<vmem>>) dst(%dma_wait3A_154 : memref<8x128xf32, #tpu.memory_space<hbm>>)
      tpu.yield
    }) : () -> ()
    %mul3A_81 = arith.constant 8 : i32
    %mul3A_82 = arith.muli %select_n3A_30, %mul3A_81 : i32
    %run_scoped3A_83 = arith.constant 15 : i32
    "tpu.region"() ({
      %run_scoped3A_132 = tpu.sem_alloc : memref<!tpu.dma_semaphore, #tpu.memory_space<semaphore_mem>>
      %dma_start3A = arith.constant 0 : i32
      %dma_start3A_133 = arith.constant 0 : i32
      %dma_start3A_134 = tpu.memref_slice %arg7[%run_scoped3A_83, %dma_start3A, %dma_start3A_133] : memref<32x8x128xf32, #tpu.memory_space<vmem>> -> memref<1x8x128xf32, #tpu.memory_space<vmem>>
      %dma_start3A_135 = tpu.memref_squeeze %dma_start3A_134 : memref<1x8x128xf32, #tpu.memory_space<vmem>> -> memref<8x128xf32, #tpu.memory_space<vmem>>
      %dma_start3A_136 = arith.constant 1920 : i32
      %dma_start3A_137 = tpu.memref_slice %arg4[%select_n3A, %mul3A_82, %dma_start3A_136] : memref<4x64x4096xf32, #tpu.memory_space<hbm>> -> memref<1x8x128xf32, #tpu.memory_space<hbm>>
      %dma_start3A_138 = tpu.memref_squeeze %dma_start3A_137 : memref<1x8x128xf32, #tpu.memory_space<hbm>> -> memref<8x128xf32, #tpu.memory_space<hbm>>
      %dma_start3A_139 = arith.constant 1920 : i32
      %dma_start3A_140 = tpu.memref_slice %arg4[%select_n3A, %mul3A_82, %dma_start3A_139] : memref<4x64x4096xf32, #tpu.memory_space<hbm>> -> memref<1x8x128xf32, #tpu.memory_space<hbm>>
      %dma_start3A_141 = tpu.memref_squeeze %dma_start3A_140 : memref<1x8x128xf32, #tpu.memory_space<hbm>> -> memref<8x128xf32, #tpu.memory_space<hbm>>
      %dma_start3A_142 = arith.constant 0 : i32
      %dma_start3A_143 = arith.constant 0 : i32
      %dma_start3A_144 = tpu.memref_slice %arg7[%run_scoped3A_83, %dma_start3A_142, %dma_start3A_143] : memref<32x8x128xf32, #tpu.memory_space<vmem>> -> memref<1x8x128xf32, #tpu.memory_space<vmem>>
      %dma_start3A_145 = tpu.memref_squeeze %dma_start3A_144 : memref<1x8x128xf32, #tpu.memory_space<vmem>> -> memref<8x128xf32, #tpu.memory_space<vmem>>
      tpu.enqueue_dma source(%dma_start3A_145 : memref<8x128xf32, #tpu.memory_space<vmem>>) target(%dma_start3A_141 : memref<8x128xf32, #tpu.memory_space<hbm>>) target_semaphore(%run_scoped3A_132 : memref<!tpu.dma_semaphore, #tpu.memory_space<semaphore_mem>>)
      %dma_wait3A = arith.constant 0 : i32
      %dma_wait3A_146 = arith.constant 0 : i32
      %dma_wait3A_147 = tpu.memref_slice %arg7[%run_scoped3A_83, %dma_wait3A, %dma_wait3A_146] : memref<32x8x128xf32, #tpu.memory_space<vmem>> -> memref<1x8x128xf32, #tpu.memory_space<vmem>>
      %dma_wait3A_148 = tpu.memref_squeeze %dma_wait3A_147 : memref<1x8x128xf32, #tpu.memory_space<vmem>> -> memref<8x128xf32, #tpu.memory_space<vmem>>
      %dma_wait3A_149 = arith.constant 1920 : i32
      %dma_wait3A_150 = tpu.memref_slice %arg4[%select_n3A, %mul3A_82, %dma_wait3A_149] : memref<4x64x4096xf32, #tpu.memory_space<hbm>> -> memref<1x8x128xf32, #tpu.memory_space<hbm>>
      %dma_wait3A_151 = tpu.memref_squeeze %dma_wait3A_150 : memref<1x8x128xf32, #tpu.memory_space<hbm>> -> memref<8x128xf32, #tpu.memory_space<hbm>>
      %dma_wait3A_152 = arith.constant 1920 : i32
      %dma_wait3A_153 = tpu.memref_slice %arg4[%select_n3A, %mul3A_82, %dma_wait3A_152] : memref<4x64x4096xf32, #tpu.memory_space<hbm>> -> memref<1x8x128xf32, #tpu.memory_space<hbm>>
      %dma_wait3A_154 = tpu.memref_squeeze %dma_wait3A_153 : memref<1x8x128xf32, #tpu.memory_space<hbm>> -> memref<8x128xf32, #tpu.memory_space<hbm>>
      %dma_wait3A_155 = arith.constant 0 : i32
      %dma_wait3A_156 = arith.constant 0 : i32
      %dma_wait3A_157 = tpu.memref_slice %arg7[%run_scoped3A_83, %dma_wait3A_155, %dma_wait3A_156] : memref<32x8x128xf32, #tpu.memory_space<vmem>> -> memref<1x8x128xf32, #tpu.memory_space<vmem>>
      %dma_wait3A_158 = tpu.memref_squeeze %dma_wait3A_157 : memref<1x8x128xf32, #tpu.memory_space<vmem>> -> memref<8x128xf32, #tpu.memory_space<vmem>>
      tpu.wait_dma2 semaphore(%run_scoped3A_132 : memref<!tpu.dma_semaphore, #tpu.memory_space<semaphore_mem>>) src(%dma_wait3A_158 : memref<8x128xf32, #tpu.memory_space<vmem>>) dst(%dma_wait3A_154 : memref<8x128xf32, #tpu.memory_space<hbm>>)
      tpu.yield
    }) : () -> ()
    %mul3A_84 = arith.constant 8 : i32
    %mul3A_85 = arith.muli %select_n3A_30, %mul3A_84 : i32
    %run_scoped3A_86 = arith.constant 16 : i32
    "tpu.region"() ({
      %run_scoped3A_132 = tpu.sem_alloc : memref<!tpu.dma_semaphore, #tpu.memory_space<semaphore_mem>>
      %dma_start3A = arith.constant 0 : i32
      %dma_start3A_133 = arith.constant 0 : i32
      %dma_start3A_134 = tpu.memref_slice %arg7[%run_scoped3A_86, %dma_start3A, %dma_start3A_133] : memref<32x8x128xf32, #tpu.memory_space<vmem>> -> memref<1x8x128xf32, #tpu.memory_space<vmem>>
      %dma_start3A_135 = tpu.memref_squeeze %dma_start3A_134 : memref<1x8x128xf32, #tpu.memory_space<vmem>> -> memref<8x128xf32, #tpu.memory_space<vmem>>
      %dma_start3A_136 = arith.constant 2048 : i32
      %dma_start3A_137 = tpu.memref_slice %arg4[%select_n3A, %mul3A_85, %dma_start3A_136] : memref<4x64x4096xf32, #tpu.memory_space<hbm>> -> memref<1x8x128xf32, #tpu.memory_space<hbm>>
      %dma_start3A_138 = tpu.memref_squeeze %dma_start3A_137 : memref<1x8x128xf32, #tpu.memory_space<hbm>> -> memref<8x128xf32, #tpu.memory_space<hbm>>
      %dma_start3A_139 = arith.constant 2048 : i32
      %dma_start3A_140 = tpu.memref_slice %arg4[%select_n3A, %mul3A_85, %dma_start3A_139] : memref<4x64x4096xf32, #tpu.memory_space<hbm>> -> memref<1x8x128xf32, #tpu.memory_space<hbm>>
      %dma_start3A_141 = tpu.memref_squeeze %dma_start3A_140 : memref<1x8x128xf32, #tpu.memory_space<hbm>> -> memref<8x128xf32, #tpu.memory_space<hbm>>
      %dma_start3A_142 = arith.constant 0 : i32
      %dma_start3A_143 = arith.constant 0 : i32
      %dma_start3A_144 = tpu.memref_slice %arg7[%run_scoped3A_86, %dma_start3A_142, %dma_start3A_143] : memref<32x8x128xf32, #tpu.memory_space<vmem>> -> memref<1x8x128xf32, #tpu.memory_space<vmem>>
      %dma_start3A_145 = tpu.memref_squeeze %dma_start3A_144 : memref<1x8x128xf32, #tpu.memory_space<vmem>> -> memref<8x128xf32, #tpu.memory_space<vmem>>
      tpu.enqueue_dma source(%dma_start3A_145 : memref<8x128xf32, #tpu.memory_space<vmem>>) target(%dma_start3A_141 : memref<8x128xf32, #tpu.memory_space<hbm>>) target_semaphore(%run_scoped3A_132 : memref<!tpu.dma_semaphore, #tpu.memory_space<semaphore_mem>>)
      %dma_wait3A = arith.constant 0 : i32
      %dma_wait3A_146 = arith.constant 0 : i32
      %dma_wait3A_147 = tpu.memref_slice %arg7[%run_scoped3A_86, %dma_wait3A, %dma_wait3A_146] : memref<32x8x128xf32, #tpu.memory_space<vmem>> -> memref<1x8x128xf32, #tpu.memory_space<vmem>>
      %dma_wait3A_148 = tpu.memref_squeeze %dma_wait3A_147 : memref<1x8x128xf32, #tpu.memory_space<vmem>> -> memref<8x128xf32, #tpu.memory_space<vmem>>
      %dma_wait3A_149 = arith.constant 2048 : i32
      %dma_wait3A_150 = tpu.memref_slice %arg4[%select_n3A, %mul3A_85, %dma_wait3A_149] : memref<4x64x4096xf32, #tpu.memory_space<hbm>> -> memref<1x8x128xf32, #tpu.memory_space<hbm>>
      %dma_wait3A_151 = tpu.memref_squeeze %dma_wait3A_150 : memref<1x8x128xf32, #tpu.memory_space<hbm>> -> memref<8x128xf32, #tpu.memory_space<hbm>>
      %dma_wait3A_152 = arith.constant 2048 : i32
      %dma_wait3A_153 = tpu.memref_slice %arg4[%select_n3A, %mul3A_85, %dma_wait3A_152] : memref<4x64x4096xf32, #tpu.memory_space<hbm>> -> memref<1x8x128xf32, #tpu.memory_space<hbm>>
      %dma_wait3A_154 = tpu.memref_squeeze %dma_wait3A_153 : memref<1x8x128xf32, #tpu.memory_space<hbm>> -> memref<8x128xf32, #tpu.memory_space<hbm>>
      %dma_wait3A_155 = arith.constant 0 : i32
      %dma_wait3A_156 = arith.constant 0 : i32
      %dma_wait3A_157 = tpu.memref_slice %arg7[%run_scoped3A_86, %dma_wait3A_155, %dma_wait3A_156] : memref<32x8x128xf32, #tpu.memory_space<vmem>> -> memref<1x8x128xf32, #tpu.memory_space<vmem>>
      %dma_wait3A_158 = tpu.memref_squeeze %dma_wait3A_157 : memref<1x8x128xf32, #tpu.memory_space<vmem>> -> memref<8x128xf32, #tpu.memory_space<vmem>>
      tpu.wait_dma2 semaphore(%run_scoped3A_132 : memref<!tpu.dma_semaphore, #tpu.memory_space<semaphore_mem>>) src(%dma_wait3A_158 : memref<8x128xf32, #tpu.memory_space<vmem>>) dst(%dma_wait3A_154 : memref<8x128xf32, #tpu.memory_space<hbm>>)
      tpu.yield
    }) : () -> ()
    %mul3A_87 = arith.constant 8 : i32
    %mul3A_88 = arith.muli %select_n3A_30, %mul3A_87 : i32
    %run_scoped3A_89 = arith.constant 17 : i32
    "tpu.region"() ({
      %run_scoped3A_132 = tpu.sem_alloc : memref<!tpu.dma_semaphore, #tpu.memory_space<semaphore_mem>>
      %dma_start3A = arith.constant 0 : i32
      %dma_start3A_133 = arith.constant 0 : i32
      %dma_start3A_134 = tpu.memref_slice %arg7[%run_scoped3A_89, %dma_start3A, %dma_start3A_133] : memref<32x8x128xf32, #tpu.memory_space<vmem>> -> memref<1x8x128xf32, #tpu.memory_space<vmem>>
      %dma_start3A_135 = tpu.memref_squeeze %dma_start3A_134 : memref<1x8x128xf32, #tpu.memory_space<vmem>> -> memref<8x128xf32, #tpu.memory_space<vmem>>
      %dma_start3A_136 = arith.constant 2176 : i32
      %dma_start3A_137 = tpu.memref_slice %arg4[%select_n3A, %mul3A_88, %dma_start3A_136] : memref<4x64x4096xf32, #tpu.memory_space<hbm>> -> memref<1x8x128xf32, #tpu.memory_space<hbm>>
      %dma_start3A_138 = tpu.memref_squeeze %dma_start3A_137 : memref<1x8x128xf32, #tpu.memory_space<hbm>> -> memref<8x128xf32, #tpu.memory_space<hbm>>
      %dma_start3A_139 = arith.constant 2176 : i32
      %dma_start3A_140 = tpu.memref_slice %arg4[%select_n3A, %mul3A_88, %dma_start3A_139] : memref<4x64x4096xf32, #tpu.memory_space<hbm>> -> memref<1x8x128xf32, #tpu.memory_space<hbm>>
      %dma_start3A_141 = tpu.memref_squeeze %dma_start3A_140 : memref<1x8x128xf32, #tpu.memory_space<hbm>> -> memref<8x128xf32, #tpu.memory_space<hbm>>
      %dma_start3A_142 = arith.constant 0 : i32
      %dma_start3A_143 = arith.constant 0 : i32
      %dma_start3A_144 = tpu.memref_slice %arg7[%run_scoped3A_89, %dma_start3A_142, %dma_start3A_143] : memref<32x8x128xf32, #tpu.memory_space<vmem>> -> memref<1x8x128xf32, #tpu.memory_space<vmem>>
      %dma_start3A_145 = tpu.memref_squeeze %dma_start3A_144 : memref<1x8x128xf32, #tpu.memory_space<vmem>> -> memref<8x128xf32, #tpu.memory_space<vmem>>
      tpu.enqueue_dma source(%dma_start3A_145 : memref<8x128xf32, #tpu.memory_space<vmem>>) target(%dma_start3A_141 : memref<8x128xf32, #tpu.memory_space<hbm>>) target_semaphore(%run_scoped3A_132 : memref<!tpu.dma_semaphore, #tpu.memory_space<semaphore_mem>>)
      %dma_wait3A = arith.constant 0 : i32
      %dma_wait3A_146 = arith.constant 0 : i32
      %dma_wait3A_147 = tpu.memref_slice %arg7[%run_scoped3A_89, %dma_wait3A, %dma_wait3A_146] : memref<32x8x128xf32, #tpu.memory_space<vmem>> -> memref<1x8x128xf32, #tpu.memory_space<vmem>>
      %dma_wait3A_148 = tpu.memref_squeeze %dma_wait3A_147 : memref<1x8x128xf32, #tpu.memory_space<vmem>> -> memref<8x128xf32, #tpu.memory_space<vmem>>
      %dma_wait3A_149 = arith.constant 2176 : i32
      %dma_wait3A_150 = tpu.memref_slice %arg4[%select_n3A, %mul3A_88, %dma_wait3A_149] : memref<4x64x4096xf32, #tpu.memory_space<hbm>> -> memref<1x8x128xf32, #tpu.memory_space<hbm>>
      %dma_wait3A_151 = tpu.memref_squeeze %dma_wait3A_150 : memref<1x8x128xf32, #tpu.memory_space<hbm>> -> memref<8x128xf32, #tpu.memory_space<hbm>>
      %dma_wait3A_152 = arith.constant 2176 : i32
      %dma_wait3A_153 = tpu.memref_slice %arg4[%select_n3A, %mul3A_88, %dma_wait3A_152] : memref<4x64x4096xf32, #tpu.memory_space<hbm>> -> memref<1x8x128xf32, #tpu.memory_space<hbm>>
      %dma_wait3A_154 = tpu.memref_squeeze %dma_wait3A_153 : memref<1x8x128xf32, #tpu.memory_space<hbm>> -> memref<8x128xf32, #tpu.memory_space<hbm>>
      %dma_wait3A_155 = arith.constant 0 : i32
      %dma_wait3A_156 = arith.constant 0 : i32
      %dma_wait3A_157 = tpu.memref_slice %arg7[%run_scoped3A_89, %dma_wait3A_155, %dma_wait3A_156] : memref<32x8x128xf32, #tpu.memory_space<vmem>> -> memref<1x8x128xf32, #tpu.memory_space<vmem>>
      %dma_wait3A_158 = tpu.memref_squeeze %dma_wait3A_157 : memref<1x8x128xf32, #tpu.memory_space<vmem>> -> memref<8x128xf32, #tpu.memory_space<vmem>>
      tpu.wait_dma2 semaphore(%run_scoped3A_132 : memref<!tpu.dma_semaphore, #tpu.memory_space<semaphore_mem>>) src(%dma_wait3A_158 : memref<8x128xf32, #tpu.memory_space<vmem>>) dst(%dma_wait3A_154 : memref<8x128xf32, #tpu.memory_space<hbm>>)
      tpu.yield
    }) : () -> ()
    %mul3A_90 = arith.constant 8 : i32
    %mul3A_91 = arith.muli %select_n3A_30, %mul3A_90 : i32
    %run_scoped3A_92 = arith.constant 18 : i32
    "tpu.region"() ({
      %run_scoped3A_132 = tpu.sem_alloc : memref<!tpu.dma_semaphore, #tpu.memory_space<semaphore_mem>>
      %dma_start3A = arith.constant 0 : i32
      %dma_start3A_133 = arith.constant 0 : i32
      %dma_start3A_134 = tpu.memref_slice %arg7[%run_scoped3A_92, %dma_start3A, %dma_start3A_133] : memref<32x8x128xf32, #tpu.memory_space<vmem>> -> memref<1x8x128xf32, #tpu.memory_space<vmem>>
      %dma_start3A_135 = tpu.memref_squeeze %dma_start3A_134 : memref<1x8x128xf32, #tpu.memory_space<vmem>> -> memref<8x128xf32, #tpu.memory_space<vmem>>
      %dma_start3A_136 = arith.constant 2304 : i32
      %dma_start3A_137 = tpu.memref_slice %arg4[%select_n3A, %mul3A_91, %dma_start3A_136] : memref<4x64x4096xf32, #tpu.memory_space<hbm>> -> memref<1x8x128xf32, #tpu.memory_space<hbm>>
      %dma_start3A_138 = tpu.memref_squeeze %dma_start3A_137 : memref<1x8x128xf32, #tpu.memory_space<hbm>> -> memref<8x128xf32, #tpu.memory_space<hbm>>
      %dma_start3A_139 = arith.constant 2304 : i32
      %dma_start3A_140 = tpu.memref_slice %arg4[%select_n3A, %mul3A_91, %dma_start3A_139] : memref<4x64x4096xf32, #tpu.memory_space<hbm>> -> memref<1x8x128xf32, #tpu.memory_space<hbm>>
      %dma_start3A_141 = tpu.memref_squeeze %dma_start3A_140 : memref<1x8x128xf32, #tpu.memory_space<hbm>> -> memref<8x128xf32, #tpu.memory_space<hbm>>
      %dma_start3A_142 = arith.constant 0 : i32
      %dma_start3A_143 = arith.constant 0 : i32
      %dma_start3A_144 = tpu.memref_slice %arg7[%run_scoped3A_92, %dma_start3A_142, %dma_start3A_143] : memref<32x8x128xf32, #tpu.memory_space<vmem>> -> memref<1x8x128xf32, #tpu.memory_space<vmem>>
      %dma_start3A_145 = tpu.memref_squeeze %dma_start3A_144 : memref<1x8x128xf32, #tpu.memory_space<vmem>> -> memref<8x128xf32, #tpu.memory_space<vmem>>
      tpu.enqueue_dma source(%dma_start3A_145 : memref<8x128xf32, #tpu.memory_space<vmem>>) target(%dma_start3A_141 : memref<8x128xf32, #tpu.memory_space<hbm>>) target_semaphore(%run_scoped3A_132 : memref<!tpu.dma_semaphore, #tpu.memory_space<semaphore_mem>>)
      %dma_wait3A = arith.constant 0 : i32
      %dma_wait3A_146 = arith.constant 0 : i32
      %dma_wait3A_147 = tpu.memref_slice %arg7[%run_scoped3A_92, %dma_wait3A, %dma_wait3A_146] : memref<32x8x128xf32, #tpu.memory_space<vmem>> -> memref<1x8x128xf32, #tpu.memory_space<vmem>>
      %dma_wait3A_148 = tpu.memref_squeeze %dma_wait3A_147 : memref<1x8x128xf32, #tpu.memory_space<vmem>> -> memref<8x128xf32, #tpu.memory_space<vmem>>
      %dma_wait3A_149 = arith.constant 2304 : i32
      %dma_wait3A_150 = tpu.memref_slice %arg4[%select_n3A, %mul3A_91, %dma_wait3A_149] : memref<4x64x4096xf32, #tpu.memory_space<hbm>> -> memref<1x8x128xf32, #tpu.memory_space<hbm>>
      %dma_wait3A_151 = tpu.memref_squeeze %dma_wait3A_150 : memref<1x8x128xf32, #tpu.memory_space<hbm>> -> memref<8x128xf32, #tpu.memory_space<hbm>>
      %dma_wait3A_152 = arith.constant 2304 : i32
      %dma_wait3A_153 = tpu.memref_slice %arg4[%select_n3A, %mul3A_91, %dma_wait3A_152] : memref<4x64x4096xf32, #tpu.memory_space<hbm>> -> memref<1x8x128xf32, #tpu.memory_space<hbm>>
      %dma_wait3A_154 = tpu.memref_squeeze %dma_wait3A_153 : memref<1x8x128xf32, #tpu.memory_space<hbm>> -> memref<8x128xf32, #tpu.memory_space<hbm>>
      %dma_wait3A_155 = arith.constant 0 : i32
      %dma_wait3A_156 = arith.constant 0 : i32
      %dma_wait3A_157 = tpu.memref_slice %arg7[%run_scoped3A_92, %dma_wait3A_155, %dma_wait3A_156] : memref<32x8x128xf32, #tpu.memory_space<vmem>> -> memref<1x8x128xf32, #tpu.memory_space<vmem>>
      %dma_wait3A_158 = tpu.memref_squeeze %dma_wait3A_157 : memref<1x8x128xf32, #tpu.memory_space<vmem>> -> memref<8x128xf32, #tpu.memory_space<vmem>>
      tpu.wait_dma2 semaphore(%run_scoped3A_132 : memref<!tpu.dma_semaphore, #tpu.memory_space<semaphore_mem>>) src(%dma_wait3A_158 : memref<8x128xf32, #tpu.memory_space<vmem>>) dst(%dma_wait3A_154 : memref<8x128xf32, #tpu.memory_space<hbm>>)
      tpu.yield
    }) : () -> ()
    %mul3A_93 = arith.constant 8 : i32
    %mul3A_94 = arith.muli %select_n3A_30, %mul3A_93 : i32
    %run_scoped3A_95 = arith.constant 19 : i32
    "tpu.region"() ({
      %run_scoped3A_132 = tpu.sem_alloc : memref<!tpu.dma_semaphore, #tpu.memory_space<semaphore_mem>>
      %dma_start3A = arith.constant 0 : i32
      %dma_start3A_133 = arith.constant 0 : i32
      %dma_start3A_134 = tpu.memref_slice %arg7[%run_scoped3A_95, %dma_start3A, %dma_start3A_133] : memref<32x8x128xf32, #tpu.memory_space<vmem>> -> memref<1x8x128xf32, #tpu.memory_space<vmem>>
      %dma_start3A_135 = tpu.memref_squeeze %dma_start3A_134 : memref<1x8x128xf32, #tpu.memory_space<vmem>> -> memref<8x128xf32, #tpu.memory_space<vmem>>
      %dma_start3A_136 = arith.constant 2432 : i32
      %dma_start3A_137 = tpu.memref_slice %arg4[%select_n3A, %mul3A_94, %dma_start3A_136] : memref<4x64x4096xf32, #tpu.memory_space<hbm>> -> memref<1x8x128xf32, #tpu.memory_space<hbm>>
      %dma_start3A_138 = tpu.memref_squeeze %dma_start3A_137 : memref<1x8x128xf32, #tpu.memory_space<hbm>> -> memref<8x128xf32, #tpu.memory_space<hbm>>
      %dma_start3A_139 = arith.constant 2432 : i32
      %dma_start3A_140 = tpu.memref_slice %arg4[%select_n3A, %mul3A_94, %dma_start3A_139] : memref<4x64x4096xf32, #tpu.memory_space<hbm>> -> memref<1x8x128xf32, #tpu.memory_space<hbm>>
      %dma_start3A_141 = tpu.memref_squeeze %dma_start3A_140 : memref<1x8x128xf32, #tpu.memory_space<hbm>> -> memref<8x128xf32, #tpu.memory_space<hbm>>
      %dma_start3A_142 = arith.constant 0 : i32
      %dma_start3A_143 = arith.constant 0 : i32
      %dma_start3A_144 = tpu.memref_slice %arg7[%run_scoped3A_95, %dma_start3A_142, %dma_start3A_143] : memref<32x8x128xf32, #tpu.memory_space<vmem>> -> memref<1x8x128xf32, #tpu.memory_space<vmem>>
      %dma_start3A_145 = tpu.memref_squeeze %dma_start3A_144 : memref<1x8x128xf32, #tpu.memory_space<vmem>> -> memref<8x128xf32, #tpu.memory_space<vmem>>
      tpu.enqueue_dma source(%dma_start3A_145 : memref<8x128xf32, #tpu.memory_space<vmem>>) target(%dma_start3A_141 : memref<8x128xf32, #tpu.memory_space<hbm>>) target_semaphore(%run_scoped3A_132 : memref<!tpu.dma_semaphore, #tpu.memory_space<semaphore_mem>>)
      %dma_wait3A = arith.constant 0 : i32
      %dma_wait3A_146 = arith.constant 0 : i32
      %dma_wait3A_147 = tpu.memref_slice %arg7[%run_scoped3A_95, %dma_wait3A, %dma_wait3A_146] : memref<32x8x128xf32, #tpu.memory_space<vmem>> -> memref<1x8x128xf32, #tpu.memory_space<vmem>>
      %dma_wait3A_148 = tpu.memref_squeeze %dma_wait3A_147 : memref<1x8x128xf32, #tpu.memory_space<vmem>> -> memref<8x128xf32, #tpu.memory_space<vmem>>
      %dma_wait3A_149 = arith.constant 2432 : i32
      %dma_wait3A_150 = tpu.memref_slice %arg4[%select_n3A, %mul3A_94, %dma_wait3A_149] : memref<4x64x4096xf32, #tpu.memory_space<hbm>> -> memref<1x8x128xf32, #tpu.memory_space<hbm>>
      %dma_wait3A_151 = tpu.memref_squeeze %dma_wait3A_150 : memref<1x8x128xf32, #tpu.memory_space<hbm>> -> memref<8x128xf32, #tpu.memory_space<hbm>>
      %dma_wait3A_152 = arith.constant 2432 : i32
      %dma_wait3A_153 = tpu.memref_slice %arg4[%select_n3A, %mul3A_94, %dma_wait3A_152] : memref<4x64x4096xf32, #tpu.memory_space<hbm>> -> memref<1x8x128xf32, #tpu.memory_space<hbm>>
      %dma_wait3A_154 = tpu.memref_squeeze %dma_wait3A_153 : memref<1x8x128xf32, #tpu.memory_space<hbm>> -> memref<8x128xf32, #tpu.memory_space<hbm>>
      %dma_wait3A_155 = arith.constant 0 : i32
      %dma_wait3A_156 = arith.constant 0 : i32
      %dma_wait3A_157 = tpu.memref_slice %arg7[%run_scoped3A_95, %dma_wait3A_155, %dma_wait3A_156] : memref<32x8x128xf32, #tpu.memory_space<vmem>> -> memref<1x8x128xf32, #tpu.memory_space<vmem>>
      %dma_wait3A_158 = tpu.memref_squeeze %dma_wait3A_157 : memref<1x8x128xf32, #tpu.memory_space<vmem>> -> memref<8x128xf32, #tpu.memory_space<vmem>>
      tpu.wait_dma2 semaphore(%run_scoped3A_132 : memref<!tpu.dma_semaphore, #tpu.memory_space<semaphore_mem>>) src(%dma_wait3A_158 : memref<8x128xf32, #tpu.memory_space<vmem>>) dst(%dma_wait3A_154 : memref<8x128xf32, #tpu.memory_space<hbm>>)
      tpu.yield
    }) : () -> ()
    %mul3A_96 = arith.constant 8 : i32
    %mul3A_97 = arith.muli %select_n3A_30, %mul3A_96 : i32
    %run_scoped3A_98 = arith.constant 20 : i32
    "tpu.region"() ({
      %run_scoped3A_132 = tpu.sem_alloc : memref<!tpu.dma_semaphore, #tpu.memory_space<semaphore_mem>>
      %dma_start3A = arith.constant 0 : i32
      %dma_start3A_133 = arith.constant 0 : i32
      %dma_start3A_134 = tpu.memref_slice %arg7[%run_scoped3A_98, %dma_start3A, %dma_start3A_133] : memref<32x8x128xf32, #tpu.memory_space<vmem>> -> memref<1x8x128xf32, #tpu.memory_space<vmem>>
      %dma_start3A_135 = tpu.memref_squeeze %dma_start3A_134 : memref<1x8x128xf32, #tpu.memory_space<vmem>> -> memref<8x128xf32, #tpu.memory_space<vmem>>
      %dma_start3A_136 = arith.constant 2560 : i32
      %dma_start3A_137 = tpu.memref_slice %arg4[%select_n3A, %mul3A_97, %dma_start3A_136] : memref<4x64x4096xf32, #tpu.memory_space<hbm>> -> memref<1x8x128xf32, #tpu.memory_space<hbm>>
      %dma_start3A_138 = tpu.memref_squeeze %dma_start3A_137 : memref<1x8x128xf32, #tpu.memory_space<hbm>> -> memref<8x128xf32, #tpu.memory_space<hbm>>
      %dma_start3A_139 = arith.constant 2560 : i32
      %dma_start3A_140 = tpu.memref_slice %arg4[%select_n3A, %mul3A_97, %dma_start3A_139] : memref<4x64x4096xf32, #tpu.memory_space<hbm>> -> memref<1x8x128xf32, #tpu.memory_space<hbm>>
      %dma_start3A_141 = tpu.memref_squeeze %dma_start3A_140 : memref<1x8x128xf32, #tpu.memory_space<hbm>> -> memref<8x128xf32, #tpu.memory_space<hbm>>
      %dma_start3A_142 = arith.constant 0 : i32
      %dma_start3A_143 = arith.constant 0 : i32
      %dma_start3A_144 = tpu.memref_slice %arg7[%run_scoped3A_98, %dma_start3A_142, %dma_start3A_143] : memref<32x8x128xf32, #tpu.memory_space<vmem>> -> memref<1x8x128xf32, #tpu.memory_space<vmem>>
      %dma_start3A_145 = tpu.memref_squeeze %dma_start3A_144 : memref<1x8x128xf32, #tpu.memory_space<vmem>> -> memref<8x128xf32, #tpu.memory_space<vmem>>
      tpu.enqueue_dma source(%dma_start3A_145 : memref<8x128xf32, #tpu.memory_space<vmem>>) target(%dma_start3A_141 : memref<8x128xf32, #tpu.memory_space<hbm>>) target_semaphore(%run_scoped3A_132 : memref<!tpu.dma_semaphore, #tpu.memory_space<semaphore_mem>>)
      %dma_wait3A = arith.constant 0 : i32
      %dma_wait3A_146 = arith.constant 0 : i32
      %dma_wait3A_147 = tpu.memref_slice %arg7[%run_scoped3A_98, %dma_wait3A, %dma_wait3A_146] : memref<32x8x128xf32, #tpu.memory_space<vmem>> -> memref<1x8x128xf32, #tpu.memory_space<vmem>>
      %dma_wait3A_148 = tpu.memref_squeeze %dma_wait3A_147 : memref<1x8x128xf32, #tpu.memory_space<vmem>> -> memref<8x128xf32, #tpu.memory_space<vmem>>
      %dma_wait3A_149 = arith.constant 2560 : i32
      %dma_wait3A_150 = tpu.memref_slice %arg4[%select_n3A, %mul3A_97, %dma_wait3A_149] : memref<4x64x4096xf32, #tpu.memory_space<hbm>> -> memref<1x8x128xf32, #tpu.memory_space<hbm>>
      %dma_wait3A_151 = tpu.memref_squeeze %dma_wait3A_150 : memref<1x8x128xf32, #tpu.memory_space<hbm>> -> memref<8x128xf32, #tpu.memory_space<hbm>>
      %dma_wait3A_152 = arith.constant 2560 : i32
      %dma_wait3A_153 = tpu.memref_slice %arg4[%select_n3A, %mul3A_97, %dma_wait3A_152] : memref<4x64x4096xf32, #tpu.memory_space<hbm>> -> memref<1x8x128xf32, #tpu.memory_space<hbm>>
      %dma_wait3A_154 = tpu.memref_squeeze %dma_wait3A_153 : memref<1x8x128xf32, #tpu.memory_space<hbm>> -> memref<8x128xf32, #tpu.memory_space<hbm>>
      %dma_wait3A_155 = arith.constant 0 : i32
      %dma_wait3A_156 = arith.constant 0 : i32
      %dma_wait3A_157 = tpu.memref_slice %arg7[%run_scoped3A_98, %dma_wait3A_155, %dma_wait3A_156] : memref<32x8x128xf32, #tpu.memory_space<vmem>> -> memref<1x8x128xf32, #tpu.memory_space<vmem>>
      %dma_wait3A_158 = tpu.memref_squeeze %dma_wait3A_157 : memref<1x8x128xf32, #tpu.memory_space<vmem>> -> memref<8x128xf32, #tpu.memory_space<vmem>>
      tpu.wait_dma2 semaphore(%run_scoped3A_132 : memref<!tpu.dma_semaphore, #tpu.memory_space<semaphore_mem>>) src(%dma_wait3A_158 : memref<8x128xf32, #tpu.memory_space<vmem>>) dst(%dma_wait3A_154 : memref<8x128xf32, #tpu.memory_space<hbm>>)
      tpu.yield
    }) : () -> ()
    %mul3A_99 = arith.constant 8 : i32
    %mul3A_100 = arith.muli %select_n3A_30, %mul3A_99 : i32
    %run_scoped3A_101 = arith.constant 21 : i32
    "tpu.region"() ({
      %run_scoped3A_132 = tpu.sem_alloc : memref<!tpu.dma_semaphore, #tpu.memory_space<semaphore_mem>>
      %dma_start3A = arith.constant 0 : i32
      %dma_start3A_133 = arith.constant 0 : i32
      %dma_start3A_134 = tpu.memref_slice %arg7[%run_scoped3A_101, %dma_start3A, %dma_start3A_133] : memref<32x8x128xf32, #tpu.memory_space<vmem>> -> memref<1x8x128xf32, #tpu.memory_space<vmem>>
      %dma_start3A_135 = tpu.memref_squeeze %dma_start3A_134 : memref<1x8x128xf32, #tpu.memory_space<vmem>> -> memref<8x128xf32, #tpu.memory_space<vmem>>
      %dma_start3A_136 = arith.constant 2688 : i32
      %dma_start3A_137 = tpu.memref_slice %arg4[%select_n3A, %mul3A_100, %dma_start3A_136] : memref<4x64x4096xf32, #tpu.memory_space<hbm>> -> memref<1x8x128xf32, #tpu.memory_space<hbm>>
      %dma_start3A_138 = tpu.memref_squeeze %dma_start3A_137 : memref<1x8x128xf32, #tpu.memory_space<hbm>> -> memref<8x128xf32, #tpu.memory_space<hbm>>
      %dma_start3A_139 = arith.constant 2688 : i32
      %dma_start3A_140 = tpu.memref_slice %arg4[%select_n3A, %mul3A_100, %dma_start3A_139] : memref<4x64x4096xf32, #tpu.memory_space<hbm>> -> memref<1x8x128xf32, #tpu.memory_space<hbm>>
      %dma_start3A_141 = tpu.memref_squeeze %dma_start3A_140 : memref<1x8x128xf32, #tpu.memory_space<hbm>> -> memref<8x128xf32, #tpu.memory_space<hbm>>
      %dma_start3A_142 = arith.constant 0 : i32
      %dma_start3A_143 = arith.constant 0 : i32
      %dma_start3A_144 = tpu.memref_slice %arg7[%run_scoped3A_101, %dma_start3A_142, %dma_start3A_143] : memref<32x8x128xf32, #tpu.memory_space<vmem>> -> memref<1x8x128xf32, #tpu.memory_space<vmem>>
      %dma_start3A_145 = tpu.memref_squeeze %dma_start3A_144 : memref<1x8x128xf32, #tpu.memory_space<vmem>> -> memref<8x128xf32, #tpu.memory_space<vmem>>
      tpu.enqueue_dma source(%dma_start3A_145 : memref<8x128xf32, #tpu.memory_space<vmem>>) target(%dma_start3A_141 : memref<8x128xf32, #tpu.memory_space<hbm>>) target_semaphore(%run_scoped3A_132 : memref<!tpu.dma_semaphore, #tpu.memory_space<semaphore_mem>>)
      %dma_wait3A = arith.constant 0 : i32
      %dma_wait3A_146 = arith.constant 0 : i32
      %dma_wait3A_147 = tpu.memref_slice %arg7[%run_scoped3A_101, %dma_wait3A, %dma_wait3A_146] : memref<32x8x128xf32, #tpu.memory_space<vmem>> -> memref<1x8x128xf32, #tpu.memory_space<vmem>>
      %dma_wait3A_148 = tpu.memref_squeeze %dma_wait3A_147 : memref<1x8x128xf32, #tpu.memory_space<vmem>> -> memref<8x128xf32, #tpu.memory_space<vmem>>
      %dma_wait3A_149 = arith.constant 2688 : i32
      %dma_wait3A_150 = tpu.memref_slice %arg4[%select_n3A, %mul3A_100, %dma_wait3A_149] : memref<4x64x4096xf32, #tpu.memory_space<hbm>> -> memref<1x8x128xf32, #tpu.memory_space<hbm>>
      %dma_wait3A_151 = tpu.memref_squeeze %dma_wait3A_150 : memref<1x8x128xf32, #tpu.memory_space<hbm>> -> memref<8x128xf32, #tpu.memory_space<hbm>>
      %dma_wait3A_152 = arith.constant 2688 : i32
      %dma_wait3A_153 = tpu.memref_slice %arg4[%select_n3A, %mul3A_100, %dma_wait3A_152] : memref<4x64x4096xf32, #tpu.memory_space<hbm>> -> memref<1x8x128xf32, #tpu.memory_space<hbm>>
      %dma_wait3A_154 = tpu.memref_squeeze %dma_wait3A_153 : memref<1x8x128xf32, #tpu.memory_space<hbm>> -> memref<8x128xf32, #tpu.memory_space<hbm>>
      %dma_wait3A_155 = arith.constant 0 : i32
      %dma_wait3A_156 = arith.constant 0 : i32
      %dma_wait3A_157 = tpu.memref_slice %arg7[%run_scoped3A_101, %dma_wait3A_155, %dma_wait3A_156] : memref<32x8x128xf32, #tpu.memory_space<vmem>> -> memref<1x8x128xf32, #tpu.memory_space<vmem>>
      %dma_wait3A_158 = tpu.memref_squeeze %dma_wait3A_157 : memref<1x8x128xf32, #tpu.memory_space<vmem>> -> memref<8x128xf32, #tpu.memory_space<vmem>>
      tpu.wait_dma2 semaphore(%run_scoped3A_132 : memref<!tpu.dma_semaphore, #tpu.memory_space<semaphore_mem>>) src(%dma_wait3A_158 : memref<8x128xf32, #tpu.memory_space<vmem>>) dst(%dma_wait3A_154 : memref<8x128xf32, #tpu.memory_space<hbm>>)
      tpu.yield
    }) : () -> ()
    %mul3A_102 = arith.constant 8 : i32
    %mul3A_103 = arith.muli %select_n3A_30, %mul3A_102 : i32
    %run_scoped3A_104 = arith.constant 22 : i32
    "tpu.region"() ({
      %run_scoped3A_132 = tpu.sem_alloc : memref<!tpu.dma_semaphore, #tpu.memory_space<semaphore_mem>>
      %dma_start3A = arith.constant 0 : i32
      %dma_start3A_133 = arith.constant 0 : i32
      %dma_start3A_134 = tpu.memref_slice %arg7[%run_scoped3A_104, %dma_start3A, %dma_start3A_133] : memref<32x8x128xf32, #tpu.memory_space<vmem>> -> memref<1x8x128xf32, #tpu.memory_space<vmem>>
      %dma_start3A_135 = tpu.memref_squeeze %dma_start3A_134 : memref<1x8x128xf32, #tpu.memory_space<vmem>> -> memref<8x128xf32, #tpu.memory_space<vmem>>
      %dma_start3A_136 = arith.constant 2816 : i32
      %dma_start3A_137 = tpu.memref_slice %arg4[%select_n3A, %mul3A_103, %dma_start3A_136] : memref<4x64x4096xf32, #tpu.memory_space<hbm>> -> memref<1x8x128xf32, #tpu.memory_space<hbm>>
      %dma_start3A_138 = tpu.memref_squeeze %dma_start3A_137 : memref<1x8x128xf32, #tpu.memory_space<hbm>> -> memref<8x128xf32, #tpu.memory_space<hbm>>
      %dma_start3A_139 = arith.constant 2816 : i32
      %dma_start3A_140 = tpu.memref_slice %arg4[%select_n3A, %mul3A_103, %dma_start3A_139] : memref<4x64x4096xf32, #tpu.memory_space<hbm>> -> memref<1x8x128xf32, #tpu.memory_space<hbm>>
      %dma_start3A_141 = tpu.memref_squeeze %dma_start3A_140 : memref<1x8x128xf32, #tpu.memory_space<hbm>> -> memref<8x128xf32, #tpu.memory_space<hbm>>
      %dma_start3A_142 = arith.constant 0 : i32
      %dma_start3A_143 = arith.constant 0 : i32
      %dma_start3A_144 = tpu.memref_slice %arg7[%run_scoped3A_104, %dma_start3A_142, %dma_start3A_143] : memref<32x8x128xf32, #tpu.memory_space<vmem>> -> memref<1x8x128xf32, #tpu.memory_space<vmem>>
      %dma_start3A_145 = tpu.memref_squeeze %dma_start3A_144 : memref<1x8x128xf32, #tpu.memory_space<vmem>> -> memref<8x128xf32, #tpu.memory_space<vmem>>
      tpu.enqueue_dma source(%dma_start3A_145 : memref<8x128xf32, #tpu.memory_space<vmem>>) target(%dma_start3A_141 : memref<8x128xf32, #tpu.memory_space<hbm>>) target_semaphore(%run_scoped3A_132 : memref<!tpu.dma_semaphore, #tpu.memory_space<semaphore_mem>>)
      %dma_wait3A = arith.constant 0 : i32
      %dma_wait3A_146 = arith.constant 0 : i32
      %dma_wait3A_147 = tpu.memref_slice %arg7[%run_scoped3A_104, %dma_wait3A, %dma_wait3A_146] : memref<32x8x128xf32, #tpu.memory_space<vmem>> -> memref<1x8x128xf32, #tpu.memory_space<vmem>>
      %dma_wait3A_148 = tpu.memref_squeeze %dma_wait3A_147 : memref<1x8x128xf32, #tpu.memory_space<vmem>> -> memref<8x128xf32, #tpu.memory_space<vmem>>
      %dma_wait3A_149 = arith.constant 2816 : i32
      %dma_wait3A_150 = tpu.memref_slice %arg4[%select_n3A, %mul3A_103, %dma_wait3A_149] : memref<4x64x4096xf32, #tpu.memory_space<hbm>> -> memref<1x8x128xf32, #tpu.memory_space<hbm>>
      %dma_wait3A_151 = tpu.memref_squeeze %dma_wait3A_150 : memref<1x8x128xf32, #tpu.memory_space<hbm>> -> memref<8x128xf32, #tpu.memory_space<hbm>>
      %dma_wait3A_152 = arith.constant 2816 : i32
      %dma_wait3A_153 = tpu.memref_slice %arg4[%select_n3A, %mul3A_103, %dma_wait3A_152] : memref<4x64x4096xf32, #tpu.memory_space<hbm>> -> memref<1x8x128xf32, #tpu.memory_space<hbm>>
      %dma_wait3A_154 = tpu.memref_squeeze %dma_wait3A_153 : memref<1x8x128xf32, #tpu.memory_space<hbm>> -> memref<8x128xf32, #tpu.memory_space<hbm>>
      %dma_wait3A_155 = arith.constant 0 : i32
      %dma_wait3A_156 = arith.constant 0 : i32
      %dma_wait3A_157 = tpu.memref_slice %arg7[%run_scoped3A_104, %dma_wait3A_155, %dma_wait3A_156] : memref<32x8x128xf32, #tpu.memory_space<vmem>> -> memref<1x8x128xf32, #tpu.memory_space<vmem>>
      %dma_wait3A_158 = tpu.memref_squeeze %dma_wait3A_157 : memref<1x8x128xf32, #tpu.memory_space<vmem>> -> memref<8x128xf32, #tpu.memory_space<vmem>>
      tpu.wait_dma2 semaphore(%run_scoped3A_132 : memref<!tpu.dma_semaphore, #tpu.memory_space<semaphore_mem>>) src(%dma_wait3A_158 : memref<8x128xf32, #tpu.memory_space<vmem>>) dst(%dma_wait3A_154 : memref<8x128xf32, #tpu.memory_space<hbm>>)
      tpu.yield
    }) : () -> ()
    %mul3A_105 = arith.constant 8 : i32
    %mul3A_106 = arith.muli %select_n3A_30, %mul3A_105 : i32
    %run_scoped3A_107 = arith.constant 23 : i32
    "tpu.region"() ({
      %run_scoped3A_132 = tpu.sem_alloc : memref<!tpu.dma_semaphore, #tpu.memory_space<semaphore_mem>>
      %dma_start3A = arith.constant 0 : i32
      %dma_start3A_133 = arith.constant 0 : i32
      %dma_start3A_134 = tpu.memref_slice %arg7[%run_scoped3A_107, %dma_start3A, %dma_start3A_133] : memref<32x8x128xf32, #tpu.memory_space<vmem>> -> memref<1x8x128xf32, #tpu.memory_space<vmem>>
      %dma_start3A_135 = tpu.memref_squeeze %dma_start3A_134 : memref<1x8x128xf32, #tpu.memory_space<vmem>> -> memref<8x128xf32, #tpu.memory_space<vmem>>
      %dma_start3A_136 = arith.constant 2944 : i32
      %dma_start3A_137 = tpu.memref_slice %arg4[%select_n3A, %mul3A_106, %dma_start3A_136] : memref<4x64x4096xf32, #tpu.memory_space<hbm>> -> memref<1x8x128xf32, #tpu.memory_space<hbm>>
      %dma_start3A_138 = tpu.memref_squeeze %dma_start3A_137 : memref<1x8x128xf32, #tpu.memory_space<hbm>> -> memref<8x128xf32, #tpu.memory_space<hbm>>
      %dma_start3A_139 = arith.constant 2944 : i32
      %dma_start3A_140 = tpu.memref_slice %arg4[%select_n3A, %mul3A_106, %dma_start3A_139] : memref<4x64x4096xf32, #tpu.memory_space<hbm>> -> memref<1x8x128xf32, #tpu.memory_space<hbm>>
      %dma_start3A_141 = tpu.memref_squeeze %dma_start3A_140 : memref<1x8x128xf32, #tpu.memory_space<hbm>> -> memref<8x128xf32, #tpu.memory_space<hbm>>
      %dma_start3A_142 = arith.constant 0 : i32
      %dma_start3A_143 = arith.constant 0 : i32
      %dma_start3A_144 = tpu.memref_slice %arg7[%run_scoped3A_107, %dma_start3A_142, %dma_start3A_143] : memref<32x8x128xf32, #tpu.memory_space<vmem>> -> memref<1x8x128xf32, #tpu.memory_space<vmem>>
      %dma_start3A_145 = tpu.memref_squeeze %dma_start3A_144 : memref<1x8x128xf32, #tpu.memory_space<vmem>> -> memref<8x128xf32, #tpu.memory_space<vmem>>
      tpu.enqueue_dma source(%dma_start3A_145 : memref<8x128xf32, #tpu.memory_space<vmem>>) target(%dma_start3A_141 : memref<8x128xf32, #tpu.memory_space<hbm>>) target_semaphore(%run_scoped3A_132 : memref<!tpu.dma_semaphore, #tpu.memory_space<semaphore_mem>>)
      %dma_wait3A = arith.constant 0 : i32
      %dma_wait3A_146 = arith.constant 0 : i32
      %dma_wait3A_147 = tpu.memref_slice %arg7[%run_scoped3A_107, %dma_wait3A, %dma_wait3A_146] : memref<32x8x128xf32, #tpu.memory_space<vmem>> -> memref<1x8x128xf32, #tpu.memory_space<vmem>>
      %dma_wait3A_148 = tpu.memref_squeeze %dma_wait3A_147 : memref<1x8x128xf32, #tpu.memory_space<vmem>> -> memref<8x128xf32, #tpu.memory_space<vmem>>
      %dma_wait3A_149 = arith.constant 2944 : i32
      %dma_wait3A_150 = tpu.memref_slice %arg4[%select_n3A, %mul3A_106, %dma_wait3A_149] : memref<4x64x4096xf32, #tpu.memory_space<hbm>> -> memref<1x8x128xf32, #tpu.memory_space<hbm>>
      %dma_wait3A_151 = tpu.memref_squeeze %dma_wait3A_150 : memref<1x8x128xf32, #tpu.memory_space<hbm>> -> memref<8x128xf32, #tpu.memory_space<hbm>>
      %dma_wait3A_152 = arith.constant 2944 : i32
      %dma_wait3A_153 = tpu.memref_slice %arg4[%select_n3A, %mul3A_106, %dma_wait3A_152] : memref<4x64x4096xf32, #tpu.memory_space<hbm>> -> memref<1x8x128xf32, #tpu.memory_space<hbm>>
      %dma_wait3A_154 = tpu.memref_squeeze %dma_wait3A_153 : memref<1x8x128xf32, #tpu.memory_space<hbm>> -> memref<8x128xf32, #tpu.memory_space<hbm>>
      %dma_wait3A_155 = arith.constant 0 : i32
      %dma_wait3A_156 = arith.constant 0 : i32
      %dma_wait3A_157 = tpu.memref_slice %arg7[%run_scoped3A_107, %dma_wait3A_155, %dma_wait3A_156] : memref<32x8x128xf32, #tpu.memory_space<vmem>> -> memref<1x8x128xf32, #tpu.memory_space<vmem>>
      %dma_wait3A_158 = tpu.memref_squeeze %dma_wait3A_157 : memref<1x8x128xf32, #tpu.memory_space<vmem>> -> memref<8x128xf32, #tpu.memory_space<vmem>>
      tpu.wait_dma2 semaphore(%run_scoped3A_132 : memref<!tpu.dma_semaphore, #tpu.memory_space<semaphore_mem>>) src(%dma_wait3A_158 : memref<8x128xf32, #tpu.memory_space<vmem>>) dst(%dma_wait3A_154 : memref<8x128xf32, #tpu.memory_space<hbm>>)
      tpu.yield
    }) : () -> ()
    %mul3A_108 = arith.constant 8 : i32
    %mul3A_109 = arith.muli %select_n3A_30, %mul3A_108 : i32
    %run_scoped3A_110 = arith.constant 24 : i32
    "tpu.region"() ({
      %run_scoped3A_132 = tpu.sem_alloc : memref<!tpu.dma_semaphore, #tpu.memory_space<semaphore_mem>>
      %dma_start3A = arith.constant 0 : i32
      %dma_start3A_133 = arith.constant 0 : i32
      %dma_start3A_134 = tpu.memref_slice %arg7[%run_scoped3A_110, %dma_start3A, %dma_start3A_133] : memref<32x8x128xf32, #tpu.memory_space<vmem>> -> memref<1x8x128xf32, #tpu.memory_space<vmem>>
      %dma_start3A_135 = tpu.memref_squeeze %dma_start3A_134 : memref<1x8x128xf32, #tpu.memory_space<vmem>> -> memref<8x128xf32, #tpu.memory_space<vmem>>
      %dma_start3A_136 = arith.constant 3072 : i32
      %dma_start3A_137 = tpu.memref_slice %arg4[%select_n3A, %mul3A_109, %dma_start3A_136] : memref<4x64x4096xf32, #tpu.memory_space<hbm>> -> memref<1x8x128xf32, #tpu.memory_space<hbm>>
      %dma_start3A_138 = tpu.memref_squeeze %dma_start3A_137 : memref<1x8x128xf32, #tpu.memory_space<hbm>> -> memref<8x128xf32, #tpu.memory_space<hbm>>
      %dma_start3A_139 = arith.constant 3072 : i32
      %dma_start3A_140 = tpu.memref_slice %arg4[%select_n3A, %mul3A_109, %dma_start3A_139] : memref<4x64x4096xf32, #tpu.memory_space<hbm>> -> memref<1x8x128xf32, #tpu.memory_space<hbm>>
      %dma_start3A_141 = tpu.memref_squeeze %dma_start3A_140 : memref<1x8x128xf32, #tpu.memory_space<hbm>> -> memref<8x128xf32, #tpu.memory_space<hbm>>
      %dma_start3A_142 = arith.constant 0 : i32
      %dma_start3A_143 = arith.constant 0 : i32
      %dma_start3A_144 = tpu.memref_slice %arg7[%run_scoped3A_110, %dma_start3A_142, %dma_start3A_143] : memref<32x8x128xf32, #tpu.memory_space<vmem>> -> memref<1x8x128xf32, #tpu.memory_space<vmem>>
      %dma_start3A_145 = tpu.memref_squeeze %dma_start3A_144 : memref<1x8x128xf32, #tpu.memory_space<vmem>> -> memref<8x128xf32, #tpu.memory_space<vmem>>
      tpu.enqueue_dma source(%dma_start3A_145 : memref<8x128xf32, #tpu.memory_space<vmem>>) target(%dma_start3A_141 : memref<8x128xf32, #tpu.memory_space<hbm>>) target_semaphore(%run_scoped3A_132 : memref<!tpu.dma_semaphore, #tpu.memory_space<semaphore_mem>>)
      %dma_wait3A = arith.constant 0 : i32
      %dma_wait3A_146 = arith.constant 0 : i32
      %dma_wait3A_147 = tpu.memref_slice %arg7[%run_scoped3A_110, %dma_wait3A, %dma_wait3A_146] : memref<32x8x128xf32, #tpu.memory_space<vmem>> -> memref<1x8x128xf32, #tpu.memory_space<vmem>>
      %dma_wait3A_148 = tpu.memref_squeeze %dma_wait3A_147 : memref<1x8x128xf32, #tpu.memory_space<vmem>> -> memref<8x128xf32, #tpu.memory_space<vmem>>
      %dma_wait3A_149 = arith.constant 3072 : i32
      %dma_wait3A_150 = tpu.memref_slice %arg4[%select_n3A, %mul3A_109, %dma_wait3A_149] : memref<4x64x4096xf32, #tpu.memory_space<hbm>> -> memref<1x8x128xf32, #tpu.memory_space<hbm>>
      %dma_wait3A_151 = tpu.memref_squeeze %dma_wait3A_150 : memref<1x8x128xf32, #tpu.memory_space<hbm>> -> memref<8x128xf32, #tpu.memory_space<hbm>>
      %dma_wait3A_152 = arith.constant 3072 : i32
      %dma_wait3A_153 = tpu.memref_slice %arg4[%select_n3A, %mul3A_109, %dma_wait3A_152] : memref<4x64x4096xf32, #tpu.memory_space<hbm>> -> memref<1x8x128xf32, #tpu.memory_space<hbm>>
      %dma_wait3A_154 = tpu.memref_squeeze %dma_wait3A_153 : memref<1x8x128xf32, #tpu.memory_space<hbm>> -> memref<8x128xf32, #tpu.memory_space<hbm>>
      %dma_wait3A_155 = arith.constant 0 : i32
      %dma_wait3A_156 = arith.constant 0 : i32
      %dma_wait3A_157 = tpu.memref_slice %arg7[%run_scoped3A_110, %dma_wait3A_155, %dma_wait3A_156] : memref<32x8x128xf32, #tpu.memory_space<vmem>> -> memref<1x8x128xf32, #tpu.memory_space<vmem>>
      %dma_wait3A_158 = tpu.memref_squeeze %dma_wait3A_157 : memref<1x8x128xf32, #tpu.memory_space<vmem>> -> memref<8x128xf32, #tpu.memory_space<vmem>>
      tpu.wait_dma2 semaphore(%run_scoped3A_132 : memref<!tpu.dma_semaphore, #tpu.memory_space<semaphore_mem>>) src(%dma_wait3A_158 : memref<8x128xf32, #tpu.memory_space<vmem>>) dst(%dma_wait3A_154 : memref<8x128xf32, #tpu.memory_space<hbm>>)
      tpu.yield
    }) : () -> ()
    %mul3A_111 = arith.constant 8 : i32
    %mul3A_112 = arith.muli %select_n3A_30, %mul3A_111 : i32
    %run_scoped3A_113 = arith.constant 25 : i32
    "tpu.region"() ({
      %run_scoped3A_132 = tpu.sem_alloc : memref<!tpu.dma_semaphore, #tpu.memory_space<semaphore_mem>>
      %dma_start3A = arith.constant 0 : i32
      %dma_start3A_133 = arith.constant 0 : i32
      %dma_start3A_134 = tpu.memref_slice %arg7[%run_scoped3A_113, %dma_start3A, %dma_start3A_133] : memref<32x8x128xf32, #tpu.memory_space<vmem>> -> memref<1x8x128xf32, #tpu.memory_space<vmem>>
      %dma_start3A_135 = tpu.memref_squeeze %dma_start3A_134 : memref<1x8x128xf32, #tpu.memory_space<vmem>> -> memref<8x128xf32, #tpu.memory_space<vmem>>
      %dma_start3A_136 = arith.constant 3200 : i32
      %dma_start3A_137 = tpu.memref_slice %arg4[%select_n3A, %mul3A_112, %dma_start3A_136] : memref<4x64x4096xf32, #tpu.memory_space<hbm>> -> memref<1x8x128xf32, #tpu.memory_space<hbm>>
      %dma_start3A_138 = tpu.memref_squeeze %dma_start3A_137 : memref<1x8x128xf32, #tpu.memory_space<hbm>> -> memref<8x128xf32, #tpu.memory_space<hbm>>
      %dma_start3A_139 = arith.constant 3200 : i32
      %dma_start3A_140 = tpu.memref_slice %arg4[%select_n3A, %mul3A_112, %dma_start3A_139] : memref<4x64x4096xf32, #tpu.memory_space<hbm>> -> memref<1x8x128xf32, #tpu.memory_space<hbm>>
      %dma_start3A_141 = tpu.memref_squeeze %dma_start3A_140 : memref<1x8x128xf32, #tpu.memory_space<hbm>> -> memref<8x128xf32, #tpu.memory_space<hbm>>
      %dma_start3A_142 = arith.constant 0 : i32
      %dma_start3A_143 = arith.constant 0 : i32
      %dma_start3A_144 = tpu.memref_slice %arg7[%run_scoped3A_113, %dma_start3A_142, %dma_start3A_143] : memref<32x8x128xf32, #tpu.memory_space<vmem>> -> memref<1x8x128xf32, #tpu.memory_space<vmem>>
      %dma_start3A_145 = tpu.memref_squeeze %dma_start3A_144 : memref<1x8x128xf32, #tpu.memory_space<vmem>> -> memref<8x128xf32, #tpu.memory_space<vmem>>
      tpu.enqueue_dma source(%dma_start3A_145 : memref<8x128xf32, #tpu.memory_space<vmem>>) target(%dma_start3A_141 : memref<8x128xf32, #tpu.memory_space<hbm>>) target_semaphore(%run_scoped3A_132 : memref<!tpu.dma_semaphore, #tpu.memory_space<semaphore_mem>>)
      %dma_wait3A = arith.constant 0 : i32
      %dma_wait3A_146 = arith.constant 0 : i32
      %dma_wait3A_147 = tpu.memref_slice %arg7[%run_scoped3A_113, %dma_wait3A, %dma_wait3A_146] : memref<32x8x128xf32, #tpu.memory_space<vmem>> -> memref<1x8x128xf32, #tpu.memory_space<vmem>>
      %dma_wait3A_148 = tpu.memref_squeeze %dma_wait3A_147 : memref<1x8x128xf32, #tpu.memory_space<vmem>> -> memref<8x128xf32, #tpu.memory_space<vmem>>
      %dma_wait3A_149 = arith.constant 3200 : i32
      %dma_wait3A_150 = tpu.memref_slice %arg4[%select_n3A, %mul3A_112, %dma_wait3A_149] : memref<4x64x4096xf32, #tpu.memory_space<hbm>> -> memref<1x8x128xf32, #tpu.memory_space<hbm>>
      %dma_wait3A_151 = tpu.memref_squeeze %dma_wait3A_150 : memref<1x8x128xf32, #tpu.memory_space<hbm>> -> memref<8x128xf32, #tpu.memory_space<hbm>>
      %dma_wait3A_152 = arith.constant 3200 : i32
      %dma_wait3A_153 = tpu.memref_slice %arg4[%select_n3A, %mul3A_112, %dma_wait3A_152] : memref<4x64x4096xf32, #tpu.memory_space<hbm>> -> memref<1x8x128xf32, #tpu.memory_space<hbm>>
      %dma_wait3A_154 = tpu.memref_squeeze %dma_wait3A_153 : memref<1x8x128xf32, #tpu.memory_space<hbm>> -> memref<8x128xf32, #tpu.memory_space<hbm>>
      %dma_wait3A_155 = arith.constant 0 : i32
      %dma_wait3A_156 = arith.constant 0 : i32
      %dma_wait3A_157 = tpu.memref_slice %arg7[%run_scoped3A_113, %dma_wait3A_155, %dma_wait3A_156] : memref<32x8x128xf32, #tpu.memory_space<vmem>> -> memref<1x8x128xf32, #tpu.memory_space<vmem>>
      %dma_wait3A_158 = tpu.memref_squeeze %dma_wait3A_157 : memref<1x8x128xf32, #tpu.memory_space<vmem>> -> memref<8x128xf32, #tpu.memory_space<vmem>>
      tpu.wait_dma2 semaphore(%run_scoped3A_132 : memref<!tpu.dma_semaphore, #tpu.memory_space<semaphore_mem>>) src(%dma_wait3A_158 : memref<8x128xf32, #tpu.memory_space<vmem>>) dst(%dma_wait3A_154 : memref<8x128xf32, #tpu.memory_space<hbm>>)
      tpu.yield
    }) : () -> ()
    %mul3A_114 = arith.constant 8 : i32
    %mul3A_115 = arith.muli %select_n3A_30, %mul3A_114 : i32
    %run_scoped3A_116 = arith.constant 26 : i32
    "tpu.region"() ({
      %run_scoped3A_132 = tpu.sem_alloc : memref<!tpu.dma_semaphore, #tpu.memory_space<semaphore_mem>>
      %dma_start3A = arith.constant 0 : i32
      %dma_start3A_133 = arith.constant 0 : i32
      %dma_start3A_134 = tpu.memref_slice %arg7[%run_scoped3A_116, %dma_start3A, %dma_start3A_133] : memref<32x8x128xf32, #tpu.memory_space<vmem>> -> memref<1x8x128xf32, #tpu.memory_space<vmem>>
      %dma_start3A_135 = tpu.memref_squeeze %dma_start3A_134 : memref<1x8x128xf32, #tpu.memory_space<vmem>> -> memref<8x128xf32, #tpu.memory_space<vmem>>
      %dma_start3A_136 = arith.constant 3328 : i32
      %dma_start3A_137 = tpu.memref_slice %arg4[%select_n3A, %mul3A_115, %dma_start3A_136] : memref<4x64x4096xf32, #tpu.memory_space<hbm>> -> memref<1x8x128xf32, #tpu.memory_space<hbm>>
      %dma_start3A_138 = tpu.memref_squeeze %dma_start3A_137 : memref<1x8x128xf32, #tpu.memory_space<hbm>> -> memref<8x128xf32, #tpu.memory_space<hbm>>
      %dma_start3A_139 = arith.constant 3328 : i32
      %dma_start3A_140 = tpu.memref_slice %arg4[%select_n3A, %mul3A_115, %dma_start3A_139] : memref<4x64x4096xf32, #tpu.memory_space<hbm>> -> memref<1x8x128xf32, #tpu.memory_space<hbm>>
      %dma_start3A_141 = tpu.memref_squeeze %dma_start3A_140 : memref<1x8x128xf32, #tpu.memory_space<hbm>> -> memref<8x128xf32, #tpu.memory_space<hbm>>
      %dma_start3A_142 = arith.constant 0 : i32
      %dma_start3A_143 = arith.constant 0 : i32
      %dma_start3A_144 = tpu.memref_slice %arg7[%run_scoped3A_116, %dma_start3A_142, %dma_start3A_143] : memref<32x8x128xf32, #tpu.memory_space<vmem>> -> memref<1x8x128xf32, #tpu.memory_space<vmem>>
      %dma_start3A_145 = tpu.memref_squeeze %dma_start3A_144 : memref<1x8x128xf32, #tpu.memory_space<vmem>> -> memref<8x128xf32, #tpu.memory_space<vmem>>
      tpu.enqueue_dma source(%dma_start3A_145 : memref<8x128xf32, #tpu.memory_space<vmem>>) target(%dma_start3A_141 : memref<8x128xf32, #tpu.memory_space<hbm>>) target_semaphore(%run_scoped3A_132 : memref<!tpu.dma_semaphore, #tpu.memory_space<semaphore_mem>>)
      %dma_wait3A = arith.constant 0 : i32
      %dma_wait3A_146 = arith.constant 0 : i32
      %dma_wait3A_147 = tpu.memref_slice %arg7[%run_scoped3A_116, %dma_wait3A, %dma_wait3A_146] : memref<32x8x128xf32, #tpu.memory_space<vmem>> -> memref<1x8x128xf32, #tpu.memory_space<vmem>>
      %dma_wait3A_148 = tpu.memref_squeeze %dma_wait3A_147 : memref<1x8x128xf32, #tpu.memory_space<vmem>> -> memref<8x128xf32, #tpu.memory_space<vmem>>
      %dma_wait3A_149 = arith.constant 3328 : i32
      %dma_wait3A_150 = tpu.memref_slice %arg4[%select_n3A, %mul3A_115, %dma_wait3A_149] : memref<4x64x4096xf32, #tpu.memory_space<hbm>> -> memref<1x8x128xf32, #tpu.memory_space<hbm>>
      %dma_wait3A_151 = tpu.memref_squeeze %dma_wait3A_150 : memref<1x8x128xf32, #tpu.memory_space<hbm>> -> memref<8x128xf32, #tpu.memory_space<hbm>>
      %dma_wait3A_152 = arith.constant 3328 : i32
      %dma_wait3A_153 = tpu.memref_slice %arg4[%select_n3A, %mul3A_115, %dma_wait3A_152] : memref<4x64x4096xf32, #tpu.memory_space<hbm>> -> memref<1x8x128xf32, #tpu.memory_space<hbm>>
      %dma_wait3A_154 = tpu.memref_squeeze %dma_wait3A_153 : memref<1x8x128xf32, #tpu.memory_space<hbm>> -> memref<8x128xf32, #tpu.memory_space<hbm>>
      %dma_wait3A_155 = arith.constant 0 : i32
      %dma_wait3A_156 = arith.constant 0 : i32
      %dma_wait3A_157 = tpu.memref_slice %arg7[%run_scoped3A_116, %dma_wait3A_155, %dma_wait3A_156] : memref<32x8x128xf32, #tpu.memory_space<vmem>> -> memref<1x8x128xf32, #tpu.memory_space<vmem>>
      %dma_wait3A_158 = tpu.memref_squeeze %dma_wait3A_157 : memref<1x8x128xf32, #tpu.memory_space<vmem>> -> memref<8x128xf32, #tpu.memory_space<vmem>>
      tpu.wait_dma2 semaphore(%run_scoped3A_132 : memref<!tpu.dma_semaphore, #tpu.memory_space<semaphore_mem>>) src(%dma_wait3A_158 : memref<8x128xf32, #tpu.memory_space<vmem>>) dst(%dma_wait3A_154 : memref<8x128xf32, #tpu.memory_space<hbm>>)
      tpu.yield
    }) : () -> ()
    %mul3A_117 = arith.constant 8 : i32
    %mul3A_118 = arith.muli %select_n3A_30, %mul3A_117 : i32
    %run_scoped3A_119 = arith.constant 27 : i32
    "tpu.region"() ({
      %run_scoped3A_132 = tpu.sem_alloc : memref<!tpu.dma_semaphore, #tpu.memory_space<semaphore_mem>>
      %dma_start3A = arith.constant 0 : i32
      %dma_start3A_133 = arith.constant 0 : i32
      %dma_start3A_134 = tpu.memref_slice %arg7[%run_scoped3A_119, %dma_start3A, %dma_start3A_133] : memref<32x8x128xf32, #tpu.memory_space<vmem>> -> memref<1x8x128xf32, #tpu.memory_space<vmem>>
      %dma_start3A_135 = tpu.memref_squeeze %dma_start3A_134 : memref<1x8x128xf32, #tpu.memory_space<vmem>> -> memref<8x128xf32, #tpu.memory_space<vmem>>
      %dma_start3A_136 = arith.constant 3456 : i32
      %dma_start3A_137 = tpu.memref_slice %arg4[%select_n3A, %mul3A_118, %dma_start3A_136] : memref<4x64x4096xf32, #tpu.memory_space<hbm>> -> memref<1x8x128xf32, #tpu.memory_space<hbm>>
      %dma_start3A_138 = tpu.memref_squeeze %dma_start3A_137 : memref<1x8x128xf32, #tpu.memory_space<hbm>> -> memref<8x128xf32, #tpu.memory_space<hbm>>
      %dma_start3A_139 = arith.constant 3456 : i32
      %dma_start3A_140 = tpu.memref_slice %arg4[%select_n3A, %mul3A_118, %dma_start3A_139] : memref<4x64x4096xf32, #tpu.memory_space<hbm>> -> memref<1x8x128xf32, #tpu.memory_space<hbm>>
      %dma_start3A_141 = tpu.memref_squeeze %dma_start3A_140 : memref<1x8x128xf32, #tpu.memory_space<hbm>> -> memref<8x128xf32, #tpu.memory_space<hbm>>
      %dma_start3A_142 = arith.constant 0 : i32
      %dma_start3A_143 = arith.constant 0 : i32
      %dma_start3A_144 = tpu.memref_slice %arg7[%run_scoped3A_119, %dma_start3A_142, %dma_start3A_143] : memref<32x8x128xf32, #tpu.memory_space<vmem>> -> memref<1x8x128xf32, #tpu.memory_space<vmem>>
      %dma_start3A_145 = tpu.memref_squeeze %dma_start3A_144 : memref<1x8x128xf32, #tpu.memory_space<vmem>> -> memref<8x128xf32, #tpu.memory_space<vmem>>
      tpu.enqueue_dma source(%dma_start3A_145 : memref<8x128xf32, #tpu.memory_space<vmem>>) target(%dma_start3A_141 : memref<8x128xf32, #tpu.memory_space<hbm>>) target_semaphore(%run_scoped3A_132 : memref<!tpu.dma_semaphore, #tpu.memory_space<semaphore_mem>>)
      %dma_wait3A = arith.constant 0 : i32
      %dma_wait3A_146 = arith.constant 0 : i32
      %dma_wait3A_147 = tpu.memref_slice %arg7[%run_scoped3A_119, %dma_wait3A, %dma_wait3A_146] : memref<32x8x128xf32, #tpu.memory_space<vmem>> -> memref<1x8x128xf32, #tpu.memory_space<vmem>>
      %dma_wait3A_148 = tpu.memref_squeeze %dma_wait3A_147 : memref<1x8x128xf32, #tpu.memory_space<vmem>> -> memref<8x128xf32, #tpu.memory_space<vmem>>
      %dma_wait3A_149 = arith.constant 3456 : i32
      %dma_wait3A_150 = tpu.memref_slice %arg4[%select_n3A, %mul3A_118, %dma_wait3A_149] : memref<4x64x4096xf32, #tpu.memory_space<hbm>> -> memref<1x8x128xf32, #tpu.memory_space<hbm>>
      %dma_wait3A_151 = tpu.memref_squeeze %dma_wait3A_150 : memref<1x8x128xf32, #tpu.memory_space<hbm>> -> memref<8x128xf32, #tpu.memory_space<hbm>>
      %dma_wait3A_152 = arith.constant 3456 : i32
      %dma_wait3A_153 = tpu.memref_slice %arg4[%select_n3A, %mul3A_118, %dma_wait3A_152] : memref<4x64x4096xf32, #tpu.memory_space<hbm>> -> memref<1x8x128xf32, #tpu.memory_space<hbm>>
      %dma_wait3A_154 = tpu.memref_squeeze %dma_wait3A_153 : memref<1x8x128xf32, #tpu.memory_space<hbm>> -> memref<8x128xf32, #tpu.memory_space<hbm>>
      %dma_wait3A_155 = arith.constant 0 : i32
      %dma_wait3A_156 = arith.constant 0 : i32
      %dma_wait3A_157 = tpu.memref_slice %arg7[%run_scoped3A_119, %dma_wait3A_155, %dma_wait3A_156] : memref<32x8x128xf32, #tpu.memory_space<vmem>> -> memref<1x8x128xf32, #tpu.memory_space<vmem>>
      %dma_wait3A_158 = tpu.memref_squeeze %dma_wait3A_157 : memref<1x8x128xf32, #tpu.memory_space<vmem>> -> memref<8x128xf32, #tpu.memory_space<vmem>>
      tpu.wait_dma2 semaphore(%run_scoped3A_132 : memref<!tpu.dma_semaphore, #tpu.memory_space<semaphore_mem>>) src(%dma_wait3A_158 : memref<8x128xf32, #tpu.memory_space<vmem>>) dst(%dma_wait3A_154 : memref<8x128xf32, #tpu.memory_space<hbm>>)
      tpu.yield
    }) : () -> ()
    %mul3A_120 = arith.constant 8 : i32
    %mul3A_121 = arith.muli %select_n3A_30, %mul3A_120 : i32
    %run_scoped3A_122 = arith.constant 28 : i32
    "tpu.region"() ({
      %run_scoped3A_132 = tpu.sem_alloc : memref<!tpu.dma_semaphore, #tpu.memory_space<semaphore_mem>>
      %dma_start3A = arith.constant 0 : i32
      %dma_start3A_133 = arith.constant 0 : i32
      %dma_start3A_134 = tpu.memref_slice %arg7[%run_scoped3A_122, %dma_start3A, %dma_start3A_133] : memref<32x8x128xf32, #tpu.memory_space<vmem>> -> memref<1x8x128xf32, #tpu.memory_space<vmem>>
      %dma_start3A_135 = tpu.memref_squeeze %dma_start3A_134 : memref<1x8x128xf32, #tpu.memory_space<vmem>> -> memref<8x128xf32, #tpu.memory_space<vmem>>
      %dma_start3A_136 = arith.constant 3584 : i32
      %dma_start3A_137 = tpu.memref_slice %arg4[%select_n3A, %mul3A_121, %dma_start3A_136] : memref<4x64x4096xf32, #tpu.memory_space<hbm>> -> memref<1x8x128xf32, #tpu.memory_space<hbm>>
      %dma_start3A_138 = tpu.memref_squeeze %dma_start3A_137 : memref<1x8x128xf32, #tpu.memory_space<hbm>> -> memref<8x128xf32, #tpu.memory_space<hbm>>
      %dma_start3A_139 = arith.constant 3584 : i32
      %dma_start3A_140 = tpu.memref_slice %arg4[%select_n3A, %mul3A_121, %dma_start3A_139] : memref<4x64x4096xf32, #tpu.memory_space<hbm>> -> memref<1x8x128xf32, #tpu.memory_space<hbm>>
      %dma_start3A_141 = tpu.memref_squeeze %dma_start3A_140 : memref<1x8x128xf32, #tpu.memory_space<hbm>> -> memref<8x128xf32, #tpu.memory_space<hbm>>
      %dma_start3A_142 = arith.constant 0 : i32
      %dma_start3A_143 = arith.constant 0 : i32
      %dma_start3A_144 = tpu.memref_slice %arg7[%run_scoped3A_122, %dma_start3A_142, %dma_start3A_143] : memref<32x8x128xf32, #tpu.memory_space<vmem>> -> memref<1x8x128xf32, #tpu.memory_space<vmem>>
      %dma_start3A_145 = tpu.memref_squeeze %dma_start3A_144 : memref<1x8x128xf32, #tpu.memory_space<vmem>> -> memref<8x128xf32, #tpu.memory_space<vmem>>
      tpu.enqueue_dma source(%dma_start3A_145 : memref<8x128xf32, #tpu.memory_space<vmem>>) target(%dma_start3A_141 : memref<8x128xf32, #tpu.memory_space<hbm>>) target_semaphore(%run_scoped3A_132 : memref<!tpu.dma_semaphore, #tpu.memory_space<semaphore_mem>>)
      %dma_wait3A = arith.constant 0 : i32
      %dma_wait3A_146 = arith.constant 0 : i32
      %dma_wait3A_147 = tpu.memref_slice %arg7[%run_scoped3A_122, %dma_wait3A, %dma_wait3A_146] : memref<32x8x128xf32, #tpu.memory_space<vmem>> -> memref<1x8x128xf32, #tpu.memory_space<vmem>>
      %dma_wait3A_148 = tpu.memref_squeeze %dma_wait3A_147 : memref<1x8x128xf32, #tpu.memory_space<vmem>> -> memref<8x128xf32, #tpu.memory_space<vmem>>
      %dma_wait3A_149 = arith.constant 3584 : i32
      %dma_wait3A_150 = tpu.memref_slice %arg4[%select_n3A, %mul3A_121, %dma_wait3A_149] : memref<4x64x4096xf32, #tpu.memory_space<hbm>> -> memref<1x8x128xf32, #tpu.memory_space<hbm>>
      %dma_wait3A_151 = tpu.memref_squeeze %dma_wait3A_150 : memref<1x8x128xf32, #tpu.memory_space<hbm>> -> memref<8x128xf32, #tpu.memory_space<hbm>>
      %dma_wait3A_152 = arith.constant 3584 : i32
      %dma_wait3A_153 = tpu.memref_slice %arg4[%select_n3A, %mul3A_121, %dma_wait3A_152] : memref<4x64x4096xf32, #tpu.memory_space<hbm>> -> memref<1x8x128xf32, #tpu.memory_space<hbm>>
      %dma_wait3A_154 = tpu.memref_squeeze %dma_wait3A_153 : memref<1x8x128xf32, #tpu.memory_space<hbm>> -> memref<8x128xf32, #tpu.memory_space<hbm>>
      %dma_wait3A_155 = arith.constant 0 : i32
      %dma_wait3A_156 = arith.constant 0 : i32
      %dma_wait3A_157 = tpu.memref_slice %arg7[%run_scoped3A_122, %dma_wait3A_155, %dma_wait3A_156] : memref<32x8x128xf32, #tpu.memory_space<vmem>> -> memref<1x8x128xf32, #tpu.memory_space<vmem>>
      %dma_wait3A_158 = tpu.memref_squeeze %dma_wait3A_157 : memref<1x8x128xf32, #tpu.memory_space<vmem>> -> memref<8x128xf32, #tpu.memory_space<vmem>>
      tpu.wait_dma2 semaphore(%run_scoped3A_132 : memref<!tpu.dma_semaphore, #tpu.memory_space<semaphore_mem>>) src(%dma_wait3A_158 : memref<8x128xf32, #tpu.memory_space<vmem>>) dst(%dma_wait3A_154 : memref<8x128xf32, #tpu.memory_space<hbm>>)
      tpu.yield
    }) : () -> ()
    %mul3A_123 = arith.constant 8 : i32
    %mul3A_124 = arith.muli %select_n3A_30, %mul3A_123 : i32
    %run_scoped3A_125 = arith.constant 29 : i32
    "tpu.region"() ({
      %run_scoped3A_132 = tpu.sem_alloc : memref<!tpu.dma_semaphore, #tpu.memory_space<semaphore_mem>>
      %dma_start3A = arith.constant 0 : i32
      %dma_start3A_133 = arith.constant 0 : i32
      %dma_start3A_134 = tpu.memref_slice %arg7[%run_scoped3A_125, %dma_start3A, %dma_start3A_133] : memref<32x8x128xf32, #tpu.memory_space<vmem>> -> memref<1x8x128xf32, #tpu.memory_space<vmem>>
      %dma_start3A_135 = tpu.memref_squeeze %dma_start3A_134 : memref<1x8x128xf32, #tpu.memory_space<vmem>> -> memref<8x128xf32, #tpu.memory_space<vmem>>
      %dma_start3A_136 = arith.constant 3712 : i32
      %dma_start3A_137 = tpu.memref_slice %arg4[%select_n3A, %mul3A_124, %dma_start3A_136] : memref<4x64x4096xf32, #tpu.memory_space<hbm>> -> memref<1x8x128xf32, #tpu.memory_space<hbm>>
      %dma_start3A_138 = tpu.memref_squeeze %dma_start3A_137 : memref<1x8x128xf32, #tpu.memory_space<hbm>> -> memref<8x128xf32, #tpu.memory_space<hbm>>
      %dma_start3A_139 = arith.constant 3712 : i32
      %dma_start3A_140 = tpu.memref_slice %arg4[%select_n3A, %mul3A_124, %dma_start3A_139] : memref<4x64x4096xf32, #tpu.memory_space<hbm>> -> memref<1x8x128xf32, #tpu.memory_space<hbm>>
      %dma_start3A_141 = tpu.memref_squeeze %dma_start3A_140 : memref<1x8x128xf32, #tpu.memory_space<hbm>> -> memref<8x128xf32, #tpu.memory_space<hbm>>
      %dma_start3A_142 = arith.constant 0 : i32
      %dma_start3A_143 = arith.constant 0 : i32
      %dma_start3A_144 = tpu.memref_slice %arg7[%run_scoped3A_125, %dma_start3A_142, %dma_start3A_143] : memref<32x8x128xf32, #tpu.memory_space<vmem>> -> memref<1x8x128xf32, #tpu.memory_space<vmem>>
      %dma_start3A_145 = tpu.memref_squeeze %dma_start3A_144 : memref<1x8x128xf32, #tpu.memory_space<vmem>> -> memref<8x128xf32, #tpu.memory_space<vmem>>
      tpu.enqueue_dma source(%dma_start3A_145 : memref<8x128xf32, #tpu.memory_space<vmem>>) target(%dma_start3A_141 : memref<8x128xf32, #tpu.memory_space<hbm>>) target_semaphore(%run_scoped3A_132 : memref<!tpu.dma_semaphore, #tpu.memory_space<semaphore_mem>>)
      %dma_wait3A = arith.constant 0 : i32
      %dma_wait3A_146 = arith.constant 0 : i32
      %dma_wait3A_147 = tpu.memref_slice %arg7[%run_scoped3A_125, %dma_wait3A, %dma_wait3A_146] : memref<32x8x128xf32, #tpu.memory_space<vmem>> -> memref<1x8x128xf32, #tpu.memory_space<vmem>>
      %dma_wait3A_148 = tpu.memref_squeeze %dma_wait3A_147 : memref<1x8x128xf32, #tpu.memory_space<vmem>> -> memref<8x128xf32, #tpu.memory_space<vmem>>
      %dma_wait3A_149 = arith.constant 3712 : i32
      %dma_wait3A_150 = tpu.memref_slice %arg4[%select_n3A, %mul3A_124, %dma_wait3A_149] : memref<4x64x4096xf32, #tpu.memory_space<hbm>> -> memref<1x8x128xf32, #tpu.memory_space<hbm>>
      %dma_wait3A_151 = tpu.memref_squeeze %dma_wait3A_150 : memref<1x8x128xf32, #tpu.memory_space<hbm>> -> memref<8x128xf32, #tpu.memory_space<hbm>>
      %dma_wait3A_152 = arith.constant 3712 : i32
      %dma_wait3A_153 = tpu.memref_slice %arg4[%select_n3A, %mul3A_124, %dma_wait3A_152] : memref<4x64x4096xf32, #tpu.memory_space<hbm>> -> memref<1x8x128xf32, #tpu.memory_space<hbm>>
      %dma_wait3A_154 = tpu.memref_squeeze %dma_wait3A_153 : memref<1x8x128xf32, #tpu.memory_space<hbm>> -> memref<8x128xf32, #tpu.memory_space<hbm>>
      %dma_wait3A_155 = arith.constant 0 : i32
      %dma_wait3A_156 = arith.constant 0 : i32
      %dma_wait3A_157 = tpu.memref_slice %arg7[%run_scoped3A_125, %dma_wait3A_155, %dma_wait3A_156] : memref<32x8x128xf32, #tpu.memory_space<vmem>> -> memref<1x8x128xf32, #tpu.memory_space<vmem>>
      %dma_wait3A_158 = tpu.memref_squeeze %dma_wait3A_157 : memref<1x8x128xf32, #tpu.memory_space<vmem>> -> memref<8x128xf32, #tpu.memory_space<vmem>>
      tpu.wait_dma2 semaphore(%run_scoped3A_132 : memref<!tpu.dma_semaphore, #tpu.memory_space<semaphore_mem>>) src(%dma_wait3A_158 : memref<8x128xf32, #tpu.memory_space<vmem>>) dst(%dma_wait3A_154 : memref<8x128xf32, #tpu.memory_space<hbm>>)
      tpu.yield
    }) : () -> ()
    %mul3A_126 = arith.constant 8 : i32
    %mul3A_127 = arith.muli %select_n3A_30, %mul3A_126 : i32
    %run_scoped3A_128 = arith.constant 30 : i32
    "tpu.region"() ({
      %run_scoped3A_132 = tpu.sem_alloc : memref<!tpu.dma_semaphore, #tpu.memory_space<semaphore_mem>>
      %dma_start3A = arith.constant 0 : i32
      %dma_start3A_133 = arith.constant 0 : i32
      %dma_start3A_134 = tpu.memref_slice %arg7[%run_scoped3A_128, %dma_start3A, %dma_start3A_133] : memref<32x8x128xf32, #tpu.memory_space<vmem>> -> memref<1x8x128xf32, #tpu.memory_space<vmem>>
      %dma_start3A_135 = tpu.memref_squeeze %dma_start3A_134 : memref<1x8x128xf32, #tpu.memory_space<vmem>> -> memref<8x128xf32, #tpu.memory_space<vmem>>
      %dma_start3A_136 = arith.constant 3840 : i32
      %dma_start3A_137 = tpu.memref_slice %arg4[%select_n3A, %mul3A_127, %dma_start3A_136] : memref<4x64x4096xf32, #tpu.memory_space<hbm>> -> memref<1x8x128xf32, #tpu.memory_space<hbm>>
      %dma_start3A_138 = tpu.memref_squeeze %dma_start3A_137 : memref<1x8x128xf32, #tpu.memory_space<hbm>> -> memref<8x128xf32, #tpu.memory_space<hbm>>
      %dma_start3A_139 = arith.constant 3840 : i32
      %dma_start3A_140 = tpu.memref_slice %arg4[%select_n3A, %mul3A_127, %dma_start3A_139] : memref<4x64x4096xf32, #tpu.memory_space<hbm>> -> memref<1x8x128xf32, #tpu.memory_space<hbm>>
      %dma_start3A_141 = tpu.memref_squeeze %dma_start3A_140 : memref<1x8x128xf32, #tpu.memory_space<hbm>> -> memref<8x128xf32, #tpu.memory_space<hbm>>
      %dma_start3A_142 = arith.constant 0 : i32
      %dma_start3A_143 = arith.constant 0 : i32
      %dma_start3A_144 = tpu.memref_slice %arg7[%run_scoped3A_128, %dma_start3A_142, %dma_start3A_143] : memref<32x8x128xf32, #tpu.memory_space<vmem>> -> memref<1x8x128xf32, #tpu.memory_space<vmem>>
      %dma_start3A_145 = tpu.memref_squeeze %dma_start3A_144 : memref<1x8x128xf32, #tpu.memory_space<vmem>> -> memref<8x128xf32, #tpu.memory_space<vmem>>
      tpu.enqueue_dma source(%dma_start3A_145 : memref<8x128xf32, #tpu.memory_space<vmem>>) target(%dma_start3A_141 : memref<8x128xf32, #tpu.memory_space<hbm>>) target_semaphore(%run_scoped3A_132 : memref<!tpu.dma_semaphore, #tpu.memory_space<semaphore_mem>>)
      %dma_wait3A = arith.constant 0 : i32
      %dma_wait3A_146 = arith.constant 0 : i32
      %dma_wait3A_147 = tpu.memref_slice %arg7[%run_scoped3A_128, %dma_wait3A, %dma_wait3A_146] : memref<32x8x128xf32, #tpu.memory_space<vmem>> -> memref<1x8x128xf32, #tpu.memory_space<vmem>>
      %dma_wait3A_148 = tpu.memref_squeeze %dma_wait3A_147 : memref<1x8x128xf32, #tpu.memory_space<vmem>> -> memref<8x128xf32, #tpu.memory_space<vmem>>
      %dma_wait3A_149 = arith.constant 3840 : i32
      %dma_wait3A_150 = tpu.memref_slice %arg4[%select_n3A, %mul3A_127, %dma_wait3A_149] : memref<4x64x4096xf32, #tpu.memory_space<hbm>> -> memref<1x8x128xf32, #tpu.memory_space<hbm>>
      %dma_wait3A_151 = tpu.memref_squeeze %dma_wait3A_150 : memref<1x8x128xf32, #tpu.memory_space<hbm>> -> memref<8x128xf32, #tpu.memory_space<hbm>>
      %dma_wait3A_152 = arith.constant 3840 : i32
      %dma_wait3A_153 = tpu.memref_slice %arg4[%select_n3A, %mul3A_127, %dma_wait3A_152] : memref<4x64x4096xf32, #tpu.memory_space<hbm>> -> memref<1x8x128xf32, #tpu.memory_space<hbm>>
      %dma_wait3A_154 = tpu.memref_squeeze %dma_wait3A_153 : memref<1x8x128xf32, #tpu.memory_space<hbm>> -> memref<8x128xf32, #tpu.memory_space<hbm>>
      %dma_wait3A_155 = arith.constant 0 : i32
      %dma_wait3A_156 = arith.constant 0 : i32
      %dma_wait3A_157 = tpu.memref_slice %arg7[%run_scoped3A_128, %dma_wait3A_155, %dma_wait3A_156] : memref<32x8x128xf32, #tpu.memory_space<vmem>> -> memref<1x8x128xf32, #tpu.memory_space<vmem>>
      %dma_wait3A_158 = tpu.memref_squeeze %dma_wait3A_157 : memref<1x8x128xf32, #tpu.memory_space<vmem>> -> memref<8x128xf32, #tpu.memory_space<vmem>>
      tpu.wait_dma2 semaphore(%run_scoped3A_132 : memref<!tpu.dma_semaphore, #tpu.memory_space<semaphore_mem>>) src(%dma_wait3A_158 : memref<8x128xf32, #tpu.memory_space<vmem>>) dst(%dma_wait3A_154 : memref<8x128xf32, #tpu.memory_space<hbm>>)
      tpu.yield
    }) : () -> ()
    %mul3A_129 = arith.constant 8 : i32
    %mul3A_130 = arith.muli %select_n3A_30, %mul3A_129 : i32
    %run_scoped3A_131 = arith.constant 31 : i32
    "tpu.region"() ({
      %run_scoped3A_132 = tpu.sem_alloc : memref<!tpu.dma_semaphore, #tpu.memory_space<semaphore_mem>>
      %dma_start3A = arith.constant 0 : i32
      %dma_start3A_133 = arith.constant 0 : i32
      %dma_start3A_134 = tpu.memref_slice %arg7[%run_scoped3A_131, %dma_start3A, %dma_start3A_133] : memref<32x8x128xf32, #tpu.memory_space<vmem>> -> memref<1x8x128xf32, #tpu.memory_space<vmem>>
      %dma_start3A_135 = tpu.memref_squeeze %dma_start3A_134 : memref<1x8x128xf32, #tpu.memory_space<vmem>> -> memref<8x128xf32, #tpu.memory_space<vmem>>
      %dma_start3A_136 = arith.constant 3968 : i32
      %dma_start3A_137 = tpu.memref_slice %arg4[%select_n3A, %mul3A_130, %dma_start3A_136] : memref<4x64x4096xf32, #tpu.memory_space<hbm>> -> memref<1x8x128xf32, #tpu.memory_space<hbm>>
      %dma_start3A_138 = tpu.memref_squeeze %dma_start3A_137 : memref<1x8x128xf32, #tpu.memory_space<hbm>> -> memref<8x128xf32, #tpu.memory_space<hbm>>
      %dma_start3A_139 = arith.constant 3968 : i32
      %dma_start3A_140 = tpu.memref_slice %arg4[%select_n3A, %mul3A_130, %dma_start3A_139] : memref<4x64x4096xf32, #tpu.memory_space<hbm>> -> memref<1x8x128xf32, #tpu.memory_space<hbm>>
      %dma_start3A_141 = tpu.memref_squeeze %dma_start3A_140 : memref<1x8x128xf32, #tpu.memory_space<hbm>> -> memref<8x128xf32, #tpu.memory_space<hbm>>
      %dma_start3A_142 = arith.constant 0 : i32
      %dma_start3A_143 = arith.constant 0 : i32
      %dma_start3A_144 = tpu.memref_slice %arg7[%run_scoped3A_131, %dma_start3A_142, %dma_start3A_143] : memref<32x8x128xf32, #tpu.memory_space<vmem>> -> memref<1x8x128xf32, #tpu.memory_space<vmem>>
      %dma_start3A_145 = tpu.memref_squeeze %dma_start3A_144 : memref<1x8x128xf32, #tpu.memory_space<vmem>> -> memref<8x128xf32, #tpu.memory_space<vmem>>
      tpu.enqueue_dma source(%dma_start3A_145 : memref<8x128xf32, #tpu.memory_space<vmem>>) target(%dma_start3A_141 : memref<8x128xf32, #tpu.memory_space<hbm>>) target_semaphore(%run_scoped3A_132 : memref<!tpu.dma_semaphore, #tpu.memory_space<semaphore_mem>>)
      %dma_wait3A = arith.constant 0 : i32
      %dma_wait3A_146 = arith.constant 0 : i32
      %dma_wait3A_147 = tpu.memref_slice %arg7[%run_scoped3A_131, %dma_wait3A, %dma_wait3A_146] : memref<32x8x128xf32, #tpu.memory_space<vmem>> -> memref<1x8x128xf32, #tpu.memory_space<vmem>>
      %dma_wait3A_148 = tpu.memref_squeeze %dma_wait3A_147 : memref<1x8x128xf32, #tpu.memory_space<vmem>> -> memref<8x128xf32, #tpu.memory_space<vmem>>
      %dma_wait3A_149 = arith.constant 3968 : i32
      %dma_wait3A_150 = tpu.memref_slice %arg4[%select_n3A, %mul3A_130, %dma_wait3A_149] : memref<4x64x4096xf32, #tpu.memory_space<hbm>> -> memref<1x8x128xf32, #tpu.memory_space<hbm>>
      %dma_wait3A_151 = tpu.memref_squeeze %dma_wait3A_150 : memref<1x8x128xf32, #tpu.memory_space<hbm>> -> memref<8x128xf32, #tpu.memory_space<hbm>>
      %dma_wait3A_152 = arith.constant 3968 : i32
      %dma_wait3A_153 = tpu.memref_slice %arg4[%select_n3A, %mul3A_130, %dma_wait3A_152] : memref<4x64x4096xf32, #tpu.memory_space<hbm>> -> memref<1x8x128xf32, #tpu.memory_space<hbm>>
      %dma_wait3A_154 = tpu.memref_squeeze %dma_wait3A_153 : memref<1x8x128xf32, #tpu.memory_space<hbm>> -> memref<8x128xf32, #tpu.memory_space<hbm>>
      %dma_wait3A_155 = arith.constant 0 : i32
      %dma_wait3A_156 = arith.constant 0 : i32
      %dma_wait3A_157 = tpu.memref_slice %arg7[%run_scoped3A_131, %dma_wait3A_155, %dma_wait3A_156] : memref<32x8x128xf32, #tpu.memory_space<vmem>> -> memref<1x8x128xf32, #tpu.memory_space<vmem>>
      %dma_wait3A_158 = tpu.memref_squeeze %dma_wait3A_157 : memref<1x8x128xf32, #tpu.memory_space<vmem>> -> memref<8x128xf32, #tpu.memory_space<vmem>>
      tpu.wait_dma2 semaphore(%run_scoped3A_132 : memref<!tpu.dma_semaphore, #tpu.memory_space<semaphore_mem>>) src(%dma_wait3A_158 : memref<8x128xf32, #tpu.memory_space<vmem>>) dst(%dma_wait3A_154 : memref<8x128xf32, #tpu.memory_space<hbm>>)
      tpu.yield
    }) : () -> ()
    return
  }
}

module attributes {stable_mosaic.version = 14 : i64} {
  func.func @_sc_table_body(%arg0: memref<64x2048xf32, #tpu.memory_space<vmem>>, %arg1: memref<1000x2048xf32, #tpu.memory_space<vmem>>, %arg2: memref<64x1xf32, #tpu.memory_space<vmem>>, %arg3: memref<64x1024xf32, #tpu.memory_space<vmem>>) attributes {dimension_semantics = [], scalar_prefetch = 0 : i64, scratch_operands = 0 : i64, tpu.core_type = #tpu.core_type<tc>} {
    %get3A = arith.constant 0 : index
    %get3A_0 = arith.constant 0 : index
    %get3A_1 = vector.load %arg0[%get3A, %get3A_0] : memref<64x2048xf32, #tpu.memory_space<vmem>>, vector<64x2048xf32>
    %get3A_2 = arith.constant 0 : index
    %get3A_3 = arith.constant 0 : index
    %get3A_4 = vector.load %arg1[%get3A_2, %get3A_3] : memref<1000x2048xf32, #tpu.memory_space<vmem>>, vector<1000x2048xf32>
    %dot_general3A = arith.constant dense<0.000000e+00> : vector<64x1000xf32>
    %dot_general3A_5 = tpu.matmul %get3A_1, %get3A_4, %dot_general3A {dimension_numbers = #tpu.dot_dimension_numbers<[1], [1], [0], [0], [0, 0, 1, 0], [], []>, transpose_lhs_hint = false} : vector<64x2048xf32>, vector<1000x2048xf32>, vector<64x1000xf32> -> vector<64x1000xf32>
    %get3A_6 = arith.constant 0 : index
    %get3A_7 = arith.constant 0 : index
    %get3A_8 = vector.load %arg2[%get3A_6, %get3A_7] : memref<64x1xf32, #tpu.memory_space<vmem>>, vector<64x1xf32>
    %add3A = vector.broadcast %get3A_8 : vector<64x1xf32> to vector<64x1000xf32>
    %add3A_9 = arith.addf %dot_general3A_5, %add3A : vector<64x1000xf32>
    %jit3A = arith.constant 0 : i32
    %convert_element_type3A = arith.sitofp %jit3A : i32 to f32
    %pad3A = vector.broadcast %convert_element_type3A : f32 to vector<64x24xf32>
    %pad3A_10 = tpu.concatenate %add3A_9, %pad3A in 1 : vector<64x1000xf32>, vector<64x24xf32> -> vector<64x1024xf32>
    %swap3A = arith.constant 0 : index
    %swap3A_11 = arith.constant 0 : index
    %swap3A_12 = vector.load %arg3[%swap3A, %swap3A_11] : memref<64x1024xf32, #tpu.memory_space<vmem>>, vector<64x1024xf32>
    tpu.vector_store %arg3[%swap3A, %swap3A_11], %pad3A_10 {strides = array<i32>} : memref<64x1024xf32, #tpu.memory_space<vmem>>, vector<64x1024xf32>,
    return
  }
}

module attributes {stable_mosaic.version = 14 : i64} {
  func.func @_tableT_body(%arg0: memref<936x2048xf32, #tpu.memory_space<vmem>>, %arg1: memref<1000x2048xf32, #tpu.memory_space<vmem>>, %arg2: memref<936x1xf32, #tpu.memory_space<vmem>>, %arg3: memref<936x1000xbf16, #tpu.memory_space<vmem>>) attributes {dimension_semantics = [], scalar_prefetch = 0 : i64, scratch_operands = 0 : i64, tpu.core_type = #tpu.core_type<tc>} {
    %get3A = arith.constant 0 : index
    %get3A_0 = arith.constant 0 : index
    %get3A_1 = vector.load %arg0[%get3A, %get3A_0] : memref<936x2048xf32, #tpu.memory_space<vmem>>, vector<936x2048xf32>
    %get3A_2 = arith.constant 0 : index
    %get3A_3 = arith.constant 0 : index
    %get3A_4 = vector.load %arg1[%get3A_2, %get3A_3] : memref<1000x2048xf32, #tpu.memory_space<vmem>>, vector<1000x2048xf32>
    %dot_general3A = arith.constant dense<0.000000e+00> : vector<936x1000xf32>
    %dot_general3A_5 = tpu.matmul %get3A_1, %get3A_4, %dot_general3A {dimension_numbers = #tpu.dot_dimension_numbers<[1], [1], [0], [0], [0, 0, 1, 0], [], []>, transpose_lhs_hint = false} : vector<936x2048xf32>, vector<1000x2048xf32>, vector<936x1000xf32> -> vector<936x1000xf32>
    %get3A_6 = arith.constant 0 : index
    %get3A_7 = arith.constant 0 : index
    %get3A_8 = vector.load %arg2[%get3A_6, %get3A_7] : memref<936x1xf32, #tpu.memory_space<vmem>>, vector<936x1xf32>
    %add3A = vector.broadcast %get3A_8 : vector<936x1xf32> to vector<936x1000xf32>
    %add3A_9 = arith.addf %dot_general3A_5, %add3A : vector<936x1000xf32>
    %convert_element_type3A = arith.truncf %add3A_9 : vector<936x1000xf32> to vector<936x1000xbf16>
    %swap3A = arith.constant 0 : index
    %swap3A_10 = arith.constant 0 : index
    %swap3A_11 = vector.load %arg3[%swap3A, %swap3A_10] : memref<936x1000xbf16, #tpu.memory_space<vmem>>, vector<936x1000xbf16>
    tpu.vector_store %arg3[%swap3A, %swap3A_10], %convert_element_type3A {strides = array<i32>} : memref<936x1000xbf16, #tpu.memory_space<vmem>>, vector<936x1000xbf16>,
    return
  }
}

module attributes {stable_mosaic.version = 14 : i64} {
  func.func @_select_tc_body(%arg0: i32, %arg1: i32, %arg2: memref<1x1x512xi32, #tpu.memory_space<vmem>>, %arg3: memref<936x1000xbf16, #tpu.memory_space<vmem>>, %arg4: memref<1x64x512xf32, #tpu.memory_space<vmem>>, %arg5: memref<1x1000x512xf32, #tpu.memory_space<vmem>>) attributes {dimension_semantics = [#tpu.dimension_semantics<arbitrary>, #tpu.dimension_semantics<arbitrary>], iteration_bounds = array<i64: 4, 8>, scalar_prefetch = 0 : i64, scratch_operands = 0 : i64, tpu.core_type = #tpu.core_type<tc>, window_params = [{transform_indices = @transform_0, window_bounds = array<i64: 1, 1, 512>}, {pipeline_mode = #tpu.pipeline_mode<synchronous>, transform_indices = @transform_1, window_bounds = array<i64: 936, 1000>}, {transform_indices = @transform_2, window_bounds = array<i64: 1, 64, 512>}, {transform_indices = @transform_3, window_bounds = array<i64: 1, 1000, 512>}]} {
    %get3A = arith.constant 0 : index
    %get3A_0 = arith.constant 0 : index
    %get3A_1 = arith.constant 0 : index
    %get3A_2 = vector.load %arg2[%get3A, %get3A_0, %get3A_1] : memref<1x1x512xi32, #tpu.memory_space<vmem>>, vector<1x1x512xi32>
    %get3A_3 = vector.shape_cast %get3A_2 : vector<1x1x512xi32> to vector<512xi32>
    %iota3A = tpu.iota {dimensions = array<i32: 0>} : vector<1000x512xi32>
    %broadcast_in_dim3A = vector.shape_cast %get3A_3 : vector<512xi32> to vector<1x512xi32>
    %eq3A = vector.broadcast %broadcast_in_dim3A : vector<1x512xi32> to vector<1000x512xi32>
    %eq3A_4 = arith.cmpi eq, %iota3A, %eq3A : vector<1000x512xi32>
    %convert_element_type3A = arith.extui %eq3A_4 : vector<1000x512xi1> to vector<1000x512xi32>
    %convert_element_type3A_5 = arith.sitofp %convert_element_type3A : vector<1000x512xi32> to vector<1000x512xf32>
    %convert_element_type3A_6 = arith.truncf %convert_element_type3A_5 : vector<1000x512xf32> to vector<1000x512xbf16>
    %get3A_7 = arith.constant 0 : index
    %get3A_8 = arith.constant 0 : index
    %get3A_9 = vector.load %arg3[%get3A_7, %get3A_8] : memref<936x1000xbf16, #tpu.memory_space<vmem>>, vector<936x1000xbf16>
    %dot_general3A = arith.constant dense<0.000000e+00> : vector<936x512xf32>
    %dot_general3A_10 = tpu.matmul %get3A_9, %convert_element_type3A_6, %dot_general3A {dimension_numbers = #tpu.dot_dimension_numbers<[1], [0], [0], [1], [0, 0, 1, 1], [], []>, transpose_lhs_hint = false} : vector<936x1000xbf16>, vector<1000x512xbf16>, vector<936x512xf32> -> vector<936x512xf32>
    %swap3A = arith.constant 0 : index
    %swap3A_11 = arith.constant 0 : index
    %swap3A_12 = arith.constant 0 : index
    %swap3A_13 = vector.load %arg5[%swap3A, %swap3A_11, %swap3A_12] : memref<1x1000x512xf32, #tpu.memory_space<vmem>>, vector<1x936x512xf32>
    %swap3A_14 = vector.shape_cast %swap3A_13 : vector<1x936x512xf32> to vector<936x512xf32>
    %swap3A_15 = vector.shape_cast %dot_general3A_10 : vector<936x512xf32> to vector<1x936x512xf32>
    tpu.vector_store %arg5[%swap3A, %swap3A_11, %swap3A_12], %swap3A_15 {strides = array<i32>} : memref<1x1000x512xf32, #tpu.memory_space<vmem>>, vector<1x936x512xf32>,
    %get3A_16 = arith.constant 0 : index
    %get3A_17 = arith.constant 0 : index
    %get3A_18 = arith.constant 0 : index
    %get3A_19 = vector.load %arg4[%get3A_16, %get3A_17, %get3A_18] : memref<1x64x512xf32, #tpu.memory_space<vmem>>, vector<1x64x512xf32>
    %get3A_20 = vector.shape_cast %get3A_19 : vector<1x64x512xf32> to vector<64x512xf32>
    %swap3A_21 = arith.constant 0 : index
    %swap3A_22 = arith.constant 936 : index
    %swap3A_23 = arith.constant 0 : index
    %swap3A_24 = vector.load %arg5[%swap3A_21, %swap3A_22, %swap3A_23] : memref<1x1000x512xf32, #tpu.memory_space<vmem>>, vector<1x64x512xf32>
    %swap3A_25 = vector.shape_cast %swap3A_24 : vector<1x64x512xf32> to vector<64x512xf32>
    %swap3A_26 = vector.shape_cast %get3A_20 : vector<64x512xf32> to vector<1x64x512xf32>
    tpu.vector_store %arg5[%swap3A_21, %swap3A_22, %swap3A_23], %swap3A_26 {strides = array<i32>} : memref<1x1000x512xf32, #tpu.memory_space<vmem>>, vector<1x64x512xf32>,
    return
  }
  func.func @transform_0(%arg0: i32, %arg1: i32) -> (i32, i32, i32) {
    %c0_i32 = arith.constant 0 : i32
    %c0_i32_0 = arith.constant 0 : i32
    return %arg0, %c0_i32, %arg1 : i32, i32, i32
  }
  func.func @transform_1(%arg0: i32, %arg1: i32) -> (i32, i32) {
    %c0_i32 = arith.constant 0 : i32
    %c0_i32_0 = arith.constant 0 : i32
    %c0_i32_1 = arith.constant 0 : i32
    return %c0_i32, %c0_i32_0 : i32, i32
  }
  func.func @transform_2(%arg0: i32, %arg1: i32) -> (i32, i32, i32) {
    %c0_i32 = arith.constant 0 : i32
    %c0_i32_0 = arith.constant 0 : i32
    return %arg0, %c0_i32, %arg1 : i32, i32, i32
  }
  func.func @transform_3(%arg0: i32, %arg1: i32) -> (i32, i32, i32) {
    %c0_i32 = arith.constant 0 : i32
    %c0_i32_0 = arith.constant 0 : i32
    return %arg0, %c0_i32, %arg1 : i32, i32, i32
  }
}

</mosaic_0001>

<sc_bundles>
// kernel: kernel.6.cloned.1.call-start
scs
__scs_entry_jumppad:
0x0: {  	(pc) =	sbr.rel $0x88, $3  }
0x1: {  	(tag) =	ssettag $0x0;
	lr =	simm.s32 $0x1  }
0x2: {  	[smem:$0x3F9D] =	sst lr;
	_ =	strace $0xD0000000  }
0x3: {  	_ = 	snop  }
0x4: {  	_ = 	snop  }
0x5: {  	_ = 	snop  }
0x6: {  	_ = 	snop  }
0x7: {  	_ = 	snop  }
__scs_overlays_trampoline_lowered:
0x8: {  	[smem:$0x3FAC] =	sst s0  }
0x9: {  	[smem:$0x3FAD] =	sst s1  }
0xa: {  	[smem:$0x3FAE] =	sst s2  }
0xb: {  	[smem:$0x3FAF] =	sst s3  }
0xc: {  	[smem:$0x3FB0] =	sst s4  }
0xd: {  	[smem:$0x3FB1] =	sst s5  }
0xe: {  	[smem:$0x3FB2] =	sst s6  }
0xf: {  	[smem:$0x3FB3] =	sst s7  }
0x10: {  	[smem:$0x3FB4] =	sst s8  }
0x11: {  	[smem:$0x3FB5] =	sst s9;
	s0 =	simm.s32 @!p0 $0x0  }
0x12: {  	s1 =	sld [smem:$0x3F9B];
	s0 =	simm.s32 @p0 $0x1  }
0x13: {  	[smem:$0x3FB6] =	sst s0;
	s0 =	simm.s32 @!p1 $0x0  }
0x14: {  	s2 =	sld [smem:$0x3F9A];
	s0 =	simm.s32 @p1 $0x1  }
0x15: {  	[smem:$0x3FB7] =	sst s0;
	s0 =	simm.s32 @!p2 $0x0  }
0x16: {  	s3 =	sld [smem:$0x3FDB];
	s0 =	simm.s32 @p2 $0x1  }
0x17: {  	s4 =	simm.s32 $0x1BF5;
	[smem:$0x3FB9] =	sst s0  }
0x18: {  	s0 =	sld [smem:$0x3F9C];
	_ =	swait.ge [sflag:s4], $0x0  }
0x19: {  	s7 =	sld [smem:$0x3F9D]  }
0x1a: {  	s8 =	sadd.s32 $0xFFFFE003, lr  }
0x1b: {  	s9 =	sadd.s32 $0xFFFFFEF7, lr;
	s5 =	simm.s32 $0xFFFFFFFF;
	p2 =	slt.u32 s8, $0xFFFFF086  }
0x1c: {  	p1 =	slt.u32 s9, $0xF7A;
	s5 =	simm.s32 @!p2 $0x0  }
0x1d: {  	s5 =	simm.s32 @p1 $0x1;
	p0 =	seq.s32 s7, s2  }
0x1e: {  	s7 =	smul.u32 @!p0 $0xF7A, s2;
	p2 =	seq.s32 @!p0 s5, $0x0  }
0x1f: {  	s9 =	smul.u32 $0xF7A, s1;
	s8 =	simm.s32 @!p0 $0x1BF5;
	p2 =	por !p2, p0  }
0x20: {  	[sflag:s8] =	ssyncset.s32 @!p0 $0xFFFFF086;
	s6 =	sadd.s32 @!p0 s3, s7;
	s7 =	simm.s32 @!p0 $0x108  }
0x21: {  	s3 =	sadd.s32 s3, s9;
	s6 =	sadd.s32 @!p0 $0x88, s6;
	s7 =	simm.s32 @p2 $0x1082  }
0x22: {  	[simem:s7], [sflag:s8] =	dma.local @!p0 [hbm:s6], $0xF7A  }
0x23: {  	s9 =	sor.u32 $0xD0000000, s2;
	s6 =	simm.s32 $0x108;
	_ =	swait.ge @!p0 [sflag:s8], $0x0  }
0x24: {  	s3 =	sadd.s32 $0x88, s3;
	s6 =	simm.s32 @!p1 $0x1082;
	[sflag:s4] =	ssyncset.s32 $0xFFFFF086  }
0x25: {  	[simem:s6], [sflag:s4] =	dma.local [hbm:s3], $0xF7A  }
0x26: {  	[smem:$0x3F9D] =	sst s1;
	(tag) =	ssettag s2;
	_ =	strace s9  }
0x27: {  	s1 =	sld [smem:$0x3FAD]  }
0x28: {  	s2 =	sld [smem:$0x3FAE]  }
0x29: {  	s4 =	sld [smem:$0x3FB0]  }
0x2a: {  	p0 =	seq.s32 s5, $0x0;
	s5 =	sld [smem:$0x3FB1]  }
0x2b: {  	s6 =	sld [smem:$0x3FB2]  }
0x2c: {  	s7 =	sld [smem:$0x3FB3]  }
0x2d: {  	s3 =	simm.s32 $0x108;
	s8 =	sld [smem:$0x3FB4]  }
0x2e: {  	s3 =	simm.s32 @!p0 $0x1082;
	s9 =	sld [smem:$0x3FB5]  }
0x2f: {  	lr =	sadd.s32 s0, s3;
	s0 =	sld [smem:$0x3FAC]  }
0x30: {  	s3 =	sld [smem:$0x3FAF]  }
0x31: {  	[smem:$0x3FB8] =	sst s10  }
0x32: {  	s10 =	sld [smem:$0x3FB6];
	_ =	sdelay $0x3  }
0x33: {  	p0 =	seq.s32 s10, $0x1;
	s10 =	sld [smem:$0x3FB8];
	_ =	sdelay $0x3  }
0x34: {  	[smem:$0x3FB8] =	sst s10  }
0x35: {  	s10 =	sld [smem:$0x3FB7];
	_ =	sdelay $0x3  }
0x36: {  	p1 =	seq.s32 s10, $0x1;
	s10 =	sld [smem:$0x3FB8];
	_ =	sdelay $0x3  }
0x37: {  	[smem:$0x3FB8] =	sst s10  }
0x38: {  	s10 =	sld [smem:$0x3FB9]  }
0x39: {  	_ = 	snop;
	(pc) =	sbr.ind lr, $3  }
0x3a: {  	_ = 	snop  }
0x3b: {  	_ = 	snop  }
0x3c: {  	p2 =	seq.s32 s10, $0x1;
	s10 =	sld [smem:$0x3FB8]  }
0x3d: {  	_ =	shalt  }
0x3e: {  	_ =	shalt  }
0x3f: {  	_ =	shalt  }
0x40: {  	_ =	shalt  }
0x41: {  	_ =	shalt  }
0x42: {  	_ =	shalt  }
0x43: {  	_ =	shalt  }
0x44: {  	_ =	shalt  }
0x45: {  	_ =	shalt  }
0x46: {  	_ =	shalt  }
0x47: {  	_ =	shalt  }
0x48: {  	_ =	shalt  }
0x49: {  	_ =	shalt  }
0x4a: {  	_ =	shalt  }
0x4b: {  	_ =	shalt  }
0x4c: {  	_ =	shalt  }
0x4d: {  	_ =	shalt  }
0x4e: {  	_ =	shalt  }
0x4f: {  	_ =	shalt  }
0x50: {  	_ =	shalt  }
0x51: {  	_ =	shalt  }
0x52: {  	_ =	shalt  }
0x53: {  	_ =	shalt  }
0x54: {  	_ =	shalt  }
0x55: {  	_ =	shalt  }
0x56: {  	_ =	shalt  }
0x57: {  	_ =	shalt  }
0x58: {  	_ =	shalt  }
0x59: {  	_ =	shalt  }
0x5a: {  	_ =	shalt  }
0x5b: {  	_ =	shalt  }
0x5c: {  	_ =	shalt  }
0x5d: {  	_ =	shalt  }
0x5e: {  	_ =	shalt  }
0x5f: {  	_ =	shalt  }
0x60: {  	_ =	shalt  }
0x61: {  	_ =	shalt  }
0x62: {  	_ =	shalt  }
0x63: {  	_ =	shalt  }
0x64: {  	_ =	shalt  }
0x65: {  	_ =	shalt  }
0x66: {  	_ =	shalt  }
0x67: {  	_ =	shalt  }
0x68: {  	_ =	shalt  }
0x69: {  	_ =	shalt  }
0x6a: {  	_ =	shalt  }
0x6b: {  	_ =	shalt  }
0x6c: {  	_ =	shalt  }
0x6d: {  	_ =	shalt  }
0x6e: {  	_ =	shalt  }
0x6f: {  	_ =	shalt  }
0x70: {  	_ =	shalt  }
0x71: {  	_ =	shalt  }
0x72: {  	_ =	shalt  }
0x73: {  	_ =	shalt  }
0x74: {  	_ =	shalt  }
0x75: {  	_ =	shalt  }
0x76: {  	_ =	shalt  }
0x77: {  	_ =	shalt  }
0x78: {  	_ =	shalt  }
0x79: {  	_ =	shalt  }
0x7a: {  	_ =	shalt  }
0x7b: {  	_ =	shalt  }
0x7c: {  	_ =	shalt  }
0x7d: {  	_ =	shalt  }
0x7e: {  	_ =	shalt  }
0x7f: {  	_ =	shalt  }
0x80: {  	_ =	shalt  }
0x81: {  	_ =	shalt  }
0x82: {  	_ =	shalt  }
0x83: {  	_ =	shalt  }
0x84: {  	_ =	shalt  }
0x85: {  	_ =	shalt  }
0x86: {  	_ =	shalt  }
0x87: {  	_ =	shalt  }
.Lfunc_end0:
.L_simem_size_0:
called_computation_lowered:
.L_overlay_start_0:
0x88: {  	s2 =	sld [smem:$0x3FD9]  }
0x89: {  	s3 =	sld [smem:$0x3FFE];
	_ =	sdelay $0x1  }
0x8a: {  	s1 =	srdreg.scid  }
0x8b: {  	s0 =	sand.u32 $0x1, s1  }
0x8c: {  	s17 =	sshll.u32 s0, $0xA;
	s2 =	sadd.s32 s3, s2  }
0x8d: {  	s2 =	sadd.s32 s2, s17  }
0x8e: {  	[smem:$0x3FC4] =	sst s2  }
0x8f: {  	_ = 	snop  }
0x90: {  	s2 =	sld [smem:$0x3FD0];
	(tm) =	ssettm $0x1  }
0x91: {  	s18 =	sld [smem:$0x3FFB];
	_ =	sdelay $0x3  }
0x92: {  	_ =	strace s18  }
0x93: {  	s3 =	sld [smem:$0x3FFC];
	_ =	sdelay $0x3  }
0x94: {  	_ =	strace s3  }
0x95: {  	s3 =	sld [smem:$0x3FFD];
	_ =	sdelay $0x3  }
0x96: {  	_ =	strace s3  }
0x97: {  	_ =	strace $0x8FFFFFFF  }
0x98: {  	s19 =	sld [smem:$0x3FDB];
	_ =	sdelay $0x1  }
0x99: {  	s4 =	simm.s32 $_scs_section_size  }
0x9a: {  	s5 =	simm.s32 $_size__tile_overlayer_lowered;
	s6 =	simm.s32 $_tile_overlayer_lowered  }
0x9b: {  	s22 =	simm.s32 $0x1BFF;
	s21 =	sshll.u32 s6, $0x1;
	s3 =	sadd.s32 s4, s19  }
0x9c: {  	s7 =	simm.s32 $0x0;
	s20 =	sshll.u32 s5, $0x1;
	s5 =	sadd.s32 s21, s3  }
0x9d: {  	[timem:s7], [sflag:s22] =	dma.local [hbm:s5], s20  }
0x9e: {  	_ =	swait.ge [sflag:s22], s20  }
0x9f: {  	s4 =	ssub.s32 $0x0, s20;
	[sflag:s22] =	ssyncset.done $0x0  }
0xa0: {  	[sflag:s22] =	ssyncadd.s32 s4;
	_ =	sdelay $0x1  }
0xa1: {  	s23 =	simm.s32 $0x1B8B  }
0xa2: {  	_ =	swait.ge [sflag:s23], $0x1  }
0xa3: {  	[sflag:s23] =	ssyncset.done $0x0  }
0xa4: {  	s25 =	simm.s32 $0x1B8E;
	s24 =	sld [smem:$0x3FFE];
	[sflag:s23] =	ssyncadd.s32 $0xFFFFFFFF  }
0xa5: {  	s26 =	simm.s32 $execute0_lowered;
	[smem:$0x3FD2] =	sst s25  }
0xa6: {  	s5 =	sshll.u32 s26, $0x1;
	_ =	strace $0x80000046;
	[dreg:$0x1] =	wrdreg $0xFFFFFFFF  }
0xa7: {  	s28 =	simm.s32 $_size_execute0_lowered;
	s3 =	sadd.s32 s3, s5;
	[dreg:$0x0] =	wrdreg $0x0  }
0xa8: {  	s5 =	sshll.u32 s28, $0x1;
	[dreg:$0x2] =	wrdreg s3  }
0xa9: {  	[dreg:$0x3] =	wrdreg s5  }
0xaa: {  	[dreg:$0x4] =	wrdreg $0xC0  }
0xab: {  	_ =	task [dreg:s7], $0x5FFFF  }
0xac: {  	[dreg:$0x1] =	wrdreg $0xFFFFFFFF  }
0xad: {  	[dreg:$0x0] =	wrdreg $0x60  }
0xae: {  	[dreg:$0x2] =	wrdreg s24  }
0xaf: {  	[dreg:$0x3] =	wrdreg s2  }
0xb0: {  	[dreg:$0x4] =	wrdreg $0x9  }
0xb1: {  	_ =	task.clear_ibuf [dreg:s7], $0x5FFFF;
	_ =	strace $0x90000046  }
0xb2: {  	s29 =	simm.s32 $0x9;
	_ =	strace $0x80000048  }
0xb3: {  	_ =	swait.ge [sflag:s29], $0x1  }
0xb4: {  	[sflag:s29] =	ssyncadd.s32 $0xFFFFFFFF  }
0xb5: {  	_ =	strace $0x90000048  }
0xb6: {  	_ =	sfence  }
0xb7: {  	s30 =	sld [smem:$0x0];
	_ =	sdelay $0x2  }
0xb8: {  	s31 =	sshll.u32 s1, $0xD;
	s1 =	sshrl.u32 s1, $0x2  }
0xb9: {  	s3 =	sand.u32 $0x4000, s31;
	s1 =	sadd.s32 s1, s30  }
0xba: {  	s0 =	sor.u32 s3, s0;
	s1 =	sshll.u32 s1, $0x11  }
0xbb: {  	s0 =	sor.u32 s1, s0  }
0xbc: {  	s0 =	sadd.s32 $0x8F2B, s0  }
0xbd: {  	[sflag:s0] =	ssyncadd.remote.s32 $0x1  }
0xbe: {  	_ =	sfence.sel $0xFFFF  }
0xbf: {  	[dreg:$0x0] =	wrdreg $0xFFFFFFFF;
	(pc) =	sbr.abs _section_cstart, $3  }
0xc0: {  	[dreg:$0x1] =	wrdreg $0xFFFFFFFF  }
0xc1: {  	_ =	task.clear_ibuf [dreg:s7], $0x2FFFF;
	_ =	strace $0x9FFFFFFF  }
0xc2: {  	(tm) =	ssettm $0x7FFFFFFF  }
0xc3: {  	_ =	shalt  }
tec
execute0_lowered:
.L_overlay_start_1:
0x0: {  	(tag) =	ssettag $0x1  }
0x1: {  	s6 =	stileid.u32  }
0x2: {  	s0 =	rddreg [dreg:$0x0];
	s1 =	srdreg.scid  }
0x3: {  	s3 =	rddreg [dreg:$0x1];
	s9 =	simm.s32 $0x1;
	s10 =	simm.s32 $0x1000  }
0x4: {  	s11 =	simm.s32 $0x3000;
	s12 =	simm.s32 $0x0;
	s2 =	sshll.u32 s6, $0x1  }
0x5: {  	s1 =	sand.u32 $0x1, s1;
	s6 =	sshrl.u32 s6, $0x2;
	s4 =	sand.u32 $0x6, s2  }
0x6: {  	s2 =	simm.s32 $0x0;
	s7 =	sshll.u32 s6, $0xF;
	s4 =	sor.u32 s1, s4  }
0x7: {  	s6 =	sshll.u32 s6, $0x9;
	[smem:$0x7FF] =	sst s2;
	s5 =	sshll.u32 s4, $0xA  }
0x8: {  	s4 =	sshll.u32 s4, $0xC;
	s5 =	sadd.s32 s5, s0;
	s0 =	sadd.s32 s6, s0  }
0x9: {  	_ =	strace $0x80000047;
	s4 =	sor.u32 s7, s4;
	s0 =	sadd.s32 $0x1C00, s0  }
0xa: {  	s3 =	sadd.s32 s3, s4;
	s14 =	sadd.s32 $0x2400, s5;
	[dreg:$0x3] =	wrdreg s0  }
0xb: {  	s1 =	ssub.s32 $0x2, s1;
	[dreg:$0x4] =	wrdreg s14;
	s15 =	sadd.s32 $0x80, s3  }
0xc: {  	s8 =	sshrl.u32 s1, $0x1;
	s16 =	sadd.s32 $0x100, s3;
	[dreg:$0x5] =	wrdreg s15  }
0xd: {  	s1 =	ssub.s32 s1, s8;
	s17 =	sadd.s32 $0x180, s3;
	[dreg:$0x6] =	wrdreg s16  }
0xe: {  	s18 =	sadd.s32 $0x200, s3;
	s19 =	sadd.s32 $0x280, s3;
	[dreg:$0x7] =	wrdreg s17  }
0xf: {  	s20 =	sadd.s32 $0x300, s3;
	s21 =	sadd.s32 $0x380, s3;
	[dreg:$0x8] =	wrdreg s18  }
0x10: {  	s22 =	sadd.s32 $0x400, s3;
	s23 =	sadd.s32 $0x480, s3;
	[dreg:$0x9] =	wrdreg s19  }
0x11: {  	s24 =	sadd.s32 $0x500, s3;
	s25 =	sadd.s32 $0x580, s3;
	[dreg:$0xa] =	wrdreg s20  }
0x12: {  	s26 =	sadd.s32 $0x600, s3;
	s28 =	sadd.s32 $0xA80, s3;
	[dreg:$0xb] =	wrdreg s21  }
0x13: {  	s29 =	sadd.s32 $0xB00, s3;
	s30 =	sadd.s32 $0xB80, s3;
	[dreg:$0xc] =	wrdreg s22  }
0x14: {  	s31 =	sadd.s32 $0xC00, s3;
	s0 =	sadd.s32 $0xD00, s3;
	[dreg:$0xd] =	wrdreg s23  }
0x15: {  	s4 =	sadd.s32 $0xD80, s3;
	s5 =	sadd.s32 $0xE00, s3;
	[dreg:$0xe] =	wrdreg s24  }
0x16: {  	s6 =	sadd.s32 $0xE80, s3;
	s7 =	sadd.s32 $0xF00, s3;
	[dreg:$0xf] =	wrdreg s25  }
0x17: {  	s8 =	sadd.s32 $0xF80, s3;
	[dreg:$0x10] =	wrdreg s26;
	s18 =	sadd.s32 $0x680, s3  }
0x18: {  	s19 =	sadd.s32 $0x700, s3;
	s20 =	sadd.s32 $0x780, s3;
	s21 =	sadd.s32 $0x800, s3  }
0x19: {  	s22 =	sadd.s32 $0x880, s3;
	s23 =	sadd.s32 $0x900, s3;
	s24 =	sadd.s32 $0x980, s3  }
0x1a: {  	v0 =	vlaneseq.u32;
	s25 =	smax.u32 s1, $0x1;
	s26 =	sadd.s32 $0xA00, s3;
	s1 =	sadd.s32 $0xC80, s3  }
.LBB2_1:
0x1b: {  	s13 =	rddreg [dreg:$0x3]  }
0x1c: {  	[tilespmem:s2], [sflag:$0x1] =	stream.linear.gather [hbm4b:s13+s2], $0x1000, $0x38;
	[tilespmem:$0xB000] =	vst v63  }
0x1d: {  	_ =	swait.ge [sflag:s9], $0x1000  }
0x1e: {  	s16 =	simm.s32 $0x0;
	[sflag:s9] =	ssyncset.done $0x0  }
0x1f: {  	s14 =	simm.s32 $0x10;
	v1 =	vor.u32 s16, v0;
	s15 =	rddreg [dreg:$0x4];
	[sflag:s9] =	ssyncadd.s32 $0xFFFFF000  }
0x20: {  	v2 =	vor.u32 s14, v0;
	[tilespmem:s10], [sflag:$0x1] =	stream.linear.gather [hbm4b:s15+s2], $0x2000, $0x38;
	[tilespmem:$0xB000] =	vst v63  }
0x21: {  	_ =	swait.ge [sflag:s9], $0x2000  }
0x22: {  	[sflag:s9] =	ssyncset.done $0x0  }
0x23: {  	[sflag:s9] =	ssyncadd.s32 $0xFFFFE000  }
0x24: {  	v10 =	vld.idx.msk [tilespmem:v1+s2+$0x0], $0xffff  }
0x25: {  	v5 =	vld.idx.msk [tilespmem:v2+s2+$0x0], $0xffff;
	_ =	sdelay $0x4  }
0x26: {  	s17 =	simm.s32 $0x0;
	s13 =	sand.u32 $0x60, s16  }
0x27: {  	s14 =	sand.u32 $0x70, s14;
	s16 =	sand.u32 $0xFFFFFC00, s17;
	v11 =	vor.u32 s13, v0;
	s15 =	simm.s32 $0x30  }
0x28: {  	v18 =	vor.u32 s14, v0;
	v9 =	vor.u32 s15, v0;
	v2 =	vor.u32 s16, v11;
	v1 =	vld.idx.msk [tilespmem:v10+s10+$0x0], $0xffff  }
0x29: {  	v4 =	vor.u32 s16, v18;
	v6 =	vadd.s32 $0x400, v10;
	v3 =	vld.idx.msk [tilespmem:v5+s10+$0x0], $0xffff  }
0x2a: {  	s17 =	simm.s32 $0x20;
	v7 =	vadd.s32 $0x400, v5  }
0x2b: {  	v8 =	vor.u32 s17, v0  }
0x2c: {  	v14 =	vmov s16  }
0x2d: {  	v13 =	vld.idx.msk [tilespmem:v9+s2+$0x0], $0xffff;
	[tilespmem:v2+s11+$0x0] =	vst.idx.msk $0xffff, v1;
	v1 =	vor.u32 $0x80, v14  }
0x2e: {  	[tilespmem:v4+s11+$0x0] =	vst.idx.msk $0xffff, v3;
	v2 =	vld.idx.msk [tilespmem:v6+s10+$0x0], $0xffff;
	v4 =	vor.u32 v11, v1  }
0x2f: {  	v6 =	vld.idx.msk [tilespmem:v7+s10+$0x0], $0xffff;
	v7 =	vadd.s32 $0x800, v10;
	v1 =	vor.u32 v1, v18  }
0x30: {  	v3 =	vld.idx.msk [tilespmem:v8+s2+$0x0], $0xffff;
	v8 =	vadd.s32 $0x800, v5;
	_ =	sdelay $0x2  }
0x31: {  	[tilespmem:v4+s11+$0x0] =	vst.idx.msk $0xffff, v2;
	v2 =	vor.u32 $0x100, v14  }
0x32: {  	[tilespmem:v1+s11+$0x0] =	vst.idx.msk $0xffff, v6;
	v4 =	vld.idx.msk [tilespmem:v7+s10+$0x0], $0xffff;
	v7 =	vor.u32 v11, v2  }
0x33: {  	s15 =	sand.u32 $0x70, s15;
	s16 =	sand.u32 $0x60, s17;
	s17 =	simm.s32 $0x100;
	v9 =	vadd.s32 $0xC00, v10;
	v6 =	vld.idx.msk [tilespmem:v8+s10+$0x0], $0xffff;
	v8 =	vor.u32 v2, v18  }
0x34: {  	s14 =	sand.u32 $0xFFFFFC00, s17;
	v1 =	vor.u32 s15, v0  }
0x35: {  	v12 =	vadd.s32 $0xC00, v5;
	v17 =	vld.idx.msk [tilespmem:v13+s10+$0x0], $0xffff;
	v2 =	vor.u32 s16, v0;
	v19 =	vor.u32 s14, v1  }
0x36: {  	v21 =	vadd.s32 $0x400, v13;
	v15 =	vld.idx.msk [tilespmem:v3+s10+$0x0], $0xffff;
	v16 =	vor.u32 s14, v2  }
0x37: {  	v20 =	vor.u32 $0x180, v14;
	s16 =	simm.s32 $0x40;
	[tilespmem:v7+s11+$0x0] =	vst.idx.msk $0xffff, v4;
	v7 =	vadd.s32 $0x400, v3  }
0x38: {  	v22 =	vor.u32 v11, v20;
	[tilespmem:v8+s11+$0x0] =	vst.idx.msk $0xffff, v6;
	v6 =	vor.u32 s16, v0;
	v9 =	vld.idx.msk [tilespmem:v9+s10+$0x0], $0xffff  }
0x39: {  	s17 =	simm.s32 $0x50;
	v23 =	vadd.s32 $0x1000, v10  }
0x3a: {  	v4 =	vmov s14;
	[tilespmem:v19+s11+$0x0] =	vst.idx.msk $0xffff, v17;
	v8 =	vld.idx.msk [tilespmem:v12+s10+$0x0], $0xffff;
	v12 =	vor.u32 s17, v0  }
0x3b: {  	[tilespmem:v16+s11+$0x0] =	vst.idx.msk $0xffff, v15;
	v15 =	vor.u32 $0x80, v4;
	v17 =	vld.idx.msk [tilespmem:v21+s10+$0x0], $0xffff  }
0x3c: {  	v16 =	vor.u32 v2, v15;
	v7 =	vld.idx.msk [tilespmem:v7+s10+$0x0], $0xffff  }
0x3d: {  	v21 =	vor.u32 $0x200, v14;
	v6 =	vld.idx.msk [tilespmem:v6+s2+$0x0], $0xffff;
	[tilespmem:v22+s11+$0x0] =	vst.idx.msk $0xffff, v9;
	v9 =	vor.u32 v15, v1;
	v15 =	vadd.s32 $0x800, v3  }
0x3e: {  	v22 =	vadd.s32 $0x800, v13;
	v19 =	vld.idx.msk [tilespmem:v23+s10+$0x0], $0xffff;
	v23 =	vor.u32 v11, v21  }
0x3f: {  	v20 =	vor.u32 v20, v18;
	v24 =	vadd.s32 $0x1400, v10;
	v25 =	vld.idx.msk [tilespmem:v12+s2+$0x0], $0xffff  }
0x40: {  	v12 =	vadd.s32 $0x1000, v5  }
0x41: {  	[tilespmem:v16+s11+$0x0] =	vst.idx.msk $0xffff, v7;
	v7 =	vor.u32 $0x100, v4  }
0x42: {  	v27 =	vadd.s32 $0x1800, v5;
	v15 =	vld.idx.msk [tilespmem:v15+s10+$0x0], $0xffff;
	[tilespmem:v9+s11+$0x0] =	vst.idx.msk $0xffff, v17;
	v17 =	vor.u32 v2, v7  }
0x43: {  	v26 =	vor.u32 v7, v1;
	v22 =	vld.idx.msk [tilespmem:v22+s10+$0x0], $0xffff;
	[tilespmem:v23+s11+$0x0] =	vst.idx.msk $0xffff, v19;
	v19 =	vadd.s32 $0xC00, v3;
	v23 =	vor.u32 $0x280, v14  }
0x44: {  	v29 =	vadd.s32 $0x1800, v10;
	v28 =	vadd.s32 $0xC00, v13;
	s14 =	sand.u32 $0x60, s16;
	s16 =	simm.s32 $0x200;
	[tilespmem:v20+s11+$0x0] =	vst.idx.msk $0xffff, v8;
	v8 =	vld.idx.msk [tilespmem:v24+s10+$0x0], $0xffff;
	v20 =	vor.u32 v11, v23  }
0x45: {  	s15 =	sand.u32 $0x70, s17;
	v21 =	vor.u32 v21, v18;
	v16 =	vadd.s32 $0x1400, v5;
	v7 =	vor.u32 s14, v0;
	s14 =	sand.u32 $0xFFFFFC00, s16;
	v24 =	vld.idx.msk [tilespmem:v12+s10+$0x0], $0xffff  }
0x46: {  	v9 =	vadd.s32 $0x1C00, v5;
	v5 =	vor.u32 s15, v0;
	v31 =	vor.u32 s14, v7;
	v30 =	vld.idx.msk [tilespmem:v6+s10+$0x0], $0xffff  }
0x47: {  	v35 =	vadd.s32 $0x1000, v13;
	v33 =	vor.u32 s14, v5;
	v32 =	vld.idx.msk [tilespmem:v25+s10+$0x0], $0xffff;
	[tilespmem:v17+s11+$0x0] =	vst.idx.msk $0xffff, v15;
	v17 =	vadd.s32 $0x400, v6  }
0x48: {  	v34 =	vor.u32 $0x180, v4;
	s17 =	simm.s32 $0x70;
	v41 =	vor.u32 $0x200, v4;
	v36 =	vadd.s32 $0x400, v25;
	v19 =	vld.idx.msk [tilespmem:v19+s10+$0x0], $0xffff;
	[tilespmem:v26+s11+$0x0] =	vst.idx.msk $0xffff, v22  }
0x49: {  	v56 =	vor.u32 s17, v0;
	v40 =	vadd.s32 $0x800, v6;
	v22 =	vor.u32 v2, v34;
	v26 =	vld.idx.msk [tilespmem:v28+s10+$0x0], $0xffff;
	[tilespmem:v20+s11+$0x0] =	vst.idx.msk $0xffff, v8  }
0x4a: {  	s13 =	simm.s32 $0x60;
	v20 =	vadd.s32 $0x1000, v3;
	[tilespmem:v21+s11+$0x0] =	vst.idx.msk $0xffff, v24;
	v21 =	vor.u32 v34, v1;
	v28 =	vor.u32 $0x300, v14;
	v24 =	vld.idx.msk [tilespmem:v29+s10+$0x0], $0xffff  }
0x4b: {  	v8 =	vmov s14;
	[tilespmem:v31+s11+$0x0] =	vst.idx.msk $0xffff, v30;
	v29 =	vor.u32 s13, v0;
	v37 =	vor.u32 v11, v28;
	v16 =	vld.idx.msk [tilespmem:v16+s10+$0x0], $0xffff  }
0x4c: {  	v30 =	vor.u32 v23, v18;
	v31 =	vadd.s32 $0x1C00, v10;
	[tilespmem:v33+s11+$0x0] =	vst.idx.msk $0xffff, v32;
	v38 =	vld.idx.msk [tilespmem:v17+s10+$0x0], $0xffff;
	v17 =	vor.u32 $0x80, v8  }
0x4d: {  	v57 =	vadd.s32 $0x800, v25;
	v12 =	vadd.s32 $0x1800, v13;
	v36 =	vld.idx.msk [tilespmem:v36+s10+$0x0], $0xffff;
	v58 =	vor.u32 v7, v17  }
0x4e: {  	v15 =	vadd.s32 $0x1400, v13;
	v10 =	vadd.s32 $0x1C00, v13;
	[tilespmem:v22+s11+$0x0] =	vst.idx.msk $0xffff, v19;
	v39 =	vor.u32 v17, v5;
	v17 =	vld.idx.msk [tilespmem:v56+s2+$0x0], $0xffff  }
0x4f: {  	v23 =	vor.u32 v28, v18;
	v20 =	vld.idx.msk [tilespmem:v20+s10+$0x0], $0xffff;
	[tilespmem:v21+s11+$0x0] =	vst.idx.msk $0xffff, v26;
	v21 =	vor.u32 v2, v41  }
0x50: {  	v63 =	vor.u32 $0x180, v8;
	v26 =	vor.u32 $0x380, v14;
	v13 =	vld.idx.msk [tilespmem:v29+s2+$0x0], $0xffff;
	[tilespmem:v37+s11+$0x0] =	vst.idx.msk $0xffff, v24;
	v24 =	vadd.s32 $0x1400, v3  }
0x51: {  	v34 =	vor.u32 v63, v5;
	[tilespmem:v30+s11+$0x0] =	vst.idx.msk $0xffff, v16;
	v29 =	vor.u32 v11, v26;
	v28 =	vld.idx.msk [tilespmem:v31+s10+$0x0], $0xffff  }
0x52: {  	v43 =	vadd.s32 $0xC00, v6;
	v59 =	vld.idx.msk [tilespmem:v35+s10+$0x0], $0xffff;
	v30 =	vor.u32 $0x100, v8;
	v31 =	vor.u32 v41, v1;
	[tilespmem:v58+s11+$0x0] =	vst.idx.msk $0xffff, v38  }
0x53: {  	v42 =	vadd.s32 $0xC00, v25;
	v22 =	vadd.s32 $0x1000, v25;
	v61 =	vor.u32 v7, v30;
	[tilespmem:v39+s11+$0x0] =	vst.idx.msk $0xffff, v36;
	v60 =	vld.idx.msk [tilespmem:v40+s10+$0x0], $0xffff  }
0x54: {  	v19 =	vadd.s32 $0x1400, v25;
	v62 =	vor.u32 v30, v5;
	v32 =	vld.idx.msk [tilespmem:v57+s10+$0x0], $0xffff;
	[tilespmem:v21+s11+$0x0] =	vst.idx.msk $0xffff, v20;
	v20 =	vor.u32 $0x280, v4  }
0x55: {  	v14 =	vadd.s32 $0x1C00, v25;
	v18 =	vor.u32 v26, v18;
	v44 =	vld.idx.msk [tilespmem:v24+s10+$0x0], $0xffff;
	v45 =	vor.u32 v2, v20  }
0x56: {  	s16 =	sand.u32 $0x70, s17;
	s17 =	simm.s32 $0x300;
	s13 =	sand.u32 $0x60, s13;
	v16 =	vadd.s32 $0x1800, v25;
	v35 =	vor.u32 v7, v63;
	v27 =	vld.idx.msk [tilespmem:v27+s10+$0x0], $0xffff;
	[tilespmem:v29+s11+$0x0] =	vst.idx.msk $0xffff, v28;
	v29 =	vadd.s32 $0x1800, v3  }
0x57: {  	v11 =	vor.u32 s16, v0;
	s16 =	sand.u32 $0xFFFFFC00, s17;
	v24 =	vor.u32 v20, v1;
	v20 =	vor.u32 s13, v0;
	[tilespmem:v31+s11+$0x0] =	vst.idx.msk $0xffff, v59;
	v37 =	vld.idx.msk [tilespmem:v17+s10+$0x0], $0xffff  }
0x58: {  	v30 =	vadd.s32 $0x400, v17;
	v26 =	vadd.s32 $0x800, v17;
	v39 =	vor.u32 s16, v20;
	v36 =	vld.idx.msk [tilespmem:v13+s10+$0x0], $0xffff;
	[tilespmem:v61+s11+$0x0] =	vst.idx.msk $0xffff, v60  }
0x59: {  	v33 =	vadd.s32 $0xC00, v17;
	v38 =	vor.u32 s16, v11;
	v40 =	vadd.s32 $0x400, v13;
	[tilespmem:v62+s11+$0x0] =	vst.idx.msk $0xffff, v32;
	v31 =	vld.idx.msk [tilespmem:v43+s10+$0x0], $0xffff  }
0x5a: {  	s14 =	simm.s32 $0x90;
	v25 =	vadd.s32 $0x1000, v17;
	v21 =	vadd.s32 $0x1800, v17;
	s13 =	simm.s32 $0x6;
	v28 =	vadd.s32 $0x1400, v17;
	v32 =	vld.idx.msk [tilespmem:v42+s10+$0x0], $0xffff;
	[tilespmem:v45+s11+$0x0] =	vst.idx.msk $0xffff, v44  }
.LBB2_2:
0x5b: {  	s15 =	sadd.s32 $0xFFFFFFF0, s14;
	v41 =	vor.u32 s14, v0;
	s17 =	sand.u32 $0x70, s14;
	v42 =	vadd.s32 $0x1000, v6;
	v29 =	vld.idx.msk [tilespmem:v29+s10+$0x0], $0xffff;
	v43 =	vor.u32 $0x300, v4;
	[tilespmem:v23+s11+$0x0] =	vst.idx.msk $0xffff, v27;
	v44 =	vmovc v33  }
0x5c: {  	v27 =	vor.u32 s15, v0;
	v33 =	vor.u32 s17, v0;
	v45 =	vor.u32 v2, v43;
	v46 =	vld.idx.msk [tilespmem:v15+s10+$0x0], $0xffff;
	v15 =	vmovc v19;
	v19 =	vmovc v28  }
0x5d: {  	v28 =	vmov s16;
	v23 =	vor.u32 v43, v1;
	[tilespmem:v39+s11+$0x0] =	vst.idx.msk $0xffff, v36;
	v36 =	vadd.s32 $0x1C00, v3;
	v39 =	vld.idx.msk [tilespmem:v9+s10+$0x0], $0xffff;
	v9 =	vmovc v10  }
0x5e: {  	v43 =	vor.u32 $0x80, v28;
	v10 =	vmovc v14;
	v14 =	vadd.s32 $0x1C00, v17;
	v3 =	vmov v6;
	v40 =	vld.idx.msk [tilespmem:v40+s10+$0x0], $0xffff;
	[tilespmem:v38+s11+$0x0] =	vst.idx.msk $0xffff, v37  }
0x5f: {  	v37 =	vor.u32 v20, v43;
	v38 =	vor.u32 v43, v11;
	v30 =	vld.idx.msk [tilespmem:v30+s10+$0x0], $0xffff;
	[tilespmem:v35+s11+$0x0] =	vst.idx.msk $0xffff, v31  }
0x60: {  	v17 =	vor.u32 $0x200, v8;
	v6 =	vmov v13;
	v31 =	vadd.s32 $0x800, v13;
	v35 =	vld.idx.msk [tilespmem:v42+s10+$0x0], $0xffff;
	[tilespmem:v34+s11+$0x0] =	vst.idx.msk $0xffff, v32  }
0x61: {  	v32 =	vor.u32 v17, v5;
	v13 =	vld.idx.msk [tilespmem:v27+s2+$0x0], $0xffff;
	v27 =	vor.u32 v7, v17;
	[tilespmem:v45+s11+$0x0] =	vst.idx.msk $0xffff, v29  }
0x62: {  	v29 =	vadd.s32 $0x1400, v3;
	v34 =	vld.idx.msk [tilespmem:v36+s10+$0x0], $0xffff;
	v36 =	vor.u32 $0x380, v4;
	[tilespmem:v24+s11+$0x0] =	vst.idx.msk $0xffff, v46;
	v4 =	vmovc v8;
	v8 =	vmov v28  }
0x63: {  	v17 =	vld.idx.msk [tilespmem:v41+s2+$0x0], $0xffff;
	v28 =	vor.u32 v2, v36;
	[tilespmem:v18+s11+$0x0] =	vst.idx.msk $0xffff, v39;
	v18 =	vor.u32 v36, v1  }
0x64: {  	v1 =	vmovc v5;
	v5 =	vmov v11;
	v11 =	vmov v33;
	v2 =	vmov v7;
	[tilespmem:v37+s11+$0x0] =	vst.idx.msk $0xffff, v40;
	v37 =	vld.idx.msk [tilespmem:v22+s10+$0x0], $0xffff  }
0x65: {  	v24 =	vor.u32 $0x100, v8;
	v7 =	vmov v20;
	v22 =	vmov v25;
	v31 =	vld.idx.msk [tilespmem:v31+s10+$0x0], $0xffff;
	[tilespmem:v38+s11+$0x0] =	vst.idx.msk $0xffff, v30  }
0x66: {  	v40 =	vor.u32 v7, v24;
	v42 =	vor.u32 v24, v5;
	v41 =	vld.idx.msk [tilespmem:v26+s10+$0x0], $0xffff;
	[tilespmem:v27+s11+$0x0] =	vst.idx.msk $0xffff, v35  }
0x67: {  	s13 =	sadd.s32 $0x2, s13;
	v20 =	vor.u32 $0x280, v4;
	v35 =	vadd.s32 $0xC00, v6;
	v43 =	vld.idx.msk [tilespmem:v29+s10+$0x0], $0xffff  }
0x68: {  	p0 =	slt.u32 s13, $0xFE;
	v45 =	vor.u32 v2, v20;
	v24 =	vor.u32 v20, v1;
	[tilespmem:v28+s11+$0x0] =	vst.idx.msk $0xffff, v34;
	v27 =	vld.idx.msk [tilespmem:v12+s10+$0x0], $0xffff  }
.Ltmp0:
0x69: {  	s15 =	sand.u32 $0x60, s15;
	s16 =	sshll.u32 s13, $0x7;
	v29 =	vadd.s32 $0x1800, v3;
	v30 =	vadd.s32 $0x400, v17;
	v26 =	vadd.s32 $0x800, v17;
	(pc) =	sbr.rel @p0 .LBB2_2-.Ltmp0, $4  }
0x6a: {  	s16 =	sand.u32 $0xFFFFFC00, s16;
	v20 =	vor.u32 s15, v0;
	v33 =	vadd.s32 $0xC00, v17;
	v25 =	vadd.s32 $0x1000, v17;
	v12 =	vmovc v16;
	v36 =	vld.idx.msk [tilespmem:v13+s10+$0x0], $0xffff;
	[tilespmem:v32+s11+$0x0] =	vst.idx.msk $0xffff, v37  }
0x6b: {  	v39 =	vor.u32 s16, v20;
	v38 =	vor.u32 s16, v11;
	v28 =	vadd.s32 $0x1400, v17;
	v16 =	vmovc v21;
	v37 =	vld.idx.msk [tilespmem:v17+s10+$0x0], $0xffff;
	[tilespmem:v40+s11+$0x0] =	vst.idx.msk $0xffff, v31  }
0x6c: {  	v21 =	vadd.s32 $0x1800, v17;
	v34 =	vor.u32 $0x180, v8;
	v40 =	vadd.s32 $0x400, v13;
	v31 =	vld.idx.msk [tilespmem:v35+s10+$0x0], $0xffff;
	[tilespmem:v42+s11+$0x0] =	vst.idx.msk $0xffff, v41  }
0x6d: {  	s14 =	sadd.s32 $0x20, s14;
	v35 =	vor.u32 v7, v34;
	v34 =	vor.u32 v34, v5;
	v32 =	vld.idx.msk [tilespmem:v44+s10+$0x0], $0xffff;
	[tilespmem:v45+s11+$0x0] =	vst.idx.msk $0xffff, v43  }
0x6e: {  	_ =	sdelay $0x2  }
0x6f: {  	v41 =	vmov s16  }
0x70: {  	[tilespmem:v39+s11+$0x0] =	vst.idx.msk $0xffff, v36;
	v42 =	vor.u32 $0x80, v41  }
0x71: {  	v39 =	vld.idx.msk [tilespmem:v40+s10+$0x0], $0xffff;
	[tilespmem:v38+s11+$0x0] =	vst.idx.msk $0xffff, v37;
	v43 =	vor.u32 v20, v42  }
0x72: {  	v44 =	vadd.s32 $0x800, v13;
	v36 =	vor.u32 v42, v11;
	v30 =	vld.idx.msk [tilespmem:v30+s10+$0x0], $0xffff;
	_ =	sdelay $0x3  }
0x73: {  	v45 =	vor.u32 $0x100, v41;
	[tilespmem:v43+s11+$0x0] =	vst.idx.msk $0xffff, v39  }
0x74: {  	v46 =	vor.u32 v20, v45;
	v38 =	vld.idx.msk [tilespmem:v44+s10+$0x0], $0xffff;
	[tilespmem:v36+s11+$0x0] =	vst.idx.msk $0xffff, v30  }
0x75: {  	v48 =	vadd.s32 $0xC00, v13;
	v47 =	vor.u32 v45, v11;
	v26 =	vld.idx.msk [tilespmem:v26+s10+$0x0], $0xffff;
	_ =	sdelay $0x3  }
0x76: {  	v50 =	vor.u32 $0x180, v41;
	[tilespmem:v46+s11+$0x0] =	vst.idx.msk $0xffff, v38  }
0x77: {  	v49 =	vadd.s32 $0x1000, v6;
	v51 =	vor.u32 v20, v50;
	v37 =	vld.idx.msk [tilespmem:v48+s10+$0x0], $0xffff;
	[tilespmem:v47+s11+$0x0] =	vst.idx.msk $0xffff, v26  }
0x78: {  	v52 =	vadd.s32 $0x1000, v13;
	v30 =	vor.u32 v50, v11;
	v33 =	vld.idx.msk [tilespmem:v33+s10+$0x0], $0xffff  }
0x79: {  	v53 =	vor.u32 $0x200, v8;
	[tilespmem:v34+s11+$0x0] =	vst.idx.msk $0xffff, v32  }
0x7a: {  	[tilespmem:v35+s11+$0x0] =	vst.idx.msk $0xffff, v31;
	v31 =	vor.u32 v53, v5;
	v22 =	vld.idx.msk [tilespmem:v22+s10+$0x0], $0xffff;
	_ =	sdelay $0x1  }
0x7b: {  	v54 =	vor.u32 v7, v53;
	v56 =	vor.u32 $0x200, v41;
	v35 =	vld.idx.msk [tilespmem:v49+s10+$0x0], $0xffff;
	[tilespmem:v51+s11+$0x0] =	vst.idx.msk $0xffff, v37  }
0x7c: {  	v55 =	vadd.s32 $0x1400, v6;
	v57 =	vor.u32 v20, v56;
	v36 =	vld.idx.msk [tilespmem:v52+s10+$0x0], $0xffff;
	[tilespmem:v30+s11+$0x0] =	vst.idx.msk $0xffff, v33  }
0x7d: {  	v59 =	vadd.s32 $0x1400, v13;
	v26 =	vor.u32 v56, v11;
	v25 =	vld.idx.msk [tilespmem:v25+s10+$0x0], $0xffff  }
0x7e: {  	v15 =	vld.idx.msk [tilespmem:v15+s10+$0x0], $0xffff;
	v61 =	vor.u32 $0x280, v8;
	[tilespmem:v31+s11+$0x0] =	vst.idx.msk $0xffff, v22  }
0x7f: {  	v58 =	vor.u32 $0x300, v4;
	[tilespmem:v23+s11+$0x0] =	vst.idx.msk $0xffff, v27;
	v63 =	vor.u32 v61, v5;
	v19 =	vld.idx.msk [tilespmem:v19+s10+$0x0], $0xffff  }
0x80: {  	v29 =	vld.idx.msk [tilespmem:v29+s10+$0x0], $0xffff;
	v60 =	vor.u32 v2, v58;
	[tilespmem:v54+s11+$0x0] =	vst.idx.msk $0xffff, v35  }
0x81: {  	v62 =	vor.u32 v7, v61;
	v39 =	vor.u32 $0x280, v41;
	v32 =	vld.idx.msk [tilespmem:v55+s10+$0x0], $0xffff;
	[tilespmem:v57+s11+$0x0] =	vst.idx.msk $0xffff, v36  }
0x82: {  	v42 =	vor.u32 v20, v39;
	v38 =	vadd.s32 $0x1800, v6;
	v40 =	vld.idx.msk [tilespmem:v59+s10+$0x0], $0xffff;
	[tilespmem:v26+s11+$0x0] =	vst.idx.msk $0xffff, v25  }
0x83: {  	[tilespmem:v24+s11+$0x0] =	vst.idx.msk $0xffff, v15;
	v43 =	vor.u32 v39, v11;
	v44 =	vadd.s32 $0x1800, v13;
	v26 =	vld.idx.msk [tilespmem:v28+s10+$0x0], $0xffff  }
0x84: {  	v9 =	vld.idx.msk [tilespmem:v9+s10+$0x0], $0xffff;
	v46 =	vor.u32 $0x300, v8;
	[tilespmem:v63+s11+$0x0] =	vst.idx.msk $0xffff, v19  }
0x85: {  	v3 =	vadd.s32 $0x1C00, v3;
	[tilespmem:v60+s11+$0x0] =	vst.idx.msk $0xffff, v29;
	v49 =	vor.u32 v46, v5;
	v16 =	vld.idx.msk [tilespmem:v16+s10+$0x0], $0xffff  }
0x86: {  	v45 =	vor.u32 v58, v1;
	v12 =	vld.idx.msk [tilespmem:v12+s10+$0x0], $0xffff;
	[tilespmem:v62+s11+$0x0] =	vst.idx.msk $0xffff, v32  }
0x87: {  	v50 =	vor.u32 $0x300, v41;
	v47 =	vor.u32 v7, v46;
	v27 =	vld.idx.msk [tilespmem:v38+s10+$0x0], $0xffff;
	[tilespmem:v42+s11+$0x0] =	vst.idx.msk $0xffff, v40  }
0x88: {  	v48 =	vadd.s32 $0x1C00, v6;
	v52 =	vor.u32 v20, v50;
	v51 =	vld.idx.msk [tilespmem:v44+s10+$0x0], $0xffff;
	[tilespmem:v43+s11+$0x0] =	vst.idx.msk $0xffff, v26  }
0x89: {  	v53 =	vor.u32 $0x380, v4;
	[tilespmem:v18+s11+$0x0] =	vst.idx.msk $0xffff, v9;
	v54 =	vadd.s32 $0x1C00, v13;
	v55 =	vor.u32 v50, v11;
	v56 =	vld.idx.msk [tilespmem:v21+s10+$0x0], $0xffff  }
0x8a: {  	v17 =	vadd.s32 $0x1C00, v17;
	v58 =	vor.u32 $0x380, v8;
	v2 =	vor.u32 v2, v53;
	v3 =	vld.idx.msk [tilespmem:v3+s10+$0x0], $0xffff;
	[tilespmem:v49+s11+$0x0] =	vst.idx.msk $0xffff, v16  }
0x8b: {  	v60 =	vor.u32 v58, v5;
	[tilespmem:v45+s11+$0x0] =	vst.idx.msk $0xffff, v12;
	v61 =	vld.idx.msk [tilespmem:v14+s10+$0x0], $0xffff  }
0x8c: {  	v1 =	vor.u32 v53, v1;
	[tilespmem:v47+s11+$0x0] =	vst.idx.msk $0xffff, v27;
	v57 =	vld.idx.msk [tilespmem:v10+s10+$0x0], $0xffff  }
0x8d: {  	v62 =	vor.u32 $0x380, v41;
	v6 =	vld.idx.msk [tilespmem:v48+s10+$0x0], $0xffff;
	v59 =	vor.u32 v7, v58;
	[tilespmem:v52+s11+$0x0] =	vst.idx.msk $0xffff, v51  }
0x8e: {  	v63 =	vor.u32 v20, v62;
	v9 =	vld.idx.msk [tilespmem:v54+s10+$0x0], $0xffff;
	[tilespmem:v55+s11+$0x0] =	vst.idx.msk $0xffff, v56  }
0x8f: {  	[tilespmem:v2+s11+$0x0] =	vst.idx.msk $0xffff, v3;
	v2 =	vor.u32 v62, v11;
	v3 =	vld.idx.msk [tilespmem:v17+s10+$0x0], $0xffff  }
0x90: {  	[tilespmem:v60+s11+$0x0] =	vst.idx.msk $0xffff, v61  }
0x91: {  	[tilespmem:v1+s11+$0x0] =	vst.idx.msk $0xffff, v57  }
0x92: {  	[tilespmem:v59+s11+$0x0] =	vst.idx.msk $0xffff, v6  }
0x93: {  	[tilespmem:v63+s11+$0x0] =	vst.idx.msk $0xffff, v9  }
0x94: {  	[tilespmem:v2+s11+$0x0] =	vst.idx.msk $0xffff, v3  }
0x95: {  	[hbm4b:s3+s2] =	stream.linear.scatter [tilespmem:s11], [sflag:$0x1], $0x400, $0x38;
	[tilespmem:$0xB000] =	vst v63  }
0x96: {  	_ =	swait.ge [sflag:s9], $0x400  }
0x97: {  	[sflag:s9] =	ssyncset.done $0x0  }
0x98: {  	s14 =	simm.s32 $0x3400;
	s13 =	rddreg [dreg:$0x5];
	[sflag:s9] =	ssyncadd.s32 $0xFFFFFC00  }
0x99: {  	[hbm4b:s13+s2] =	stream.linear.scatter [tilespmem:s14], [sflag:$0x1], $0x400, $0x38;
	[tilespmem:$0xB000] =	vst v63  }
0x9a: {  	_ =	swait.ge [sflag:s9], $0x400  }
0x9b: {  	[sflag:s9] =	ssyncset.done $0x0  }
0x9c: {  	s17 =	simm.s32 $0x3800;
	s16 =	rddreg [dreg:$0x6];
	[sflag:s9] =	ssyncadd.s32 $0xFFFFFC00  }
0x9d: {  	[hbm4b:s16+s2] =	stream.linear.scatter [tilespmem:s17], [sflag:$0x1], $0x400, $0x38;
	[tilespmem:$0xB000] =	vst v63  }
0x9e: {  	_ =	swait.ge [sflag:s9], $0x400  }
0x9f: {  	[sflag:s9] =	ssyncset.done $0x0  }
0xa0: {  	s15 =	simm.s32 $0x3C00;
	s14 =	rddreg [dreg:$0x7];
	[sflag:s9] =	ssyncadd.s32 $0xFFFFFC00  }
0xa1: {  	[hbm4b:s14+s2] =	stream.linear.scatter [tilespmem:s15], [sflag:$0x1], $0x400, $0x38;
	[tilespmem:$0xB000] =	vst v63  }
0xa2: {  	_ =	swait.ge [sflag:s9], $0x400  }
0xa3: {  	[sflag:s9] =	ssyncset.done $0x0  }
0xa4: {  	s17 =	simm.s32 $0x4000;
	s16 =	rddreg [dreg:$0x8];
	[sflag:s9] =	ssyncadd.s32 $0xFFFFFC00  }
0xa5: {  	[hbm4b:s16+s2] =	stream.linear.scatter [tilespmem:s17], [sflag:$0x1], $0x400, $0x38;
	[tilespmem:$0xB000] =	vst v63  }
0xa6: {  	_ =	swait.ge [sflag:s9], $0x400  }
0xa7: {  	[sflag:s9] =	ssyncset.done $0x0  }
0xa8: {  	s15 =	simm.s32 $0x4400;
	s14 =	rddreg [dreg:$0x9];
	[sflag:s9] =	ssyncadd.s32 $0xFFFFFC00  }
0xa9: {  	[hbm4b:s14+s2] =	stream.linear.scatter [tilespmem:s15], [sflag:$0x1], $0x400, $0x38;
	[tilespmem:$0xB000] =	vst v63  }
0xaa: {  	_ =	swait.ge [sflag:s9], $0x400  }
0xab: {  	[sflag:s9] =	ssyncset.done $0x0  }
0xac: {  	s17 =	simm.s32 $0x4800;
	s16 =	rddreg [dreg:$0xa];
	[sflag:s9] =	ssyncadd.s32 $0xFFFFFC00  }
0xad: {  	[hbm4b:s16+s2] =	stream.linear.scatter [tilespmem:s17], [sflag:$0x1], $0x400, $0x38;
	[tilespmem:$0xB000] =	vst v63  }
0xae: {  	_ =	swait.ge [sflag:s9], $0x400  }
0xaf: {  	[sflag:s9] =	ssyncset.done $0x0  }
0xb0: {  	s15 =	simm.s32 $0x4C00;
	s14 =	rddreg [dreg:$0xb];
	[sflag:s9] =	ssyncadd.s32 $0xFFFFFC00  }
0xb1: {  	[hbm4b:s14+s2] =	stream.linear.scatter [tilespmem:s15], [sflag:$0x1], $0x400, $0x38;
	[tilespmem:$0xB000] =	vst v63  }
0xb2: {  	_ =	swait.ge [sflag:s9], $0x400  }
0xb3: {  	[sflag:s9] =	ssyncset.done $0x0  }
0xb4: {  	s17 =	simm.s32 $0x5000;
	s16 =	rddreg [dreg:$0xc];
	[sflag:s9] =	ssyncadd.s32 $0xFFFFFC00  }
0xb5: {  	[hbm4b:s16+s2] =	stream.linear.scatter [tilespmem:s17], [sflag:$0x1], $0x400, $0x38;
	[tilespmem:$0xB000] =	vst v63  }
0xb6: {  	_ =	swait.ge [sflag:s9], $0x400  }
0xb7: {  	[sflag:s9] =	ssyncset.done $0x0  }
0xb8: {  	s15 =	simm.s32 $0x5400;
	s14 =	rddreg [dreg:$0xd];
	[sflag:s9] =	ssyncadd.s32 $0xFFFFFC00  }
0xb9: {  	[hbm4b:s14+s2] =	stream.linear.scatter [tilespmem:s15], [sflag:$0x1], $0x400, $0x38;
	[tilespmem:$0xB000] =	vst v63  }
0xba: {  	_ =	swait.ge [sflag:s9], $0x400  }
0xbb: {  	[sflag:s9] =	ssyncset.done $0x0  }
0xbc: {  	s17 =	simm.s32 $0x5800;
	s16 =	rddreg [dreg:$0xe];
	[sflag:s9] =	ssyncadd.s32 $0xFFFFFC00  }
0xbd: {  	[hbm4b:s16+s2] =	stream.linear.scatter [tilespmem:s17], [sflag:$0x1], $0x400, $0x38;
	[tilespmem:$0xB000] =	vst v63  }
0xbe: {  	_ =	swait.ge [sflag:s9], $0x400  }
0xbf: {  	[sflag:s9] =	ssyncset.done $0x0  }
0xc0: {  	s15 =	simm.s32 $0x5C00;
	s14 =	rddreg [dreg:$0xf];
	[sflag:s9] =	ssyncadd.s32 $0xFFFFFC00  }
0xc1: {  	[hbm4b:s14+s2] =	stream.linear.scatter [tilespmem:s15], [sflag:$0x1], $0x400, $0x38;
	[tilespmem:$0xB000] =	vst v63  }
0xc2: {  	_ =	swait.ge [sflag:s9], $0x400  }
0xc3: {  	[sflag:s9] =	ssyncset.done $0x0  }
0xc4: {  	s17 =	simm.s32 $0x6000;
	s16 =	rddreg [dreg:$0x10];
	[sflag:s9] =	ssyncadd.s32 $0xFFFFFC00  }
0xc5: {  	[hbm4b:s16+s2] =	stream.linear.scatter [tilespmem:s17], [sflag:$0x1], $0x400, $0x38;
	[tilespmem:$0xB000] =	vst v63  }
0xc6: {  	_ =	swait.ge [sflag:s9], $0x400  }
0xc7: {  	[sflag:s9] =	ssyncset.done $0x0  }
0xc8: {  	s15 =	simm.s32 $0x6400;
	[sflag:s9] =	ssyncadd.s32 $0xFFFFFC00  }
0xc9: {  	[hbm4b:s18+s2] =	stream.linear.scatter [tilespmem:s15], [sflag:$0x1], $0x400, $0x38;
	[tilespmem:$0xB000] =	vst v63  }
0xca: {  	_ =	swait.ge [sflag:s9], $0x400  }
0xcb: {  	[sflag:s9] =	ssyncset.done $0x0  }
0xcc: {  	s16 =	simm.s32 $0x6800;
	[sflag:s9] =	ssyncadd.s32 $0xFFFFFC00  }
0xcd: {  	[hbm4b:s19+s2] =	stream.linear.scatter [tilespmem:s16], [sflag:$0x1], $0x400, $0x38;
	[tilespmem:$0xB000] =	vst v63  }
0xce: {  	_ =	swait.ge [sflag:s9], $0x400  }
0xcf: {  	[sflag:s9] =	ssyncset.done $0x0  }
0xd0: {  	s17 =	simm.s32 $0x6C00;
	[sflag:s9] =	ssyncadd.s32 $0xFFFFFC00  }
0xd1: {  	[hbm4b:s20+s2] =	stream.linear.scatter [tilespmem:s17], [sflag:$0x1], $0x400, $0x38;
	[tilespmem:$0xB000] =	vst v63  }
0xd2: {  	_ =	swait.ge [sflag:s9], $0x400  }
0xd3: {  	[sflag:s9] =	ssyncset.done $0x0  }
0xd4: {  	s14 =	simm.s32 $0x7000;
	[sflag:s9] =	ssyncadd.s32 $0xFFFFFC00  }
0xd5: {  	[hbm4b:s21+s2] =	stream.linear.scatter [tilespmem:s14], [sflag:$0x1], $0x400, $0x38;
	[tilespmem:$0xB000] =	vst v63  }
0xd6: {  	_ =	swait.ge [sflag:s9], $0x400  }
0xd7: {  	[sflag:s9] =	ssyncset.done $0x0  }
0xd8: {  	s15 =	simm.s32 $0x7400;
	[sflag:s9] =	ssyncadd.s32 $0xFFFFFC00  }
0xd9: {  	[hbm4b:s22+s2] =	stream.linear.scatter [tilespmem:s15], [sflag:$0x1], $0x400, $0x38;
	[tilespmem:$0xB000] =	vst v63  }
0xda: {  	_ =	swait.ge [sflag:s9], $0x400  }
0xdb: {  	[sflag:s9] =	ssyncset.done $0x0  }
0xdc: {  	s16 =	simm.s32 $0x7800;
	[sflag:s9] =	ssyncadd.s32 $0xFFFFFC00  }
0xdd: {  	[hbm4b:s23+s2] =	stream.linear.scatter [tilespmem:s16], [sflag:$0x1], $0x400, $0x38;
	[tilespmem:$0xB000] =	vst v63  }
0xde: {  	_ =	swait.ge [sflag:s9], $0x400  }
0xdf: {  	[sflag:s9] =	ssyncset.done $0x0  }
0xe0: {  	s17 =	simm.s32 $0x7C00;
	[sflag:s9] =	ssyncadd.s32 $0xFFFFFC00  }
0xe1: {  	[hbm4b:s24+s2] =	stream.linear.scatter [tilespmem:s17], [sflag:$0x1], $0x400, $0x38;
	[tilespmem:$0xB000] =	vst v63  }
0xe2: {  	_ =	swait.ge [sflag:s9], $0x400  }
0xe3: {  	[sflag:s9] =	ssyncset.done $0x0  }
0xe4: {  	s14 =	simm.s32 $0x8000;
	[sflag:s9] =	ssyncadd.s32 $0xFFFFFC00  }
0xe5: {  	[hbm4b:s26+s2] =	stream.linear.scatter [tilespmem:s14], [sflag:$0x1], $0x400, $0x38;
	[tilespmem:$0xB000] =	vst v63  }
0xe6: {  	_ =	swait.ge [sflag:s9], $0x400  }
0xe7: {  	[sflag:s9] =	ssyncset.done $0x0  }
0xe8: {  	s15 =	simm.s32 $0x8400;
	[sflag:s9] =	ssyncadd.s32 $0xFFFFFC00  }
0xe9: {  	[hbm4b:s28+s2] =	stream.linear.scatter [tilespmem:s15], [sflag:$0x1], $0x400, $0x38;
	[tilespmem:$0xB000] =	vst v63  }
0xea: {  	_ =	swait.ge [sflag:s9], $0x400  }
0xeb: {  	[sflag:s9] =	ssyncset.done $0x0  }
0xec: {  	s16 =	simm.s32 $0x8800;
	[sflag:s9] =	ssyncadd.s32 $0xFFFFFC00  }
0xed: {  	[hbm4b:s29+s2] =	stream.linear.scatter [tilespmem:s16], [sflag:$0x1], $0x400, $0x38;
	[tilespmem:$0xB000] =	vst v63  }
0xee: {  	_ =	swait.ge [sflag:s9], $0x400  }
0xef: {  	[sflag:s9] =	ssyncset.done $0x0  }
0xf0: {  	s17 =	simm.s32 $0x8C00;
	[sflag:s9] =	ssyncadd.s32 $0xFFFFFC00  }
0xf1: {  	[hbm4b:s30+s2] =	stream.linear.scatter [tilespmem:s17], [sflag:$0x1], $0x400, $0x38;
	[tilespmem:$0xB000] =	vst v63  }
0xf2: {  	_ =	swait.ge [sflag:s9], $0x400  }
0xf3: {  	[sflag:s9] =	ssyncset.done $0x0  }
0xf4: {  	s14 =	simm.s32 $0x9000;
	[sflag:s9] =	ssyncadd.s32 $0xFFFFFC00  }
0xf5: {  	[hbm4b:s31+s2] =	stream.linear.scatter [tilespmem:s14], [sflag:$0x1], $0x400, $0x38;
	[tilespmem:$0xB000] =	vst v63  }
0xf6: {  	_ =	swait.ge [sflag:s9], $0x400  }
0xf7: {  	[sflag:s9] =	ssyncset.done $0x0  }
0xf8: {  	s15 =	simm.s32 $0x9400;
	[sflag:s9] =	ssyncadd.s32 $0xFFFFFC00  }
0xf9: {  	[hbm4b:s1+s2] =	stream.linear.scatter [tilespmem:s15], [sflag:$0x1], $0x400, $0x38;
	[tilespmem:$0xB000] =	vst v63  }
0xfa: {  	_ =	swait.ge [sflag:s9], $0x400  }
0xfb: {  	[sflag:s9] =	ssyncset.done $0x0  }
0xfc: {  	s16 =	simm.s32 $0x9800;
	[sflag:s9] =	ssyncadd.s32 $0xFFFFFC00  }
0xfd: {  	[hbm4b:s0+s2] =	stream.linear.scatter [tilespmem:s16], [sflag:$0x1], $0x400, $0x38;
	[tilespmem:$0xB000] =	vst v63  }
0xfe: {  	_ =	swait.ge [sflag:s9], $0x400  }
0xff: {  	[sflag:s9] =	ssyncset.done $0x0  }
0x100: {  	s17 =	simm.s32 $0x9C00;
	[sflag:s9] =	ssyncadd.s32 $0xFFFFFC00  }
0x101: {  	[hbm4b:s4+s2] =	stream.linear.scatter [tilespmem:s17], [sflag:$0x1], $0x400, $0x38;
	[tilespmem:$0xB000] =	vst v63  }
0x102: {  	_ =	swait.ge [sflag:s9], $0x400  }
0x103: {  	[sflag:s9] =	ssyncset.done $0x0  }
0x104: {  	s14 =	simm.s32 $0xA000;
	[sflag:s9] =	ssyncadd.s32 $0xFFFFFC00  }
0x105: {  	[hbm4b:s5+s2] =	stream.linear.scatter [tilespmem:s14], [sflag:$0x1], $0x400, $0x38;
	[tilespmem:$0xB000] =	vst v63  }
0x106: {  	_ =	swait.ge [sflag:s9], $0x400  }
0x107: {  	[sflag:s9] =	ssyncset.done $0x0  }
0x108: {  	s15 =	simm.s32 $0xA400;
	[sflag:s9] =	ssyncadd.s32 $0xFFFFFC00  }
0x109: {  	[hbm4b:s6+s2] =	stream.linear.scatter [tilespmem:s15], [sflag:$0x1], $0x400, $0x38;
	[tilespmem:$0xB000] =	vst v63  }
0x10a: {  	_ =	swait.ge [sflag:s9], $0x400  }
0x10b: {  	[sflag:s9] =	ssyncset.done $0x0  }
0x10c: {  	s16 =	simm.s32 $0xA800;
	[sflag:s9] =	ssyncadd.s32 $0xFFFFFC00  }
0x10d: {  	[hbm4b:s7+s2] =	stream.linear.scatter [tilespmem:s16], [sflag:$0x1], $0x400, $0x38;
	[tilespmem:$0xB000] =	vst v63  }
0x10e: {  	s12 =	sadd.s32 $0x1, s12;
	_ =	swait.ge [sflag:s9], $0x400  }
0x10f: {  	p0 =	sne.s32 s12, s25;
	[sflag:s9] =	ssyncset.done $0x0  }
.Ltmp1:
0x110: {  	s17 =	simm.s32 $0xAC00;
	[sflag:s9] =	ssyncadd.s32 $0xFFFFFC00;
	(pc) =	sbr.rel @p0 .LBB2_1-.Ltmp1, $4  }
0x111: {  	[hbm4b:s8+s2] =	stream.linear.scatter [tilespmem:s17], [sflag:$0x1], $0x400, $0x38;
	[tilespmem:$0xB000] =	vst v63  }
0x112: {  	_ =	swait.ge [sflag:s9], $0x400  }
0x113: {  	[sflag:s9] =	ssyncset.done $0x0  }
0x114: {  	[sflag:s9] =	ssyncadd.s32 $0xFFFFFC00  }
0x115: {  	_ =	sfence.sel $0x180000  }
0x116: {  	[bflag:$0x0] =	sbarrier.arrive $0xFFFF  }
0x117: {  	_ =	strace $0x90000047  }
0x118: {  	s0 =	stileid.u32;
	[bflag:$0x2] =	sbarrier.arrive $0xFFFF  }
0x119: {  	p0 =	sne.s32 s0, $0x0;
	s0 =	rddreg [dreg:$0x2]  }
0x11a: {  	s0 =	sadd.s32 @!p0 $0x100000, s0  }
0x11b: {  	[sflag:s0] =	ssyncadd.tile.s32 @!p0 $0x1;
	_ =	shalt  }
.Lfunc_end2:
_tile_overlayer_lowered:
.L_overlay_start_2:
0x11c: {  	(tag) =	ssettag $0x2  }
0x11d: {  	s0 =	rddreg [dreg:$0x0];
	s2 =	stileid.u32  }
0x11e: {  	s1 =	rddreg [dreg:$0x1];
	p0 =	sne.s32 s2, $0x0  }
0x11f: {  	s3 =	rddreg [dreg:$0x2];
	[bflag:$0x3] =	sbarrier.arrive $0xFFFF;
	s2 =	simm.s32 @!p0 $0x1C01  }
0x120: {  	[timem:s3], [sflag:s2] =	dma.local @!p0 [hbm:s0], s1  }
0x121: {  	s0 =	simm.s32 @!p0 $0x1  }
0x122: {  	_ =	swait.ge @!p0 [sflag:s0], s1  }
0x123: {  	s1 =	ssub.s32 @!p0 $0x0, s1;
	[sflag:s0] =	ssyncset.done @!p0 $0x0  }
0x124: {  	[sflag:s0] =	ssyncadd.s32 @!p0 s1  }
0x125: {  	[bflag:$0x3] =	sbarrier.arrive $0xFFFF  }
0x126: {  	_ =	shalt  }

</sc_bundles>
